<compile_context>
chip_gen: v7x
topology: tpu7x:2x2x1
jax: 0.10.2.dev20260603
libtpu: 0.0.44.dev20260713+nightly
codegen_flags: <defaults>
</compile_context>

<pallas_src>
import functools

import jax
import jax.numpy as jnp
from jax import lax
from jax.experimental import pallas as pl
from jax.experimental.pallas import tpu as pltpu
from jax.experimental.pallas import tpu_sc as plsc

_BS, _N, _D = 16, 512, 128
_E = 8192
_PH = 256
_DK = 64
_NSQ = _N * _N
_TILES = 16
_GPC = _BS // 2
_SLOTS_PER_TILE = _NSQ // _TILES
_EDGES_PER_TILE = _E // _TILES
_CHUNK = 128
_NCHUNK = _EDGES_PER_TILE // _CHUNK
_RB = 512
_NRB = _N // _RB



_GPR = 4
_ROUNDS = _GPC // _GPR
_RCHUNK = _GPR * _NCHUNK


def _count_body(flat_ref, ones_ref, zeros_ref, cnt_ref,
                idx16, ones_v, zbuf, shared):
    cid = lax.axis_index("c")
    sid = lax.axis_index("s")
    pltpu.sync_copy(ones_ref, ones_v)
    pltpu.sync_copy(zeros_ref, zbuf)
    for r in range(_ROUNDS):
        for q in range(_GPR):
            pltpu.sync_copy(
                zbuf,
                shared.at[pl.ds(q * _NSQ + sid * _SLOTS_PER_TILE,
                                _SLOTS_PER_TILE)])
        plsc.subcore_barrier()
        pltpu.sync_copy(flat_ref.at[cid, r, sid], idx16)
        for j in range(_RCHUNK):
            pltpu.sync_copy(ones_v, shared.at[idx16.at[j]], add=True)
        plsc.subcore_barrier()
        for q in range(_GPR):
            g = cid * _GPC + r * _GPR + q
            pltpu.sync_copy(
                shared.at[pl.ds(q * _NSQ + sid * _SLOTS_PER_TILE,
                                _SLOTS_PER_TILE)],
                cnt_ref.at[g, sid])
        plsc.subcore_barrier()


@functools.cache
def _get_count_kernel():
    return pl.kernel(
        _count_body,
        out_type=jax.ShapeDtypeStruct((_BS, _TILES, _SLOTS_PER_TILE),
                                      jnp.float32),
        mesh=plsc.VectorSubcoreMesh(core_axis_name="c",
                                    subcore_axis_name="s"),
        scratch_types=[
            pltpu.VMEM((_RCHUNK, _CHUNK), jnp.int32),
            pltpu.VMEM((_CHUNK,), jnp.float32),
            pltpu.VMEM((_SLOTS_PER_TILE,), jnp.float32),
            pltpu.VMEM_SHARED((_GPR * _NSQ,), jnp.float32),
        ],
    )



def _lrelu(x):
    return jnp.where(x > 0, x, 0.2 * x)


def _elu(x):
    return jnp.where(x > 0, x, jnp.exp(x) - 1.0)


_PARAMS = pltpu.CompilerParams(dimension_semantics=("parallel", "parallel"))


def _full(shape):
    return pl.BlockSpec(shape, lambda g, r: (0,) * len(shape))


@functools.cache
def _make_proj(IN, F):

    def body(x_ref, W_ref, as_ref, ad_ref, xp_ref, als_ref, ald_ref):
        xb = x_ref[0]
        xp = jnp.dot(xb, W_ref[...], preferred_element_type=jnp.float32)
        xp_ref[0] = xp
        for h in range(2):
            xph = xp[:, h * F:(h + 1) * F]
            als_ref[0, h, :] = jnp.sum(xph * as_ref[h:h + 1, :], axis=1)
            ald_ref[0, h, :] = jnp.sum(xph * ad_ref[h:h + 1, :], axis=1)

    return pl.pallas_call(
        body,
        grid=(_BS, _NRB),
        in_specs=[
            pl.BlockSpec((1, _RB, IN), lambda g, r: (g, r, 0)),
            _full((IN, 2 * F)),
            _full((2, F)),
            _full((2, F)),
        ],
        out_specs=[
            pl.BlockSpec((1, _RB, 2 * F), lambda g, r: (g, r, 0)),
            pl.BlockSpec((1, 2, _RB), lambda g, r: (g, 0, r)),
            pl.BlockSpec((1, 2, _RB), lambda g, r: (g, 0, r)),
        ],
        out_shape=[
            jax.ShapeDtypeStruct((_BS, _N, 2 * F), jnp.float32),
            jax.ShapeDtypeStruct((_BS, 2, _N), jnp.float32),
            jax.ShapeDtypeStruct((_BS, 2, _N), jnp.float32),
        ],
        compiler_params=_PARAMS,
    )


def _aggr_value(cnt_ref, xp_ref, als_ref, ald_ref, x_ref,
                b_ref, Wl_ref, bl_ref, F, concat, act_elu):
    cntb = cnt_ref[0]
    mask = cntb > 0.0
    os = []
    for h in range(2):
        xph = xp_ref[0][:, h * F:(h + 1) * F]
        als_row = als_ref[0, h, :][None, :]
        ald_col = ald_ref[0, h, :][:, None]
        e = _lrelu(als_row + ald_col)
        em = jnp.where(mask, e, -1e30)
        m = jnp.max(em, axis=1, keepdims=True)
        p = jnp.exp(em - m) * cntb
        s = jnp.sum(p, axis=1, keepdims=True)
        alpha = p * (1.0 / (s + 1e-16))
        os.append(jnp.dot(alpha, xph, preferred_element_type=jnp.float32))
    if concat:
        o = jnp.concatenate(os, axis=1)
    else:
        o = 0.5 * (os[0] + os[1])
    lin = jnp.dot(x_ref[0], Wl_ref[...], preferred_element_type=jnp.float32)
    res = o + b_ref[...] + lin + bl_ref[...]
    return _elu(res) if act_elu else res


def _proj_store(x, W_ref, as_ref, ad_ref, xp_ref, als_ref, ald_ref, F):
    xp = jnp.dot(x, W_ref[...], preferred_element_type=jnp.float32)
    xp_ref[0] = xp
    for h in range(2):
        xph = xp[:, h * F:(h + 1) * F]
        als_ref[0, h, :] = jnp.sum(xph * as_ref[h:h + 1, :], axis=1)
        ald_ref[0, h, :] = jnp.sum(xph * ad_ref[h:h + 1, :], axis=1)


def _aggr_specs(IN, F, OUT):
    return [
        pl.BlockSpec((1, _RB, _N), lambda g, r: (g, r, 0)),
        pl.BlockSpec((1, _N, 2 * F), lambda g, r: (g, 0, 0)),
        pl.BlockSpec((1, 2, _N), lambda g, r: (g, 0, 0)),
        pl.BlockSpec((1, 2, _RB), lambda g, r: (g, 0, r)),
        pl.BlockSpec((1, _RB, IN), lambda g, r: (g, r, 0)),
        _full((1, OUT)),
        _full((IN, OUT)),
        _full((1, OUT)),
    ]


@functools.cache
def _make_aggr_proj(IN, F, F2):
    OUT = 2 * F

    def body(cnt_ref, xp_ref, als_ref, ald_ref, x_ref,
             b_ref, Wl_ref, bl_ref, W2_ref, as2_ref, ad2_ref,
             h_ref, xp2_ref, als2_ref, ald2_ref):
        hv = _aggr_value(cnt_ref, xp_ref, als_ref, ald_ref, x_ref,
                         b_ref, Wl_ref, bl_ref, F, True, True)
        h_ref[0] = hv
        _proj_store(hv, W2_ref, as2_ref, ad2_ref,
                    xp2_ref, als2_ref, ald2_ref, F2)

    return pl.pallas_call(
        body,
        grid=(_BS, _NRB),
        in_specs=_aggr_specs(IN, F, OUT) + [
            _full((OUT, 2 * F2)), _full((2, F2)), _full((2, F2)),
        ],
        out_specs=[
            pl.BlockSpec((1, _RB, OUT), lambda g, r: (g, r, 0)),
            pl.BlockSpec((1, _RB, 2 * F2), lambda g, r: (g, r, 0)),
            pl.BlockSpec((1, 2, _RB), lambda g, r: (g, 0, r)),
            pl.BlockSpec((1, 2, _RB), lambda g, r: (g, 0, r)),
        ],
        out_shape=[
            jax.ShapeDtypeStruct((_BS, _N, OUT), jnp.float32),
            jax.ShapeDtypeStruct((_BS, _N, 2 * F2), jnp.float32),
            jax.ShapeDtypeStruct((_BS, 2, _N), jnp.float32),
            jax.ShapeDtypeStruct((_BS, 2, _N), jnp.float32),
        ],
        compiler_params=_PARAMS,
    )


@functools.cache
def _make_aggr_mha(IN, F):

    def body(cnt_ref, xp_ref, als_ref, ald_ref, x_ref,
             b_ref, Wl_ref, bl_ref,
             q_ref, k_ref, v_ref, Wq_ref, Wk_ref, Wv_ref,
             Wfc_ref, gamma_ref, beta_ref, out_ref, attn_ref):
        x3 = _aggr_value(cnt_ref, xp_ref, als_ref, ald_ref, x_ref,
                         b_ref, Wl_ref, bl_ref, F, False, False)
        qh = jnp.dot(q_ref[0], Wq_ref[...],
                     preferred_element_type=jnp.float32)
        kh = jnp.dot(k_ref[0], Wk_ref[...],
                     preferred_element_type=jnp.float32)
        vh = jnp.dot(v_ref[0], Wv_ref[...],
                     preferred_element_type=jnp.float32)
        oh = []
        for h in range(2):
            qs = qh[:, h * _DK:(h + 1) * _DK] * (1.0 / (_DK ** 0.5))
            ks = kh[:, h * _DK:(h + 1) * _DK]
            vs = vh[:, h * _DK:(h + 1) * _DK]
            lg = lax.dot_general(qs, ks, (((1,), (1,)), ((), ())),
                                 preferred_element_type=jnp.float32)
            mm = jnp.max(lg, axis=1, keepdims=True)
            ex = jnp.exp(lg - mm)
            sm = ex * (1.0 / jnp.sum(ex, axis=1, keepdims=True))
            attn_ref[0, h] = sm
            oh.append(jnp.dot(sm, vs, preferred_element_type=jnp.float32))
        cat = jnp.concatenate([x3, oh[0], oh[1]], axis=1)
        out = jnp.dot(cat, Wfc_ref[...],
                      preferred_element_type=jnp.float32) + q_ref[0]
        mu = jnp.mean(out, axis=1, keepdims=True)
        var = jnp.mean((out - mu) ** 2, axis=1, keepdims=True)
        out = ((out - mu) / jnp.sqrt(var + 1e-6)) * gamma_ref[...] \
            + beta_ref[...]
        out_ref[0] = out

    return pl.pallas_call(
        body,
        grid=(_BS, _NRB),
        in_specs=_aggr_specs(IN, F, F) + [
            pl.BlockSpec((1, _RB, _D), lambda g, r: (g, r, 0)),
            pl.BlockSpec((1, _N, _D), lambda g, r: (g, 0, 0)),
            pl.BlockSpec((1, _N, _D), lambda g, r: (g, 0, 0)),
            _full((_D, _D)), _full((_D, _D)), _full((_D, _D)),
            _full((4 * _DK, _D)), _full((1, _D)), _full((1, _D)),
        ],
        out_specs=[
            pl.BlockSpec((1, _RB, _D), lambda g, r: (g, r, 0)),
            pl.BlockSpec((1, 2, _RB, _N), lambda g, r: (g, 0, r, 0)),
        ],
        out_shape=[
            jax.ShapeDtypeStruct((_BS, _N, _D), jnp.float32),
            jax.ShapeDtypeStruct((_BS, 2, _N, _N), jnp.float32),
        ],
        compiler_params=_PARAMS,
    )


def kernel(q, k, v, edge_index, Wq, Wk, Wv, Wfc,
           W1, as1, ad1, b1, Wl1, bl1,
           W2, as2, ad2, b2, Wl2, bl2,
           W3, as3, ad3, b3, Wl3, bl3, gamma, beta):
    src = edge_index[:, 0, :].astype(jnp.int32)
    dst = edge_index[:, 1, :].astype(jnp.int32)
    qoff = (jnp.arange(_BS, dtype=jnp.int32) % _GPR)[:, None] * _NSQ
    flat = (dst * _N + src + qoff)
    flat = flat.reshape(2, _ROUNDS, _GPR, _TILES, _NCHUNK, _CHUNK)
    flat = flat.transpose(0, 1, 3, 2, 4, 5).reshape(
        2, _ROUNDS, _TILES, _RCHUNK, _CHUNK)
    ones = jnp.ones((_CHUNK,), jnp.float32)
    zeros = jnp.zeros((_SLOTS_PER_TILE,), jnp.float32)
    cnt = _get_count_kernel()(flat, ones, zeros).reshape(_BS, _N, _N)

    xp1, als1, ald1 = _make_proj(_D, _PH)(q, W1, as1, ad1)
    h1, xp2, als2, ald2 = _make_aggr_proj(_D, _PH, _PH)(
        cnt, xp1, als1, ald1, q,
        b1.reshape(1, -1), Wl1, bl1.reshape(1, -1), W2, as2, ad2)
    h2, xp3, als3, ald3 = _make_aggr_proj(2 * _PH, _PH, 2 * _DK)(
        cnt, xp2, als2, ald2, h1,
        b2.reshape(1, -1), Wl2, bl2.reshape(1, -1), W3, as3, ad3)
    out, attn = _make_aggr_mha(2 * _PH, 2 * _DK)(
        cnt, xp3, als3, ald3, h2,
        b3.reshape(1, -1), Wl3, bl3.reshape(1, -1),
        q, k, v, Wq, Wk, Wv, Wfc,
        gamma.reshape(1, -1), beta.reshape(1, -1))
    return out, attn

# --- scband reference (transcript-rebuilt; emitter-appended) ---
"""Pipeline reference for scband-multi-head-attention-17798344474903 (READ-ONLY COPY).

The authoritative reference and input builder live on the scoring server;
editing this copy changes nothing except your own understanding.
"""

import jax, jax.numpy as jnp
import numpy as np

BS, N, D_MODEL = 16, 512, 128
E = 8192
HEADS = 2
D_K = 64
PH = 256

def _glorot(key, shape):
    lim = (6.0 / (shape[0] + shape[-1])) ** 0.5
    return jax.random.uniform(key, shape, jnp.float32, -lim, lim)

def setup_inputs(seed: int = 0):
    key = jax.random.key(seed)
    ks = jax.random.split(key, 32)
    inp = {}
    inp['q'] = jax.random.normal(ks[0], (BS, N, D_MODEL), jnp.float32)
    inp['k'] = jax.random.normal(ks[1], (BS, N, D_MODEL), jnp.float32)
    inp['v'] = jax.random.normal(ks[2], (BS, N, D_MODEL), jnp.float32)
    inp['edge_index'] = jax.random.randint(ks[3], (BS, 2, E), 0, N, jnp.int32)
    inp['Wq'] = _glorot(ks[4], (D_MODEL, HEADS * D_K))
    inp['Wk'] = _glorot(ks[5], (D_MODEL, HEADS * D_K))
    inp['Wv'] = _glorot(ks[6], (D_MODEL, HEADS * D_K))
    inp['Wfc'] = _glorot(ks[7], (4 * D_K, D_MODEL))
    inp['W1'] = _glorot(ks[8], (D_MODEL, 2 * PH))
    inp['as1'] = _glorot(ks[9], (2, PH))
    inp['ad1'] = _glorot(ks[10], (2, PH))
    inp['b1'] = jnp.zeros((2 * PH,), jnp.float32)
    inp['Wl1'] = _glorot(ks[11], (D_MODEL, 2 * PH))
    inp['bl1'] = jnp.zeros((2 * PH,), jnp.float32)
    inp['W2'] = _glorot(ks[12], (2 * PH, 2 * PH))
    inp['as2'] = _glorot(ks[13], (2, PH))
    inp['ad2'] = _glorot(ks[14], (2, PH))
    inp['b2'] = jnp.zeros((2 * PH,), jnp.float32)
    inp['Wl2'] = _glorot(ks[15], (2 * PH, 2 * PH))
    inp['bl2'] = jnp.zeros((2 * PH,), jnp.float32)
    inp['W3'] = _glorot(ks[16], (2 * PH, 2 * 2 * D_K))
    inp['as3'] = _glorot(ks[17], (2, 2 * D_K))
    inp['ad3'] = _glorot(ks[18], (2, 2 * D_K))
    inp['b3'] = jnp.zeros((2 * D_K,), jnp.float32)
    inp['Wl3'] = _glorot(ks[19], (2 * PH, 2 * D_K))
    inp['bl3'] = jnp.zeros((2 * D_K,), jnp.float32)
    inp['gamma'] = jnp.ones((D_MODEL,), jnp.float32)
    inp['beta'] = jnp.zeros((D_MODEL,), jnp.float32)
    return inp

def _gat(x, src, dst, W, a_s, a_d, b, heads, out_dim, concat):
    Nn = x.shape[0]
    xp = (x @ W).reshape(Nn, heads, out_dim)
    al_s = (xp * a_s[None]).sum(-1)
    al_d = (xp * a_d[None]).sum(-1)
    e = al_s[src] + al_d[dst]
    e = jnp.where(e > 0, e, 0.2 * e)
    m = jax.ops.segment_max(e, dst, num_segments=Nn)
    m = jnp.where(jnp.isfinite(m), m, 0.0)
    ex = jnp.exp(e - m[dst])
    s = jax.ops.segment_sum(ex, dst, num_segments=Nn)
    alpha = ex / (s[dst] + 1e-16)
    msg = xp[src] * alpha[:, :, None]
    out = jax.ops.segment_sum(msg, dst, num_segments=Nn)
    if concat:
        out = out.reshape(Nn, heads * out_dim)
    else:
        out = out.mean(axis=1)
    return out + b

def reference(q, k, v, edge_index, Wq, Wk, Wv, Wfc, W1, as1, ad1, b1, Wl1, bl1, W2, as2, ad2, b2, Wl2, bl2, W3, as3, ad3, b3, Wl3, bl3, gamma, beta):
    bs, n, d = q.shape
    off = (jnp.arange(bs, dtype=edge_index.dtype) * n)[:, None]
    src = (edge_index[:, 0, :] + off).reshape(-1)
    dst = (edge_index[:, 1, :] + off).reshape(-1)
    xf = q.reshape(bs * n, d)
    h = jax.nn.elu(_gat(xf, src, dst, W1, as1, ad1, b1, 2, PH, True) + xf @ Wl1 + bl1)
    h = jax.nn.elu(_gat(h, src, dst, W2, as2, ad2, b2, 2, PH, True) + h @ Wl2 + bl2)
    h = _gat(h, src, dst, W3, as3, ad3, b3, 2, 2 * D_K, False) + h @ Wl3 + bl3
    x = h.reshape(bs, n, 2 * D_K)
    qh = (q @ Wq).reshape(bs, n, HEADS, D_K).transpose(0, 2, 1, 3)
    kh = (k @ Wk).reshape(bs, n, HEADS, D_K).transpose(0, 2, 1, 3)
    vh = (v @ Wv).reshape(bs, n, HEADS, D_K).transpose(0, 2, 1, 3)
    attn = jnp.matmul(qh / (D_K ** 0.5), kh.transpose(0, 1, 3, 2))
    attn = jax.nn.softmax(attn, axis=-1)
    o = jnp.matmul(attn, vh)
    o = o.transpose(0, 2, 1, 3).reshape(bs, n, HEADS * D_K)
    cat = jnp.concatenate([x, o], axis=-1)
    out = jnp.matmul(cat, Wfc) + q
    mu = out.mean(-1, keepdims=True)
    var = ((out - mu) ** 2).mean(-1, keepdims=True)
    out = (out - mu) / jnp.sqrt(var + 1e-06) * gamma + beta
    return (out, attn)

if __name__ == "__main__":
    import jax
    _d = setup_inputs()
    print(jax.jit(kernel)(*tuple(_d.values())))

</pallas_src>

<mosaic_0001>
#map = affine_map<(d0, d1) -> (0, 0, 0, 0, 0)>
#map1 = affine_map<(d0, d1) -> (0)>
#map2 = affine_map<(d0, d1) -> (0, 0, 0)>
module attributes {stable_mosaic.version = 14 : i64} {
  func.func @_count_body(%arg0: i32, %arg1: i32, %arg2: memref<2x2x16x16x128xi32, #tpu.memory_space<hbm>>, %arg3: memref<128xf32, #tpu.memory_space<hbm>>, %arg4: memref<16384xf32, #tpu.memory_space<hbm>>, %arg5: memref<16x16x16384xf32, #tpu.memory_space<hbm>>, %arg6: memref<16x128xi32, #tpu.memory_space<vmem>>, %arg7: memref<128xf32, #tpu.memory_space<vmem>>, %arg8: memref<16384xf32, #tpu.memory_space<vmem>>, %arg9: memref<1048576xf32, #tpu.memory_space<vmem_shared>>) attributes {dimension_semantics = [#tpu.dimension_semantics<core_parallel>, #tpu.dimension_semantics<subcore_parallel>], iteration_bounds = array<i64: 2, 16>, scalar_prefetch = 0 : i64, scratch_operands = 4 : i64, tpu.core_type = #tpu.core_type<sc_vector_subcore>, window_params = [{transform_indices = #map}, {transform_indices = #map1}, {transform_indices = #map1}, {transform_indices = #map2}]} {
    "tpu.region"() ({
      %run_scoped3A_148 = tpu.sem_alloc : memref<!tpu.dma_semaphore, #tpu.memory_space<semaphore_mem>>
      tpu.enqueue_dma source(%arg3 : memref<128xf32, #tpu.memory_space<hbm>>) target(%arg7 : memref<128xf32, #tpu.memory_space<vmem>>) target_semaphore(%run_scoped3A_148 : memref<!tpu.dma_semaphore, #tpu.memory_space<semaphore_mem>>)
      tpu.wait_dma2 semaphore(%run_scoped3A_148 : memref<!tpu.dma_semaphore, #tpu.memory_space<semaphore_mem>>) src(%arg3 : memref<128xf32, #tpu.memory_space<hbm>>) dst(%arg7 : memref<128xf32, #tpu.memory_space<vmem>>)
      tpu.yield
    }) : () -> ()
    "tpu.region"() ({
      %run_scoped3A_148 = tpu.sem_alloc : memref<!tpu.dma_semaphore, #tpu.memory_space<semaphore_mem>>
      tpu.enqueue_dma source(%arg4 : memref<16384xf32, #tpu.memory_space<hbm>>) target(%arg8 : memref<16384xf32, #tpu.memory_space<vmem>>) target_semaphore(%run_scoped3A_148 : memref<!tpu.dma_semaphore, #tpu.memory_space<semaphore_mem>>)
      tpu.wait_dma2 semaphore(%run_scoped3A_148 : memref<!tpu.dma_semaphore, #tpu.memory_space<semaphore_mem>>) src(%arg4 : memref<16384xf32, #tpu.memory_space<hbm>>) dst(%arg8 : memref<16384xf32, #tpu.memory_space<vmem>>)
      tpu.yield
    }) : () -> ()
    %mul3A = arith.constant 16384 : i32
    %mul3A_0 = arith.muli %arg1, %mul3A : i32
    %add3A = arith.constant 0 : i32
    %add3A_1 = arith.addi %add3A, %mul3A_0 : i32
    "tpu.region"() ({
      %run_scoped3A_148 = tpu.sem_alloc : memref<!tpu.dma_semaphore, #tpu.memory_space<semaphore_mem>>
      %dma_start3A = tpu.memref_slice %arg9[%add3A_1] : memref<1048576xf32, #tpu.memory_space<vmem_shared>> -> memref<16384xf32, #tpu.memory_space<vmem_shared>>
      %dma_start3A_149 = tpu.memref_slice %arg9[%add3A_1] : memref<1048576xf32, #tpu.memory_space<vmem_shared>> -> memref<16384xf32, #tpu.memory_space<vmem_shared>>
      tpu.enqueue_dma source(%arg8 : memref<16384xf32, #tpu.memory_space<vmem>>) target(%dma_start3A_149 : memref<16384xf32, #tpu.memory_space<vmem_shared>>) target_semaphore(%run_scoped3A_148 : memref<!tpu.dma_semaphore, #tpu.memory_space<semaphore_mem>>)
      %dma_wait3A = tpu.memref_slice %arg9[%add3A_1] : memref<1048576xf32, #tpu.memory_space<vmem_shared>> -> memref<16384xf32, #tpu.memory_space<vmem_shared>>
      %dma_wait3A_150 = tpu.memref_slice %arg9[%add3A_1] : memref<1048576xf32, #tpu.memory_space<vmem_shared>> -> memref<16384xf32, #tpu.memory_space<vmem_shared>>
      tpu.wait_dma2 semaphore(%run_scoped3A_148 : memref<!tpu.dma_semaphore, #tpu.memory_space<semaphore_mem>>) src(%arg8 : memref<16384xf32, #tpu.memory_space<vmem>>) dst(%dma_wait3A_150 : memref<16384xf32, #tpu.memory_space<vmem_shared>>)
      tpu.yield
    }) : () -> ()
    %mul3A_2 = arith.constant 16384 : i32
    %mul3A_3 = arith.muli %arg1, %mul3A_2 : i32
    %add3A_4 = arith.constant 262144 : i32
    %add3A_5 = arith.addi %add3A_4, %mul3A_3 : i32
    "tpu.region"() ({
      %run_scoped3A_148 = tpu.sem_alloc : memref<!tpu.dma_semaphore, #tpu.memory_space<semaphore_mem>>
      %dma_start3A = tpu.memref_slice %arg9[%add3A_5] : memref<1048576xf32, #tpu.memory_space<vmem_shared>> -> memref<16384xf32, #tpu.memory_space<vmem_shared>>
      %dma_start3A_149 = tpu.memref_slice %arg9[%add3A_5] : memref<1048576xf32, #tpu.memory_space<vmem_shared>> -> memref<16384xf32, #tpu.memory_space<vmem_shared>>
      tpu.enqueue_dma source(%arg8 : memref<16384xf32, #tpu.memory_space<vmem>>) target(%dma_start3A_149 : memref<16384xf32, #tpu.memory_space<vmem_shared>>) target_semaphore(%run_scoped3A_148 : memref<!tpu.dma_semaphore, #tpu.memory_space<semaphore_mem>>)
      %dma_wait3A = tpu.memref_slice %arg9[%add3A_5] : memref<1048576xf32, #tpu.memory_space<vmem_shared>> -> memref<16384xf32, #tpu.memory_space<vmem_shared>>
      %dma_wait3A_150 = tpu.memref_slice %arg9[%add3A_5] : memref<1048576xf32, #tpu.memory_space<vmem_shared>> -> memref<16384xf32, #tpu.memory_space<vmem_shared>>
      tpu.wait_dma2 semaphore(%run_scoped3A_148 : memref<!tpu.dma_semaphore, #tpu.memory_space<semaphore_mem>>) src(%arg8 : memref<16384xf32, #tpu.memory_space<vmem>>) dst(%dma_wait3A_150 : memref<16384xf32, #tpu.memory_space<vmem_shared>>)
      tpu.yield
    }) : () -> ()
    %mul3A_6 = arith.constant 16384 : i32
    %mul3A_7 = arith.muli %arg1, %mul3A_6 : i32
    %add3A_8 = arith.constant 524288 : i32
    %add3A_9 = arith.addi %add3A_8, %mul3A_7 : i32
    "tpu.region"() ({
      %run_scoped3A_148 = tpu.sem_alloc : memref<!tpu.dma_semaphore, #tpu.memory_space<semaphore_mem>>
      %dma_start3A = tpu.memref_slice %arg9[%add3A_9] : memref<1048576xf32, #tpu.memory_space<vmem_shared>> -> memref<16384xf32, #tpu.memory_space<vmem_shared>>
      %dma_start3A_149 = tpu.memref_slice %arg9[%add3A_9] : memref<1048576xf32, #tpu.memory_space<vmem_shared>> -> memref<16384xf32, #tpu.memory_space<vmem_shared>>
      tpu.enqueue_dma source(%arg8 : memref<16384xf32, #tpu.memory_space<vmem>>) target(%dma_start3A_149 : memref<16384xf32, #tpu.memory_space<vmem_shared>>) target_semaphore(%run_scoped3A_148 : memref<!tpu.dma_semaphore, #tpu.memory_space<semaphore_mem>>)
      %dma_wait3A = tpu.memref_slice %arg9[%add3A_9] : memref<1048576xf32, #tpu.memory_space<vmem_shared>> -> memref<16384xf32, #tpu.memory_space<vmem_shared>>
      %dma_wait3A_150 = tpu.memref_slice %arg9[%add3A_9] : memref<1048576xf32, #tpu.memory_space<vmem_shared>> -> memref<16384xf32, #tpu.memory_space<vmem_shared>>
      tpu.wait_dma2 semaphore(%run_scoped3A_148 : memref<!tpu.dma_semaphore, #tpu.memory_space<semaphore_mem>>) src(%arg8 : memref<16384xf32, #tpu.memory_space<vmem>>) dst(%dma_wait3A_150 : memref<16384xf32, #tpu.memory_space<vmem_shared>>)
      tpu.yield
    }) : () -> ()
    %mul3A_10 = arith.constant 16384 : i32
    %mul3A_11 = arith.muli %arg1, %mul3A_10 : i32
    %add3A_12 = arith.constant 786432 : i32
    %add3A_13 = arith.addi %add3A_12, %mul3A_11 : i32
    "tpu.region"() ({
      %run_scoped3A_148 = tpu.sem_alloc : memref<!tpu.dma_semaphore, #tpu.memory_space<semaphore_mem>>
      %dma_start3A = tpu.memref_slice %arg9[%add3A_13] : memref<1048576xf32, #tpu.memory_space<vmem_shared>> -> memref<16384xf32, #tpu.memory_space<vmem_shared>>
      %dma_start3A_149 = tpu.memref_slice %arg9[%add3A_13] : memref<1048576xf32, #tpu.memory_space<vmem_shared>> -> memref<16384xf32, #tpu.memory_space<vmem_shared>>
      tpu.enqueue_dma source(%arg8 : memref<16384xf32, #tpu.memory_space<vmem>>) target(%dma_start3A_149 : memref<16384xf32, #tpu.memory_space<vmem_shared>>) target_semaphore(%run_scoped3A_148 : memref<!tpu.dma_semaphore, #tpu.memory_space<semaphore_mem>>)
      %dma_wait3A = tpu.memref_slice %arg9[%add3A_13] : memref<1048576xf32, #tpu.memory_space<vmem_shared>> -> memref<16384xf32, #tpu.memory_space<vmem_shared>>
      %dma_wait3A_150 = tpu.memref_slice %arg9[%add3A_13] : memref<1048576xf32, #tpu.memory_space<vmem_shared>> -> memref<16384xf32, #tpu.memory_space<vmem_shared>>
      tpu.wait_dma2 semaphore(%run_scoped3A_148 : memref<!tpu.dma_semaphore, #tpu.memory_space<semaphore_mem>>) src(%arg8 : memref<16384xf32, #tpu.memory_space<vmem>>) dst(%dma_wait3A_150 : memref<16384xf32, #tpu.memory_space<vmem_shared>>)
      tpu.yield
    }) : () -> ()
    %barrier3A = arith.constant 0 : index
    tpu.barrier barrier_id(%barrier3A)
    %run_scoped3A = arith.constant 0 : i32
    "tpu.region"() ({
      %run_scoped3A_148 = tpu.sem_alloc : memref<!tpu.dma_semaphore, #tpu.memory_space<semaphore_mem>>
      %dma_start3A = arith.constant 0 : i32
      %dma_start3A_149 = arith.constant 0 : i32
      %dma_start3A_150 = tpu.memref_slice %arg2[%arg0, %run_scoped3A, %arg1, %dma_start3A, %dma_start3A_149] : memref<2x2x16x16x128xi32, #tpu.memory_space<hbm>> -> memref<1x1x1x16x128xi32, #tpu.memory_space<hbm>>
      %dma_start3A_151 = tpu.memref_squeeze %dma_start3A_150 : memref<1x1x1x16x128xi32, #tpu.memory_space<hbm>> -> memref<16x128xi32, #tpu.memory_space<hbm>>
      %dma_start3A_152 = arith.constant 0 : i32
      %dma_start3A_153 = arith.constant 0 : i32
      %dma_start3A_154 = tpu.memref_slice %arg2[%arg0, %run_scoped3A, %arg1, %dma_start3A_152, %dma_start3A_153] : memref<2x2x16x16x128xi32, #tpu.memory_space<hbm>> -> memref<1x1x1x16x128xi32, #tpu.memory_space<hbm>>
      %dma_start3A_155 = tpu.memref_squeeze %dma_start3A_154 : memref<1x1x1x16x128xi32, #tpu.memory_space<hbm>> -> memref<16x128xi32, #tpu.memory_space<hbm>>
      tpu.enqueue_dma source(%dma_start3A_155 : memref<16x128xi32, #tpu.memory_space<hbm>>) target(%arg6 : memref<16x128xi32, #tpu.memory_space<vmem>>) target_semaphore(%run_scoped3A_148 : memref<!tpu.dma_semaphore, #tpu.memory_space<semaphore_mem>>)
      %dma_wait3A = arith.constant 0 : i32
      %dma_wait3A_156 = arith.constant 0 : i32
      %dma_wait3A_157 = tpu.memref_slice %arg2[%arg0, %run_scoped3A, %arg1, %dma_wait3A, %dma_wait3A_156] : memref<2x2x16x16x128xi32, #tpu.memory_space<hbm>> -> memref<1x1x1x16x128xi32, #tpu.memory_space<hbm>>
      %dma_wait3A_158 = tpu.memref_squeeze %dma_wait3A_157 : memref<1x1x1x16x128xi32, #tpu.memory_space<hbm>> -> memref<16x128xi32, #tpu.memory_space<hbm>>
      %dma_wait3A_159 = arith.constant 0 : i32
      %dma_wait3A_160 = arith.constant 0 : i32
      %dma_wait3A_161 = tpu.memref_slice %arg2[%arg0, %run_scoped3A, %arg1, %dma_wait3A_159, %dma_wait3A_160] : memref<2x2x16x16x128xi32, #tpu.memory_space<hbm>> -> memref<1x1x1x16x128xi32, #tpu.memory_space<hbm>>
      %dma_wait3A_162 = tpu.memref_squeeze %dma_wait3A_161 : memref<1x1x1x16x128xi32, #tpu.memory_space<hbm>> -> memref<16x128xi32, #tpu.memory_space<hbm>>
      tpu.wait_dma2 semaphore(%run_scoped3A_148 : memref<!tpu.dma_semaphore, #tpu.memory_space<semaphore_mem>>) src(%dma_wait3A_162 : memref<16x128xi32, #tpu.memory_space<hbm>>) dst(%arg6 : memref<16x128xi32, #tpu.memory_space<vmem>>)
      tpu.yield
    }) : () -> ()
    %run_scoped3A_14 = arith.constant 0 : i32
    "tpu.region"() ({
      %run_scoped3A_148 = tpu.sem_alloc : memref<!tpu.dma_semaphore, #tpu.memory_space<semaphore_mem>>
      %dma_start3A = arith.constant 0 : i32
      %dma_start3A_149 = tpu.memref_slice %arg6[%run_scoped3A_14, %dma_start3A] : memref<16x128xi32, #tpu.memory_space<vmem>> -> memref<1x128xi32, #tpu.memory_space<vmem>>
      %dma_start3A_150 = tpu.memref_squeeze %dma_start3A_149 : memref<1x128xi32, #tpu.memory_space<vmem>> -> memref<128xi32, #tpu.memory_space<vmem>>
      %dma_start3A_151 = arith.constant 0 : i32
      %dma_start3A_152 = tpu.memref_slice %arg9[%dma_start3A_151] : memref<1048576xf32, #tpu.memory_space<vmem_shared>> -> memref<1048576xf32, #tpu.memory_space<vmem_shared>>
      tpu.enqueue_indirect_dma source(%arg7 : memref<128xf32, #tpu.memory_space<vmem>>) target(%dma_start3A_152 : memref<1048576xf32, #tpu.memory_space<vmem_shared>>) offsets(%dma_start3A_150 : memref<128xi32, #tpu.memory_space<vmem>>) semaphore(%run_scoped3A_148 : memref<!tpu.dma_semaphore, #tpu.memory_space<semaphore_mem>>) {add = true}
      %dma_wait3A = arith.constant 0 : i32
      %dma_wait3A_153 = tpu.memref_slice %arg6[%run_scoped3A_14, %dma_wait3A] : memref<16x128xi32, #tpu.memory_space<vmem>> -> memref<1x128xi32, #tpu.memory_space<vmem>>
      %dma_wait3A_154 = tpu.memref_squeeze %dma_wait3A_153 : memref<1x128xi32, #tpu.memory_space<vmem>> -> memref<128xi32, #tpu.memory_space<vmem>>
      %dma_wait3A_155 = arith.constant 0 : i32
      %dma_wait3A_156 = tpu.memref_slice %arg9[%dma_wait3A_155] : memref<1048576xf32, #tpu.memory_space<vmem_shared>> -> memref<1048576xf32, #tpu.memory_space<vmem_shared>>
      tpu.wait_indirect_dma semaphore(%run_scoped3A_148 : memref<!tpu.dma_semaphore, #tpu.memory_space<semaphore_mem>>) src(%arg7 : memref<128xf32, #tpu.memory_space<vmem>>) dst(%dma_wait3A_156 : memref<1048576xf32, #tpu.memory_space<vmem_shared>>)
      tpu.yield
    }) : () -> ()
    %run_scoped3A_15 = arith.constant 1 : i32
    "tpu.region"() ({
      %run_scoped3A_148 = tpu.sem_alloc : memref<!tpu.dma_semaphore, #tpu.memory_space<semaphore_mem>>
      %dma_start3A = arith.constant 0 : i32
      %dma_start3A_149 = tpu.memref_slice %arg6[%run_scoped3A_15, %dma_start3A] : memref<16x128xi32, #tpu.memory_space<vmem>> -> memref<1x128xi32, #tpu.memory_space<vmem>>
      %dma_start3A_150 = tpu.memref_squeeze %dma_start3A_149 : memref<1x128xi32, #tpu.memory_space<vmem>> -> memref<128xi32, #tpu.memory_space<vmem>>
      %dma_start3A_151 = arith.constant 0 : i32
      %dma_start3A_152 = tpu.memref_slice %arg9[%dma_start3A_151] : memref<1048576xf32, #tpu.memory_space<vmem_shared>> -> memref<1048576xf32, #tpu.memory_space<vmem_shared>>
      tpu.enqueue_indirect_dma source(%arg7 : memref<128xf32, #tpu.memory_space<vmem>>) target(%dma_start3A_152 : memref<1048576xf32, #tpu.memory_space<vmem_shared>>) offsets(%dma_start3A_150 : memref<128xi32, #tpu.memory_space<vmem>>) semaphore(%run_scoped3A_148 : memref<!tpu.dma_semaphore, #tpu.memory_space<semaphore_mem>>) {add = true}
      %dma_wait3A = arith.constant 0 : i32
      %dma_wait3A_153 = tpu.memref_slice %arg6[%run_scoped3A_15, %dma_wait3A] : memref<16x128xi32, #tpu.memory_space<vmem>> -> memref<1x128xi32, #tpu.memory_space<vmem>>
      %dma_wait3A_154 = tpu.memref_squeeze %dma_wait3A_153 : memref<1x128xi32, #tpu.memory_space<vmem>> -> memref<128xi32, #tpu.memory_space<vmem>>
      %dma_wait3A_155 = arith.constant 0 : i32
      %dma_wait3A_156 = tpu.memref_slice %arg9[%dma_wait3A_155] : memref<1048576xf32, #tpu.memory_space<vmem_shared>> -> memref<1048576xf32, #tpu.memory_space<vmem_shared>>
      tpu.wait_indirect_dma semaphore(%run_scoped3A_148 : memref<!tpu.dma_semaphore, #tpu.memory_space<semaphore_mem>>) src(%arg7 : memref<128xf32, #tpu.memory_space<vmem>>) dst(%dma_wait3A_156 : memref<1048576xf32, #tpu.memory_space<vmem_shared>>)
      tpu.yield
    }) : () -> ()
    %run_scoped3A_16 = arith.constant 2 : i32
    "tpu.region"() ({
      %run_scoped3A_148 = tpu.sem_alloc : memref<!tpu.dma_semaphore, #tpu.memory_space<semaphore_mem>>
      %dma_start3A = arith.constant 0 : i32
      %dma_start3A_149 = tpu.memref_slice %arg6[%run_scoped3A_16, %dma_start3A] : memref<16x128xi32, #tpu.memory_space<vmem>> -> memref<1x128xi32, #tpu.memory_space<vmem>>
      %dma_start3A_150 = tpu.memref_squeeze %dma_start3A_149 : memref<1x128xi32, #tpu.memory_space<vmem>> -> memref<128xi32, #tpu.memory_space<vmem>>
      %dma_start3A_151 = arith.constant 0 : i32
      %dma_start3A_152 = tpu.memref_slice %arg9[%dma_start3A_151] : memref<1048576xf32, #tpu.memory_space<vmem_shared>> -> memref<1048576xf32, #tpu.memory_space<vmem_shared>>
      tpu.enqueue_indirect_dma source(%arg7 : memref<128xf32, #tpu.memory_space<vmem>>) target(%dma_start3A_152 : memref<1048576xf32, #tpu.memory_space<vmem_shared>>) offsets(%dma_start3A_150 : memref<128xi32, #tpu.memory_space<vmem>>) semaphore(%run_scoped3A_148 : memref<!tpu.dma_semaphore, #tpu.memory_space<semaphore_mem>>) {add = true}
      %dma_wait3A = arith.constant 0 : i32
      %dma_wait3A_153 = tpu.memref_slice %arg6[%run_scoped3A_16, %dma_wait3A] : memref<16x128xi32, #tpu.memory_space<vmem>> -> memref<1x128xi32, #tpu.memory_space<vmem>>
      %dma_wait3A_154 = tpu.memref_squeeze %dma_wait3A_153 : memref<1x128xi32, #tpu.memory_space<vmem>> -> memref<128xi32, #tpu.memory_space<vmem>>
      %dma_wait3A_155 = arith.constant 0 : i32
      %dma_wait3A_156 = tpu.memref_slice %arg9[%dma_wait3A_155] : memref<1048576xf32, #tpu.memory_space<vmem_shared>> -> memref<1048576xf32, #tpu.memory_space<vmem_shared>>
      tpu.wait_indirect_dma semaphore(%run_scoped3A_148 : memref<!tpu.dma_semaphore, #tpu.memory_space<semaphore_mem>>) src(%arg7 : memref<128xf32, #tpu.memory_space<vmem>>) dst(%dma_wait3A_156 : memref<1048576xf32, #tpu.memory_space<vmem_shared>>)
      tpu.yield
    }) : () -> ()
    %run_scoped3A_17 = arith.constant 3 : i32
    "tpu.region"() ({
      %run_scoped3A_148 = tpu.sem_alloc : memref<!tpu.dma_semaphore, #tpu.memory_space<semaphore_mem>>
      %dma_start3A = arith.constant 0 : i32
      %dma_start3A_149 = tpu.memref_slice %arg6[%run_scoped3A_17, %dma_start3A] : memref<16x128xi32, #tpu.memory_space<vmem>> -> memref<1x128xi32, #tpu.memory_space<vmem>>
      %dma_start3A_150 = tpu.memref_squeeze %dma_start3A_149 : memref<1x128xi32, #tpu.memory_space<vmem>> -> memref<128xi32, #tpu.memory_space<vmem>>
      %dma_start3A_151 = arith.constant 0 : i32
      %dma_start3A_152 = tpu.memref_slice %arg9[%dma_start3A_151] : memref<1048576xf32, #tpu.memory_space<vmem_shared>> -> memref<1048576xf32, #tpu.memory_space<vmem_shared>>
      tpu.enqueue_indirect_dma source(%arg7 : memref<128xf32, #tpu.memory_space<vmem>>) target(%dma_start3A_152 : memref<1048576xf32, #tpu.memory_space<vmem_shared>>) offsets(%dma_start3A_150 : memref<128xi32, #tpu.memory_space<vmem>>) semaphore(%run_scoped3A_148 : memref<!tpu.dma_semaphore, #tpu.memory_space<semaphore_mem>>) {add = true}
      %dma_wait3A = arith.constant 0 : i32
      %dma_wait3A_153 = tpu.memref_slice %arg6[%run_scoped3A_17, %dma_wait3A] : memref<16x128xi32, #tpu.memory_space<vmem>> -> memref<1x128xi32, #tpu.memory_space<vmem>>
      %dma_wait3A_154 = tpu.memref_squeeze %dma_wait3A_153 : memref<1x128xi32, #tpu.memory_space<vmem>> -> memref<128xi32, #tpu.memory_space<vmem>>
      %dma_wait3A_155 = arith.constant 0 : i32
      %dma_wait3A_156 = tpu.memref_slice %arg9[%dma_wait3A_155] : memref<1048576xf32, #tpu.memory_space<vmem_shared>> -> memref<1048576xf32, #tpu.memory_space<vmem_shared>>
      tpu.wait_indirect_dma semaphore(%run_scoped3A_148 : memref<!tpu.dma_semaphore, #tpu.memory_space<semaphore_mem>>) src(%arg7 : memref<128xf32, #tpu.memory_space<vmem>>) dst(%dma_wait3A_156 : memref<1048576xf32, #tpu.memory_space<vmem_shared>>)
      tpu.yield
    }) : () -> ()
    %run_scoped3A_18 = arith.constant 4 : i32
    "tpu.region"() ({
      %run_scoped3A_148 = tpu.sem_alloc : memref<!tpu.dma_semaphore, #tpu.memory_space<semaphore_mem>>
      %dma_start3A = arith.constant 0 : i32
      %dma_start3A_149 = tpu.memref_slice %arg6[%run_scoped3A_18, %dma_start3A] : memref<16x128xi32, #tpu.memory_space<vmem>> -> memref<1x128xi32, #tpu.memory_space<vmem>>
      %dma_start3A_150 = tpu.memref_squeeze %dma_start3A_149 : memref<1x128xi32, #tpu.memory_space<vmem>> -> memref<128xi32, #tpu.memory_space<vmem>>
      %dma_start3A_151 = arith.constant 0 : i32
      %dma_start3A_152 = tpu.memref_slice %arg9[%dma_start3A_151] : memref<1048576xf32, #tpu.memory_space<vmem_shared>> -> memref<1048576xf32, #tpu.memory_space<vmem_shared>>
      tpu.enqueue_indirect_dma source(%arg7 : memref<128xf32, #tpu.memory_space<vmem>>) target(%dma_start3A_152 : memref<1048576xf32, #tpu.memory_space<vmem_shared>>) offsets(%dma_start3A_150 : memref<128xi32, #tpu.memory_space<vmem>>) semaphore(%run_scoped3A_148 : memref<!tpu.dma_semaphore, #tpu.memory_space<semaphore_mem>>) {add = true}
      %dma_wait3A = arith.constant 0 : i32
      %dma_wait3A_153 = tpu.memref_slice %arg6[%run_scoped3A_18, %dma_wait3A] : memref<16x128xi32, #tpu.memory_space<vmem>> -> memref<1x128xi32, #tpu.memory_space<vmem>>
      %dma_wait3A_154 = tpu.memref_squeeze %dma_wait3A_153 : memref<1x128xi32, #tpu.memory_space<vmem>> -> memref<128xi32, #tpu.memory_space<vmem>>
      %dma_wait3A_155 = arith.constant 0 : i32
      %dma_wait3A_156 = tpu.memref_slice %arg9[%dma_wait3A_155] : memref<1048576xf32, #tpu.memory_space<vmem_shared>> -> memref<1048576xf32, #tpu.memory_space<vmem_shared>>
      tpu.wait_indirect_dma semaphore(%run_scoped3A_148 : memref<!tpu.dma_semaphore, #tpu.memory_space<semaphore_mem>>) src(%arg7 : memref<128xf32, #tpu.memory_space<vmem>>) dst(%dma_wait3A_156 : memref<1048576xf32, #tpu.memory_space<vmem_shared>>)
      tpu.yield
    }) : () -> ()
    %run_scoped3A_19 = arith.constant 5 : i32
    "tpu.region"() ({
      %run_scoped3A_148 = tpu.sem_alloc : memref<!tpu.dma_semaphore, #tpu.memory_space<semaphore_mem>>
      %dma_start3A = arith.constant 0 : i32
      %dma_start3A_149 = tpu.memref_slice %arg6[%run_scoped3A_19, %dma_start3A] : memref<16x128xi32, #tpu.memory_space<vmem>> -> memref<1x128xi32, #tpu.memory_space<vmem>>
      %dma_start3A_150 = tpu.memref_squeeze %dma_start3A_149 : memref<1x128xi32, #tpu.memory_space<vmem>> -> memref<128xi32, #tpu.memory_space<vmem>>
      %dma_start3A_151 = arith.constant 0 : i32
      %dma_start3A_152 = tpu.memref_slice %arg9[%dma_start3A_151] : memref<1048576xf32, #tpu.memory_space<vmem_shared>> -> memref<1048576xf32, #tpu.memory_space<vmem_shared>>
      tpu.enqueue_indirect_dma source(%arg7 : memref<128xf32, #tpu.memory_space<vmem>>) target(%dma_start3A_152 : memref<1048576xf32, #tpu.memory_space<vmem_shared>>) offsets(%dma_start3A_150 : memref<128xi32, #tpu.memory_space<vmem>>) semaphore(%run_scoped3A_148 : memref<!tpu.dma_semaphore, #tpu.memory_space<semaphore_mem>>) {add = true}
      %dma_wait3A = arith.constant 0 : i32
      %dma_wait3A_153 = tpu.memref_slice %arg6[%run_scoped3A_19, %dma_wait3A] : memref<16x128xi32, #tpu.memory_space<vmem>> -> memref<1x128xi32, #tpu.memory_space<vmem>>
      %dma_wait3A_154 = tpu.memref_squeeze %dma_wait3A_153 : memref<1x128xi32, #tpu.memory_space<vmem>> -> memref<128xi32, #tpu.memory_space<vmem>>
      %dma_wait3A_155 = arith.constant 0 : i32
      %dma_wait3A_156 = tpu.memref_slice %arg9[%dma_wait3A_155] : memref<1048576xf32, #tpu.memory_space<vmem_shared>> -> memref<1048576xf32, #tpu.memory_space<vmem_shared>>
      tpu.wait_indirect_dma semaphore(%run_scoped3A_148 : memref<!tpu.dma_semaphore, #tpu.memory_space<semaphore_mem>>) src(%arg7 : memref<128xf32, #tpu.memory_space<vmem>>) dst(%dma_wait3A_156 : memref<1048576xf32, #tpu.memory_space<vmem_shared>>)
      tpu.yield
    }) : () -> ()
    %run_scoped3A_20 = arith.constant 6 : i32
    "tpu.region"() ({
      %run_scoped3A_148 = tpu.sem_alloc : memref<!tpu.dma_semaphore, #tpu.memory_space<semaphore_mem>>
      %dma_start3A = arith.constant 0 : i32
      %dma_start3A_149 = tpu.memref_slice %arg6[%run_scoped3A_20, %dma_start3A] : memref<16x128xi32, #tpu.memory_space<vmem>> -> memref<1x128xi32, #tpu.memory_space<vmem>>
      %dma_start3A_150 = tpu.memref_squeeze %dma_start3A_149 : memref<1x128xi32, #tpu.memory_space<vmem>> -> memref<128xi32, #tpu.memory_space<vmem>>
      %dma_start3A_151 = arith.constant 0 : i32
      %dma_start3A_152 = tpu.memref_slice %arg9[%dma_start3A_151] : memref<1048576xf32, #tpu.memory_space<vmem_shared>> -> memref<1048576xf32, #tpu.memory_space<vmem_shared>>
      tpu.enqueue_indirect_dma source(%arg7 : memref<128xf32, #tpu.memory_space<vmem>>) target(%dma_start3A_152 : memref<1048576xf32, #tpu.memory_space<vmem_shared>>) offsets(%dma_start3A_150 : memref<128xi32, #tpu.memory_space<vmem>>) semaphore(%run_scoped3A_148 : memref<!tpu.dma_semaphore, #tpu.memory_space<semaphore_mem>>) {add = true}
      %dma_wait3A = arith.constant 0 : i32
      %dma_wait3A_153 = tpu.memref_slice %arg6[%run_scoped3A_20, %dma_wait3A] : memref<16x128xi32, #tpu.memory_space<vmem>> -> memref<1x128xi32, #tpu.memory_space<vmem>>
      %dma_wait3A_154 = tpu.memref_squeeze %dma_wait3A_153 : memref<1x128xi32, #tpu.memory_space<vmem>> -> memref<128xi32, #tpu.memory_space<vmem>>
      %dma_wait3A_155 = arith.constant 0 : i32
      %dma_wait3A_156 = tpu.memref_slice %arg9[%dma_wait3A_155] : memref<1048576xf32, #tpu.memory_space<vmem_shared>> -> memref<1048576xf32, #tpu.memory_space<vmem_shared>>
      tpu.wait_indirect_dma semaphore(%run_scoped3A_148 : memref<!tpu.dma_semaphore, #tpu.memory_space<semaphore_mem>>) src(%arg7 : memref<128xf32, #tpu.memory_space<vmem>>) dst(%dma_wait3A_156 : memref<1048576xf32, #tpu.memory_space<vmem_shared>>)
      tpu.yield
    }) : () -> ()
    %run_scoped3A_21 = arith.constant 7 : i32
    "tpu.region"() ({
      %run_scoped3A_148 = tpu.sem_alloc : memref<!tpu.dma_semaphore, #tpu.memory_space<semaphore_mem>>
      %dma_start3A = arith.constant 0 : i32
      %dma_start3A_149 = tpu.memref_slice %arg6[%run_scoped3A_21, %dma_start3A] : memref<16x128xi32, #tpu.memory_space<vmem>> -> memref<1x128xi32, #tpu.memory_space<vmem>>
      %dma_start3A_150 = tpu.memref_squeeze %dma_start3A_149 : memref<1x128xi32, #tpu.memory_space<vmem>> -> memref<128xi32, #tpu.memory_space<vmem>>
      %dma_start3A_151 = arith.constant 0 : i32
      %dma_start3A_152 = tpu.memref_slice %arg9[%dma_start3A_151] : memref<1048576xf32, #tpu.memory_space<vmem_shared>> -> memref<1048576xf32, #tpu.memory_space<vmem_shared>>
      tpu.enqueue_indirect_dma source(%arg7 : memref<128xf32, #tpu.memory_space<vmem>>) target(%dma_start3A_152 : memref<1048576xf32, #tpu.memory_space<vmem_shared>>) offsets(%dma_start3A_150 : memref<128xi32, #tpu.memory_space<vmem>>) semaphore(%run_scoped3A_148 : memref<!tpu.dma_semaphore, #tpu.memory_space<semaphore_mem>>) {add = true}
      %dma_wait3A = arith.constant 0 : i32
      %dma_wait3A_153 = tpu.memref_slice %arg6[%run_scoped3A_21, %dma_wait3A] : memref<16x128xi32, #tpu.memory_space<vmem>> -> memref<1x128xi32, #tpu.memory_space<vmem>>
      %dma_wait3A_154 = tpu.memref_squeeze %dma_wait3A_153 : memref<1x128xi32, #tpu.memory_space<vmem>> -> memref<128xi32, #tpu.memory_space<vmem>>
      %dma_wait3A_155 = arith.constant 0 : i32
      %dma_wait3A_156 = tpu.memref_slice %arg9[%dma_wait3A_155] : memref<1048576xf32, #tpu.memory_space<vmem_shared>> -> memref<1048576xf32, #tpu.memory_space<vmem_shared>>
      tpu.wait_indirect_dma semaphore(%run_scoped3A_148 : memref<!tpu.dma_semaphore, #tpu.memory_space<semaphore_mem>>) src(%arg7 : memref<128xf32, #tpu.memory_space<vmem>>) dst(%dma_wait3A_156 : memref<1048576xf32, #tpu.memory_space<vmem_shared>>)
      tpu.yield
    }) : () -> ()
    %run_scoped3A_22 = arith.constant 8 : i32
    "tpu.region"() ({
      %run_scoped3A_148 = tpu.sem_alloc : memref<!tpu.dma_semaphore, #tpu.memory_space<semaphore_mem>>
      %dma_start3A = arith.constant 0 : i32
      %dma_start3A_149 = tpu.memref_slice %arg6[%run_scoped3A_22, %dma_start3A] : memref<16x128xi32, #tpu.memory_space<vmem>> -> memref<1x128xi32, #tpu.memory_space<vmem>>
      %dma_start3A_150 = tpu.memref_squeeze %dma_start3A_149 : memref<1x128xi32, #tpu.memory_space<vmem>> -> memref<128xi32, #tpu.memory_space<vmem>>
      %dma_start3A_151 = arith.constant 0 : i32
      %dma_start3A_152 = tpu.memref_slice %arg9[%dma_start3A_151] : memref<1048576xf32, #tpu.memory_space<vmem_shared>> -> memref<1048576xf32, #tpu.memory_space<vmem_shared>>
      tpu.enqueue_indirect_dma source(%arg7 : memref<128xf32, #tpu.memory_space<vmem>>) target(%dma_start3A_152 : memref<1048576xf32, #tpu.memory_space<vmem_shared>>) offsets(%dma_start3A_150 : memref<128xi32, #tpu.memory_space<vmem>>) semaphore(%run_scoped3A_148 : memref<!tpu.dma_semaphore, #tpu.memory_space<semaphore_mem>>) {add = true}
      %dma_wait3A = arith.constant 0 : i32
      %dma_wait3A_153 = tpu.memref_slice %arg6[%run_scoped3A_22, %dma_wait3A] : memref<16x128xi32, #tpu.memory_space<vmem>> -> memref<1x128xi32, #tpu.memory_space<vmem>>
      %dma_wait3A_154 = tpu.memref_squeeze %dma_wait3A_153 : memref<1x128xi32, #tpu.memory_space<vmem>> -> memref<128xi32, #tpu.memory_space<vmem>>
      %dma_wait3A_155 = arith.constant 0 : i32
      %dma_wait3A_156 = tpu.memref_slice %arg9[%dma_wait3A_155] : memref<1048576xf32, #tpu.memory_space<vmem_shared>> -> memref<1048576xf32, #tpu.memory_space<vmem_shared>>
      tpu.wait_indirect_dma semaphore(%run_scoped3A_148 : memref<!tpu.dma_semaphore, #tpu.memory_space<semaphore_mem>>) src(%arg7 : memref<128xf32, #tpu.memory_space<vmem>>) dst(%dma_wait3A_156 : memref<1048576xf32, #tpu.memory_space<vmem_shared>>)
      tpu.yield
    }) : () -> ()
    %run_scoped3A_23 = arith.constant 9 : i32
    "tpu.region"() ({
      %run_scoped3A_148 = tpu.sem_alloc : memref<!tpu.dma_semaphore, #tpu.memory_space<semaphore_mem>>
      %dma_start3A = arith.constant 0 : i32
      %dma_start3A_149 = tpu.memref_slice %arg6[%run_scoped3A_23, %dma_start3A] : memref<16x128xi32, #tpu.memory_space<vmem>> -> memref<1x128xi32, #tpu.memory_space<vmem>>
      %dma_start3A_150 = tpu.memref_squeeze %dma_start3A_149 : memref<1x128xi32, #tpu.memory_space<vmem>> -> memref<128xi32, #tpu.memory_space<vmem>>
      %dma_start3A_151 = arith.constant 0 : i32
      %dma_start3A_152 = tpu.memref_slice %arg9[%dma_start3A_151] : memref<1048576xf32, #tpu.memory_space<vmem_shared>> -> memref<1048576xf32, #tpu.memory_space<vmem_shared>>
      tpu.enqueue_indirect_dma source(%arg7 : memref<128xf32, #tpu.memory_space<vmem>>) target(%dma_start3A_152 : memref<1048576xf32, #tpu.memory_space<vmem_shared>>) offsets(%dma_start3A_150 : memref<128xi32, #tpu.memory_space<vmem>>) semaphore(%run_scoped3A_148 : memref<!tpu.dma_semaphore, #tpu.memory_space<semaphore_mem>>) {add = true}
      %dma_wait3A = arith.constant 0 : i32
      %dma_wait3A_153 = tpu.memref_slice %arg6[%run_scoped3A_23, %dma_wait3A] : memref<16x128xi32, #tpu.memory_space<vmem>> -> memref<1x128xi32, #tpu.memory_space<vmem>>
      %dma_wait3A_154 = tpu.memref_squeeze %dma_wait3A_153 : memref<1x128xi32, #tpu.memory_space<vmem>> -> memref<128xi32, #tpu.memory_space<vmem>>
      %dma_wait3A_155 = arith.constant 0 : i32
      %dma_wait3A_156 = tpu.memref_slice %arg9[%dma_wait3A_155] : memref<1048576xf32, #tpu.memory_space<vmem_shared>> -> memref<1048576xf32, #tpu.memory_space<vmem_shared>>
      tpu.wait_indirect_dma semaphore(%run_scoped3A_148 : memref<!tpu.dma_semaphore, #tpu.memory_space<semaphore_mem>>) src(%arg7 : memref<128xf32, #tpu.memory_space<vmem>>) dst(%dma_wait3A_156 : memref<1048576xf32, #tpu.memory_space<vmem_shared>>)
      tpu.yield
    }) : () -> ()
    %run_scoped3A_24 = arith.constant 10 : i32
    "tpu.region"() ({
      %run_scoped3A_148 = tpu.sem_alloc : memref<!tpu.dma_semaphore, #tpu.memory_space<semaphore_mem>>
      %dma_start3A = arith.constant 0 : i32
      %dma_start3A_149 = tpu.memref_slice %arg6[%run_scoped3A_24, %dma_start3A] : memref<16x128xi32, #tpu.memory_space<vmem>> -> memref<1x128xi32, #tpu.memory_space<vmem>>
      %dma_start3A_150 = tpu.memref_squeeze %dma_start3A_149 : memref<1x128xi32, #tpu.memory_space<vmem>> -> memref<128xi32, #tpu.memory_space<vmem>>
      %dma_start3A_151 = arith.constant 0 : i32
      %dma_start3A_152 = tpu.memref_slice %arg9[%dma_start3A_151] : memref<1048576xf32, #tpu.memory_space<vmem_shared>> -> memref<1048576xf32, #tpu.memory_space<vmem_shared>>
      tpu.enqueue_indirect_dma source(%arg7 : memref<128xf32, #tpu.memory_space<vmem>>) target(%dma_start3A_152 : memref<1048576xf32, #tpu.memory_space<vmem_shared>>) offsets(%dma_start3A_150 : memref<128xi32, #tpu.memory_space<vmem>>) semaphore(%run_scoped3A_148 : memref<!tpu.dma_semaphore, #tpu.memory_space<semaphore_mem>>) {add = true}
      %dma_wait3A = arith.constant 0 : i32
      %dma_wait3A_153 = tpu.memref_slice %arg6[%run_scoped3A_24, %dma_wait3A] : memref<16x128xi32, #tpu.memory_space<vmem>> -> memref<1x128xi32, #tpu.memory_space<vmem>>
      %dma_wait3A_154 = tpu.memref_squeeze %dma_wait3A_153 : memref<1x128xi32, #tpu.memory_space<vmem>> -> memref<128xi32, #tpu.memory_space<vmem>>
      %dma_wait3A_155 = arith.constant 0 : i32
      %dma_wait3A_156 = tpu.memref_slice %arg9[%dma_wait3A_155] : memref<1048576xf32, #tpu.memory_space<vmem_shared>> -> memref<1048576xf32, #tpu.memory_space<vmem_shared>>
      tpu.wait_indirect_dma semaphore(%run_scoped3A_148 : memref<!tpu.dma_semaphore, #tpu.memory_space<semaphore_mem>>) src(%arg7 : memref<128xf32, #tpu.memory_space<vmem>>) dst(%dma_wait3A_156 : memref<1048576xf32, #tpu.memory_space<vmem_shared>>)
      tpu.yield
    }) : () -> ()
    %run_scoped3A_25 = arith.constant 11 : i32
    "tpu.region"() ({
      %run_scoped3A_148 = tpu.sem_alloc : memref<!tpu.dma_semaphore, #tpu.memory_space<semaphore_mem>>
      %dma_start3A = arith.constant 0 : i32
      %dma_start3A_149 = tpu.memref_slice %arg6[%run_scoped3A_25, %dma_start3A] : memref<16x128xi32, #tpu.memory_space<vmem>> -> memref<1x128xi32, #tpu.memory_space<vmem>>
      %dma_start3A_150 = tpu.memref_squeeze %dma_start3A_149 : memref<1x128xi32, #tpu.memory_space<vmem>> -> memref<128xi32, #tpu.memory_space<vmem>>
      %dma_start3A_151 = arith.constant 0 : i32
      %dma_start3A_152 = tpu.memref_slice %arg9[%dma_start3A_151] : memref<1048576xf32, #tpu.memory_space<vmem_shared>> -> memref<1048576xf32, #tpu.memory_space<vmem_shared>>
      tpu.enqueue_indirect_dma source(%arg7 : memref<128xf32, #tpu.memory_space<vmem>>) target(%dma_start3A_152 : memref<1048576xf32, #tpu.memory_space<vmem_shared>>) offsets(%dma_start3A_150 : memref<128xi32, #tpu.memory_space<vmem>>) semaphore(%run_scoped3A_148 : memref<!tpu.dma_semaphore, #tpu.memory_space<semaphore_mem>>) {add = true}
      %dma_wait3A = arith.constant 0 : i32
      %dma_wait3A_153 = tpu.memref_slice %arg6[%run_scoped3A_25, %dma_wait3A] : memref<16x128xi32, #tpu.memory_space<vmem>> -> memref<1x128xi32, #tpu.memory_space<vmem>>
      %dma_wait3A_154 = tpu.memref_squeeze %dma_wait3A_153 : memref<1x128xi32, #tpu.memory_space<vmem>> -> memref<128xi32, #tpu.memory_space<vmem>>
      %dma_wait3A_155 = arith.constant 0 : i32
      %dma_wait3A_156 = tpu.memref_slice %arg9[%dma_wait3A_155] : memref<1048576xf32, #tpu.memory_space<vmem_shared>> -> memref<1048576xf32, #tpu.memory_space<vmem_shared>>
      tpu.wait_indirect_dma semaphore(%run_scoped3A_148 : memref<!tpu.dma_semaphore, #tpu.memory_space<semaphore_mem>>) src(%arg7 : memref<128xf32, #tpu.memory_space<vmem>>) dst(%dma_wait3A_156 : memref<1048576xf32, #tpu.memory_space<vmem_shared>>)
      tpu.yield
    }) : () -> ()
    %run_scoped3A_26 = arith.constant 12 : i32
    "tpu.region"() ({
      %run_scoped3A_148 = tpu.sem_alloc : memref<!tpu.dma_semaphore, #tpu.memory_space<semaphore_mem>>
      %dma_start3A = arith.constant 0 : i32
      %dma_start3A_149 = tpu.memref_slice %arg6[%run_scoped3A_26, %dma_start3A] : memref<16x128xi32, #tpu.memory_space<vmem>> -> memref<1x128xi32, #tpu.memory_space<vmem>>
      %dma_start3A_150 = tpu.memref_squeeze %dma_start3A_149 : memref<1x128xi32, #tpu.memory_space<vmem>> -> memref<128xi32, #tpu.memory_space<vmem>>
      %dma_start3A_151 = arith.constant 0 : i32
      %dma_start3A_152 = tpu.memref_slice %arg9[%dma_start3A_151] : memref<1048576xf32, #tpu.memory_space<vmem_shared>> -> memref<1048576xf32, #tpu.memory_space<vmem_shared>>
      tpu.enqueue_indirect_dma source(%arg7 : memref<128xf32, #tpu.memory_space<vmem>>) target(%dma_start3A_152 : memref<1048576xf32, #tpu.memory_space<vmem_shared>>) offsets(%dma_start3A_150 : memref<128xi32, #tpu.memory_space<vmem>>) semaphore(%run_scoped3A_148 : memref<!tpu.dma_semaphore, #tpu.memory_space<semaphore_mem>>) {add = true}
      %dma_wait3A = arith.constant 0 : i32
      %dma_wait3A_153 = tpu.memref_slice %arg6[%run_scoped3A_26, %dma_wait3A] : memref<16x128xi32, #tpu.memory_space<vmem>> -> memref<1x128xi32, #tpu.memory_space<vmem>>
      %dma_wait3A_154 = tpu.memref_squeeze %dma_wait3A_153 : memref<1x128xi32, #tpu.memory_space<vmem>> -> memref<128xi32, #tpu.memory_space<vmem>>
      %dma_wait3A_155 = arith.constant 0 : i32
      %dma_wait3A_156 = tpu.memref_slice %arg9[%dma_wait3A_155] : memref<1048576xf32, #tpu.memory_space<vmem_shared>> -> memref<1048576xf32, #tpu.memory_space<vmem_shared>>
      tpu.wait_indirect_dma semaphore(%run_scoped3A_148 : memref<!tpu.dma_semaphore, #tpu.memory_space<semaphore_mem>>) src(%arg7 : memref<128xf32, #tpu.memory_space<vmem>>) dst(%dma_wait3A_156 : memref<1048576xf32, #tpu.memory_space<vmem_shared>>)
      tpu.yield
    }) : () -> ()
    %run_scoped3A_27 = arith.constant 13 : i32
    "tpu.region"() ({
      %run_scoped3A_148 = tpu.sem_alloc : memref<!tpu.dma_semaphore, #tpu.memory_space<semaphore_mem>>
      %dma_start3A = arith.constant 0 : i32
      %dma_start3A_149 = tpu.memref_slice %arg6[%run_scoped3A_27, %dma_start3A] : memref<16x128xi32, #tpu.memory_space<vmem>> -> memref<1x128xi32, #tpu.memory_space<vmem>>
      %dma_start3A_150 = tpu.memref_squeeze %dma_start3A_149 : memref<1x128xi32, #tpu.memory_space<vmem>> -> memref<128xi32, #tpu.memory_space<vmem>>
      %dma_start3A_151 = arith.constant 0 : i32
      %dma_start3A_152 = tpu.memref_slice %arg9[%dma_start3A_151] : memref<1048576xf32, #tpu.memory_space<vmem_shared>> -> memref<1048576xf32, #tpu.memory_space<vmem_shared>>
      tpu.enqueue_indirect_dma source(%arg7 : memref<128xf32, #tpu.memory_space<vmem>>) target(%dma_start3A_152 : memref<1048576xf32, #tpu.memory_space<vmem_shared>>) offsets(%dma_start3A_150 : memref<128xi32, #tpu.memory_space<vmem>>) semaphore(%run_scoped3A_148 : memref<!tpu.dma_semaphore, #tpu.memory_space<semaphore_mem>>) {add = true}
      %dma_wait3A = arith.constant 0 : i32
      %dma_wait3A_153 = tpu.memref_slice %arg6[%run_scoped3A_27, %dma_wait3A] : memref<16x128xi32, #tpu.memory_space<vmem>> -> memref<1x128xi32, #tpu.memory_space<vmem>>
      %dma_wait3A_154 = tpu.memref_squeeze %dma_wait3A_153 : memref<1x128xi32, #tpu.memory_space<vmem>> -> memref<128xi32, #tpu.memory_space<vmem>>
      %dma_wait3A_155 = arith.constant 0 : i32
      %dma_wait3A_156 = tpu.memref_slice %arg9[%dma_wait3A_155] : memref<1048576xf32, #tpu.memory_space<vmem_shared>> -> memref<1048576xf32, #tpu.memory_space<vmem_shared>>
      tpu.wait_indirect_dma semaphore(%run_scoped3A_148 : memref<!tpu.dma_semaphore, #tpu.memory_space<semaphore_mem>>) src(%arg7 : memref<128xf32, #tpu.memory_space<vmem>>) dst(%dma_wait3A_156 : memref<1048576xf32, #tpu.memory_space<vmem_shared>>)
      tpu.yield
    }) : () -> ()
    %run_scoped3A_28 = arith.constant 14 : i32
    "tpu.region"() ({
      %run_scoped3A_148 = tpu.sem_alloc : memref<!tpu.dma_semaphore, #tpu.memory_space<semaphore_mem>>
      %dma_start3A = arith.constant 0 : i32
      %dma_start3A_149 = tpu.memref_slice %arg6[%run_scoped3A_28, %dma_start3A] : memref<16x128xi32, #tpu.memory_space<vmem>> -> memref<1x128xi32, #tpu.memory_space<vmem>>
      %dma_start3A_150 = tpu.memref_squeeze %dma_start3A_149 : memref<1x128xi32, #tpu.memory_space<vmem>> -> memref<128xi32, #tpu.memory_space<vmem>>
      %dma_start3A_151 = arith.constant 0 : i32
      %dma_start3A_152 = tpu.memref_slice %arg9[%dma_start3A_151] : memref<1048576xf32, #tpu.memory_space<vmem_shared>> -> memref<1048576xf32, #tpu.memory_space<vmem_shared>>
      tpu.enqueue_indirect_dma source(%arg7 : memref<128xf32, #tpu.memory_space<vmem>>) target(%dma_start3A_152 : memref<1048576xf32, #tpu.memory_space<vmem_shared>>) offsets(%dma_start3A_150 : memref<128xi32, #tpu.memory_space<vmem>>) semaphore(%run_scoped3A_148 : memref<!tpu.dma_semaphore, #tpu.memory_space<semaphore_mem>>) {add = true}
      %dma_wait3A = arith.constant 0 : i32
      %dma_wait3A_153 = tpu.memref_slice %arg6[%run_scoped3A_28, %dma_wait3A] : memref<16x128xi32, #tpu.memory_space<vmem>> -> memref<1x128xi32, #tpu.memory_space<vmem>>
      %dma_wait3A_154 = tpu.memref_squeeze %dma_wait3A_153 : memref<1x128xi32, #tpu.memory_space<vmem>> -> memref<128xi32, #tpu.memory_space<vmem>>
      %dma_wait3A_155 = arith.constant 0 : i32
      %dma_wait3A_156 = tpu.memref_slice %arg9[%dma_wait3A_155] : memref<1048576xf32, #tpu.memory_space<vmem_shared>> -> memref<1048576xf32, #tpu.memory_space<vmem_shared>>
      tpu.wait_indirect_dma semaphore(%run_scoped3A_148 : memref<!tpu.dma_semaphore, #tpu.memory_space<semaphore_mem>>) src(%arg7 : memref<128xf32, #tpu.memory_space<vmem>>) dst(%dma_wait3A_156 : memref<1048576xf32, #tpu.memory_space<vmem_shared>>)
      tpu.yield
    }) : () -> ()
    %run_scoped3A_29 = arith.constant 15 : i32
    "tpu.region"() ({
      %run_scoped3A_148 = tpu.sem_alloc : memref<!tpu.dma_semaphore, #tpu.memory_space<semaphore_mem>>
      %dma_start3A = arith.constant 0 : i32
      %dma_start3A_149 = tpu.memref_slice %arg6[%run_scoped3A_29, %dma_start3A] : memref<16x128xi32, #tpu.memory_space<vmem>> -> memref<1x128xi32, #tpu.memory_space<vmem>>
      %dma_start3A_150 = tpu.memref_squeeze %dma_start3A_149 : memref<1x128xi32, #tpu.memory_space<vmem>> -> memref<128xi32, #tpu.memory_space<vmem>>
      %dma_start3A_151 = arith.constant 0 : i32
      %dma_start3A_152 = tpu.memref_slice %arg9[%dma_start3A_151] : memref<1048576xf32, #tpu.memory_space<vmem_shared>> -> memref<1048576xf32, #tpu.memory_space<vmem_shared>>
      tpu.enqueue_indirect_dma source(%arg7 : memref<128xf32, #tpu.memory_space<vmem>>) target(%dma_start3A_152 : memref<1048576xf32, #tpu.memory_space<vmem_shared>>) offsets(%dma_start3A_150 : memref<128xi32, #tpu.memory_space<vmem>>) semaphore(%run_scoped3A_148 : memref<!tpu.dma_semaphore, #tpu.memory_space<semaphore_mem>>) {add = true}
      %dma_wait3A = arith.constant 0 : i32
      %dma_wait3A_153 = tpu.memref_slice %arg6[%run_scoped3A_29, %dma_wait3A] : memref<16x128xi32, #tpu.memory_space<vmem>> -> memref<1x128xi32, #tpu.memory_space<vmem>>
      %dma_wait3A_154 = tpu.memref_squeeze %dma_wait3A_153 : memref<1x128xi32, #tpu.memory_space<vmem>> -> memref<128xi32, #tpu.memory_space<vmem>>
      %dma_wait3A_155 = arith.constant 0 : i32
      %dma_wait3A_156 = tpu.memref_slice %arg9[%dma_wait3A_155] : memref<1048576xf32, #tpu.memory_space<vmem_shared>> -> memref<1048576xf32, #tpu.memory_space<vmem_shared>>
      tpu.wait_indirect_dma semaphore(%run_scoped3A_148 : memref<!tpu.dma_semaphore, #tpu.memory_space<semaphore_mem>>) src(%arg7 : memref<128xf32, #tpu.memory_space<vmem>>) dst(%dma_wait3A_156 : memref<1048576xf32, #tpu.memory_space<vmem_shared>>)
      tpu.yield
    }) : () -> ()
    %barrier3A_30 = arith.constant 0 : index
    tpu.barrier barrier_id(%barrier3A_30)
    %mul3A_31 = arith.constant 8 : i32
    %mul3A_32 = arith.muli %arg0, %mul3A_31 : i32
    %add3A_33 = arith.constant 0 : i32
    %add3A_34 = arith.addi %mul3A_32, %add3A_33 : i32
    %add3A_35 = arith.constant 0 : i32
    %add3A_36 = arith.addi %add3A_34, %add3A_35 : i32
    %mul3A_37 = arith.constant 16384 : i32
    %mul3A_38 = arith.muli %arg1, %mul3A_37 : i32
    %add3A_39 = arith.constant 0 : i32
    %add3A_40 = arith.addi %add3A_39, %mul3A_38 : i32
    "tpu.region"() ({
      %run_scoped3A_148 = tpu.sem_alloc : memref<!tpu.dma_semaphore, #tpu.memory_space<semaphore_mem>>
      %dma_start3A = arith.constant 0 : i32
      %dma_start3A_149 = tpu.memref_slice %arg5[%add3A_36, %arg1, %dma_start3A] : memref<16x16x16384xf32, #tpu.memory_space<hbm>> -> memref<1x1x16384xf32, #tpu.memory_space<hbm>>
      %dma_start3A_150 = tpu.memref_squeeze %dma_start3A_149 : memref<1x1x16384xf32, #tpu.memory_space<hbm>> -> memref<16384xf32, #tpu.memory_space<hbm>>
      %dma_start3A_151 = tpu.memref_slice %arg9[%add3A_40] : memref<1048576xf32, #tpu.memory_space<vmem_shared>> -> memref<16384xf32, #tpu.memory_space<vmem_shared>>
      tpu.enqueue_dma source(%dma_start3A_151 : memref<16384xf32, #tpu.memory_space<vmem_shared>>) target(%dma_start3A_150 : memref<16384xf32, #tpu.memory_space<hbm>>) target_semaphore(%run_scoped3A_148 : memref<!tpu.dma_semaphore, #tpu.memory_space<semaphore_mem>>)
      %dma_wait3A = arith.constant 0 : i32
      %dma_wait3A_152 = tpu.memref_slice %arg5[%add3A_36, %arg1, %dma_wait3A] : memref<16x16x16384xf32, #tpu.memory_space<hbm>> -> memref<1x1x16384xf32, #tpu.memory_space<hbm>>
      %dma_wait3A_153 = tpu.memref_squeeze %dma_wait3A_152 : memref<1x1x16384xf32, #tpu.memory_space<hbm>> -> memref<16384xf32, #tpu.memory_space<hbm>>
      %dma_wait3A_154 = tpu.memref_slice %arg9[%add3A_40] : memref<1048576xf32, #tpu.memory_space<vmem_shared>> -> memref<16384xf32, #tpu.memory_space<vmem_shared>>
      tpu.wait_dma2 semaphore(%run_scoped3A_148 : memref<!tpu.dma_semaphore, #tpu.memory_space<semaphore_mem>>) src(%dma_wait3A_154 : memref<16384xf32, #tpu.memory_space<vmem_shared>>) dst(%dma_wait3A_153 : memref<16384xf32, #tpu.memory_space<hbm>>)
      tpu.yield
    }) : () -> ()
    %mul3A_41 = arith.constant 8 : i32
    %mul3A_42 = arith.muli %arg0, %mul3A_41 : i32
    %add3A_43 = arith.constant 0 : i32
    %add3A_44 = arith.addi %mul3A_42, %add3A_43 : i32
    %add3A_45 = arith.constant 1 : i32
    %add3A_46 = arith.addi %add3A_44, %add3A_45 : i32
    %mul3A_47 = arith.constant 16384 : i32
    %mul3A_48 = arith.muli %arg1, %mul3A_47 : i32
    %add3A_49 = arith.constant 262144 : i32
    %add3A_50 = arith.addi %add3A_49, %mul3A_48 : i32
    "tpu.region"() ({
      %run_scoped3A_148 = tpu.sem_alloc : memref<!tpu.dma_semaphore, #tpu.memory_space<semaphore_mem>>
      %dma_start3A = arith.constant 0 : i32
      %dma_start3A_149 = tpu.memref_slice %arg5[%add3A_46, %arg1, %dma_start3A] : memref<16x16x16384xf32, #tpu.memory_space<hbm>> -> memref<1x1x16384xf32, #tpu.memory_space<hbm>>
      %dma_start3A_150 = tpu.memref_squeeze %dma_start3A_149 : memref<1x1x16384xf32, #tpu.memory_space<hbm>> -> memref<16384xf32, #tpu.memory_space<hbm>>
      %dma_start3A_151 = tpu.memref_slice %arg9[%add3A_50] : memref<1048576xf32, #tpu.memory_space<vmem_shared>> -> memref<16384xf32, #tpu.memory_space<vmem_shared>>
      tpu.enqueue_dma source(%dma_start3A_151 : memref<16384xf32, #tpu.memory_space<vmem_shared>>) target(%dma_start3A_150 : memref<16384xf32, #tpu.memory_space<hbm>>) target_semaphore(%run_scoped3A_148 : memref<!tpu.dma_semaphore, #tpu.memory_space<semaphore_mem>>)
      %dma_wait3A = arith.constant 0 : i32
      %dma_wait3A_152 = tpu.memref_slice %arg5[%add3A_46, %arg1, %dma_wait3A] : memref<16x16x16384xf32, #tpu.memory_space<hbm>> -> memref<1x1x16384xf32, #tpu.memory_space<hbm>>
      %dma_wait3A_153 = tpu.memref_squeeze %dma_wait3A_152 : memref<1x1x16384xf32, #tpu.memory_space<hbm>> -> memref<16384xf32, #tpu.memory_space<hbm>>
      %dma_wait3A_154 = tpu.memref_slice %arg9[%add3A_50] : memref<1048576xf32, #tpu.memory_space<vmem_shared>> -> memref<16384xf32, #tpu.memory_space<vmem_shared>>
      tpu.wait_dma2 semaphore(%run_scoped3A_148 : memref<!tpu.dma_semaphore, #tpu.memory_space<semaphore_mem>>) src(%dma_wait3A_154 : memref<16384xf32, #tpu.memory_space<vmem_shared>>) dst(%dma_wait3A_153 : memref<16384xf32, #tpu.memory_space<hbm>>)
      tpu.yield
    }) : () -> ()
    %mul3A_51 = arith.constant 8 : i32
    %mul3A_52 = arith.muli %arg0, %mul3A_51 : i32
    %add3A_53 = arith.constant 0 : i32
    %add3A_54 = arith.addi %mul3A_52, %add3A_53 : i32
    %add3A_55 = arith.constant 2 : i32
    %add3A_56 = arith.addi %add3A_54, %add3A_55 : i32
    %mul3A_57 = arith.constant 16384 : i32
    %mul3A_58 = arith.muli %arg1, %mul3A_57 : i32
    %add3A_59 = arith.constant 524288 : i32
    %add3A_60 = arith.addi %add3A_59, %mul3A_58 : i32
    "tpu.region"() ({
      %run_scoped3A_148 = tpu.sem_alloc : memref<!tpu.dma_semaphore, #tpu.memory_space<semaphore_mem>>
      %dma_start3A = arith.constant 0 : i32
      %dma_start3A_149 = tpu.memref_slice %arg5[%add3A_56, %arg1, %dma_start3A] : memref<16x16x16384xf32, #tpu.memory_space<hbm>> -> memref<1x1x16384xf32, #tpu.memory_space<hbm>>
      %dma_start3A_150 = tpu.memref_squeeze %dma_start3A_149 : memref<1x1x16384xf32, #tpu.memory_space<hbm>> -> memref<16384xf32, #tpu.memory_space<hbm>>
      %dma_start3A_151 = tpu.memref_slice %arg9[%add3A_60] : memref<1048576xf32, #tpu.memory_space<vmem_shared>> -> memref<16384xf32, #tpu.memory_space<vmem_shared>>
      tpu.enqueue_dma source(%dma_start3A_151 : memref<16384xf32, #tpu.memory_space<vmem_shared>>) target(%dma_start3A_150 : memref<16384xf32, #tpu.memory_space<hbm>>) target_semaphore(%run_scoped3A_148 : memref<!tpu.dma_semaphore, #tpu.memory_space<semaphore_mem>>)
      %dma_wait3A = arith.constant 0 : i32
      %dma_wait3A_152 = tpu.memref_slice %arg5[%add3A_56, %arg1, %dma_wait3A] : memref<16x16x16384xf32, #tpu.memory_space<hbm>> -> memref<1x1x16384xf32, #tpu.memory_space<hbm>>
      %dma_wait3A_153 = tpu.memref_squeeze %dma_wait3A_152 : memref<1x1x16384xf32, #tpu.memory_space<hbm>> -> memref<16384xf32, #tpu.memory_space<hbm>>
      %dma_wait3A_154 = tpu.memref_slice %arg9[%add3A_60] : memref<1048576xf32, #tpu.memory_space<vmem_shared>> -> memref<16384xf32, #tpu.memory_space<vmem_shared>>
      tpu.wait_dma2 semaphore(%run_scoped3A_148 : memref<!tpu.dma_semaphore, #tpu.memory_space<semaphore_mem>>) src(%dma_wait3A_154 : memref<16384xf32, #tpu.memory_space<vmem_shared>>) dst(%dma_wait3A_153 : memref<16384xf32, #tpu.memory_space<hbm>>)
      tpu.yield
    }) : () -> ()
    %mul3A_61 = arith.constant 8 : i32
    %mul3A_62 = arith.muli %arg0, %mul3A_61 : i32
    %add3A_63 = arith.constant 0 : i32
    %add3A_64 = arith.addi %mul3A_62, %add3A_63 : i32
    %add3A_65 = arith.constant 3 : i32
    %add3A_66 = arith.addi %add3A_64, %add3A_65 : i32
    %mul3A_67 = arith.constant 16384 : i32
    %mul3A_68 = arith.muli %arg1, %mul3A_67 : i32
    %add3A_69 = arith.constant 786432 : i32
    %add3A_70 = arith.addi %add3A_69, %mul3A_68 : i32
    "tpu.region"() ({
      %run_scoped3A_148 = tpu.sem_alloc : memref<!tpu.dma_semaphore, #tpu.memory_space<semaphore_mem>>
      %dma_start3A = arith.constant 0 : i32
      %dma_start3A_149 = tpu.memref_slice %arg5[%add3A_66, %arg1, %dma_start3A] : memref<16x16x16384xf32, #tpu.memory_space<hbm>> -> memref<1x1x16384xf32, #tpu.memory_space<hbm>>
      %dma_start3A_150 = tpu.memref_squeeze %dma_start3A_149 : memref<1x1x16384xf32, #tpu.memory_space<hbm>> -> memref<16384xf32, #tpu.memory_space<hbm>>
      %dma_start3A_151 = tpu.memref_slice %arg9[%add3A_70] : memref<1048576xf32, #tpu.memory_space<vmem_shared>> -> memref<16384xf32, #tpu.memory_space<vmem_shared>>
      tpu.enqueue_dma source(%dma_start3A_151 : memref<16384xf32, #tpu.memory_space<vmem_shared>>) target(%dma_start3A_150 : memref<16384xf32, #tpu.memory_space<hbm>>) target_semaphore(%run_scoped3A_148 : memref<!tpu.dma_semaphore, #tpu.memory_space<semaphore_mem>>)
      %dma_wait3A = arith.constant 0 : i32
      %dma_wait3A_152 = tpu.memref_slice %arg5[%add3A_66, %arg1, %dma_wait3A] : memref<16x16x16384xf32, #tpu.memory_space<hbm>> -> memref<1x1x16384xf32, #tpu.memory_space<hbm>>
      %dma_wait3A_153 = tpu.memref_squeeze %dma_wait3A_152 : memref<1x1x16384xf32, #tpu.memory_space<hbm>> -> memref<16384xf32, #tpu.memory_space<hbm>>
      %dma_wait3A_154 = tpu.memref_slice %arg9[%add3A_70] : memref<1048576xf32, #tpu.memory_space<vmem_shared>> -> memref<16384xf32, #tpu.memory_space<vmem_shared>>
      tpu.wait_dma2 semaphore(%run_scoped3A_148 : memref<!tpu.dma_semaphore, #tpu.memory_space<semaphore_mem>>) src(%dma_wait3A_154 : memref<16384xf32, #tpu.memory_space<vmem_shared>>) dst(%dma_wait3A_153 : memref<16384xf32, #tpu.memory_space<hbm>>)
      tpu.yield
    }) : () -> ()
    %barrier3A_71 = arith.constant 0 : index
    tpu.barrier barrier_id(%barrier3A_71)
    %mul3A_72 = arith.constant 16384 : i32
    %mul3A_73 = arith.muli %arg1, %mul3A_72 : i32
    %add3A_74 = arith.constant 0 : i32
    %add3A_75 = arith.addi %add3A_74, %mul3A_73 : i32
    "tpu.region"() ({
      %run_scoped3A_148 = tpu.sem_alloc : memref<!tpu.dma_semaphore, #tpu.memory_space<semaphore_mem>>
      %dma_start3A = tpu.memref_slice %arg9[%add3A_75] : memref<1048576xf32, #tpu.memory_space<vmem_shared>> -> memref<16384xf32, #tpu.memory_space<vmem_shared>>
      %dma_start3A_149 = tpu.memref_slice %arg9[%add3A_75] : memref<1048576xf32, #tpu.memory_space<vmem_shared>> -> memref<16384xf32, #tpu.memory_space<vmem_shared>>
      tpu.enqueue_dma source(%arg8 : memref<16384xf32, #tpu.memory_space<vmem>>) target(%dma_start3A_149 : memref<16384xf32, #tpu.memory_space<vmem_shared>>) target_semaphore(%run_scoped3A_148 : memref<!tpu.dma_semaphore, #tpu.memory_space<semaphore_mem>>)
      %dma_wait3A = tpu.memref_slice %arg9[%add3A_75] : memref<1048576xf32, #tpu.memory_space<vmem_shared>> -> memref<16384xf32, #tpu.memory_space<vmem_shared>>
      %dma_wait3A_150 = tpu.memref_slice %arg9[%add3A_75] : memref<1048576xf32, #tpu.memory_space<vmem_shared>> -> memref<16384xf32, #tpu.memory_space<vmem_shared>>
      tpu.wait_dma2 semaphore(%run_scoped3A_148 : memref<!tpu.dma_semaphore, #tpu.memory_space<semaphore_mem>>) src(%arg8 : memref<16384xf32, #tpu.memory_space<vmem>>) dst(%dma_wait3A_150 : memref<16384xf32, #tpu.memory_space<vmem_shared>>)
      tpu.yield
    }) : () -> ()
    %mul3A_76 = arith.constant 16384 : i32
    %mul3A_77 = arith.muli %arg1, %mul3A_76 : i32
    %add3A_78 = arith.constant 262144 : i32
    %add3A_79 = arith.addi %add3A_78, %mul3A_77 : i32
    "tpu.region"() ({
      %run_scoped3A_148 = tpu.sem_alloc : memref<!tpu.dma_semaphore, #tpu.memory_space<semaphore_mem>>
      %dma_start3A = tpu.memref_slice %arg9[%add3A_79] : memref<1048576xf32, #tpu.memory_space<vmem_shared>> -> memref<16384xf32, #tpu.memory_space<vmem_shared>>
      %dma_start3A_149 = tpu.memref_slice %arg9[%add3A_79] : memref<1048576xf32, #tpu.memory_space<vmem_shared>> -> memref<16384xf32, #tpu.memory_space<vmem_shared>>
      tpu.enqueue_dma source(%arg8 : memref<16384xf32, #tpu.memory_space<vmem>>) target(%dma_start3A_149 : memref<16384xf32, #tpu.memory_space<vmem_shared>>) target_semaphore(%run_scoped3A_148 : memref<!tpu.dma_semaphore, #tpu.memory_space<semaphore_mem>>)
      %dma_wait3A = tpu.memref_slice %arg9[%add3A_79] : memref<1048576xf32, #tpu.memory_space<vmem_shared>> -> memref<16384xf32, #tpu.memory_space<vmem_shared>>
      %dma_wait3A_150 = tpu.memref_slice %arg9[%add3A_79] : memref<1048576xf32, #tpu.memory_space<vmem_shared>> -> memref<16384xf32, #tpu.memory_space<vmem_shared>>
      tpu.wait_dma2 semaphore(%run_scoped3A_148 : memref<!tpu.dma_semaphore, #tpu.memory_space<semaphore_mem>>) src(%arg8 : memref<16384xf32, #tpu.memory_space<vmem>>) dst(%dma_wait3A_150 : memref<16384xf32, #tpu.memory_space<vmem_shared>>)
      tpu.yield
    }) : () -> ()
    %mul3A_80 = arith.constant 16384 : i32
    %mul3A_81 = arith.muli %arg1, %mul3A_80 : i32
    %add3A_82 = arith.constant 524288 : i32
    %add3A_83 = arith.addi %add3A_82, %mul3A_81 : i32
    "tpu.region"() ({
      %run_scoped3A_148 = tpu.sem_alloc : memref<!tpu.dma_semaphore, #tpu.memory_space<semaphore_mem>>
      %dma_start3A = tpu.memref_slice %arg9[%add3A_83] : memref<1048576xf32, #tpu.memory_space<vmem_shared>> -> memref<16384xf32, #tpu.memory_space<vmem_shared>>
      %dma_start3A_149 = tpu.memref_slice %arg9[%add3A_83] : memref<1048576xf32, #tpu.memory_space<vmem_shared>> -> memref<16384xf32, #tpu.memory_space<vmem_shared>>
      tpu.enqueue_dma source(%arg8 : memref<16384xf32, #tpu.memory_space<vmem>>) target(%dma_start3A_149 : memref<16384xf32, #tpu.memory_space<vmem_shared>>) target_semaphore(%run_scoped3A_148 : memref<!tpu.dma_semaphore, #tpu.memory_space<semaphore_mem>>)
      %dma_wait3A = tpu.memref_slice %arg9[%add3A_83] : memref<1048576xf32, #tpu.memory_space<vmem_shared>> -> memref<16384xf32, #tpu.memory_space<vmem_shared>>
      %dma_wait3A_150 = tpu.memref_slice %arg9[%add3A_83] : memref<1048576xf32, #tpu.memory_space<vmem_shared>> -> memref<16384xf32, #tpu.memory_space<vmem_shared>>
      tpu.wait_dma2 semaphore(%run_scoped3A_148 : memref<!tpu.dma_semaphore, #tpu.memory_space<semaphore_mem>>) src(%arg8 : memref<16384xf32, #tpu.memory_space<vmem>>) dst(%dma_wait3A_150 : memref<16384xf32, #tpu.memory_space<vmem_shared>>)
      tpu.yield
    }) : () -> ()
    %mul3A_84 = arith.constant 16384 : i32
    %mul3A_85 = arith.muli %arg1, %mul3A_84 : i32
    %add3A_86 = arith.constant 786432 : i32
    %add3A_87 = arith.addi %add3A_86, %mul3A_85 : i32
    "tpu.region"() ({
      %run_scoped3A_148 = tpu.sem_alloc : memref<!tpu.dma_semaphore, #tpu.memory_space<semaphore_mem>>
      %dma_start3A = tpu.memref_slice %arg9[%add3A_87] : memref<1048576xf32, #tpu.memory_space<vmem_shared>> -> memref<16384xf32, #tpu.memory_space<vmem_shared>>
      %dma_start3A_149 = tpu.memref_slice %arg9[%add3A_87] : memref<1048576xf32, #tpu.memory_space<vmem_shared>> -> memref<16384xf32, #tpu.memory_space<vmem_shared>>
      tpu.enqueue_dma source(%arg8 : memref<16384xf32, #tpu.memory_space<vmem>>) target(%dma_start3A_149 : memref<16384xf32, #tpu.memory_space<vmem_shared>>) target_semaphore(%run_scoped3A_148 : memref<!tpu.dma_semaphore, #tpu.memory_space<semaphore_mem>>)
      %dma_wait3A = tpu.memref_slice %arg9[%add3A_87] : memref<1048576xf32, #tpu.memory_space<vmem_shared>> -> memref<16384xf32, #tpu.memory_space<vmem_shared>>
      %dma_wait3A_150 = tpu.memref_slice %arg9[%add3A_87] : memref<1048576xf32, #tpu.memory_space<vmem_shared>> -> memref<16384xf32, #tpu.memory_space<vmem_shared>>
      tpu.wait_dma2 semaphore(%run_scoped3A_148 : memref<!tpu.dma_semaphore, #tpu.memory_space<semaphore_mem>>) src(%arg8 : memref<16384xf32, #tpu.memory_space<vmem>>) dst(%dma_wait3A_150 : memref<16384xf32, #tpu.memory_space<vmem_shared>>)
      tpu.yield
    }) : () -> ()
    %barrier3A_88 = arith.constant 0 : index
    tpu.barrier barrier_id(%barrier3A_88)
    %run_scoped3A_89 = arith.constant 1 : i32
    "tpu.region"() ({
      %run_scoped3A_148 = tpu.sem_alloc : memref<!tpu.dma_semaphore, #tpu.memory_space<semaphore_mem>>
      %dma_start3A = arith.constant 0 : i32
      %dma_start3A_149 = arith.constant 0 : i32
      %dma_start3A_150 = tpu.memref_slice %arg2[%arg0, %run_scoped3A_89, %arg1, %dma_start3A, %dma_start3A_149] : memref<2x2x16x16x128xi32, #tpu.memory_space<hbm>> -> memref<1x1x1x16x128xi32, #tpu.memory_space<hbm>>
      %dma_start3A_151 = tpu.memref_squeeze %dma_start3A_150 : memref<1x1x1x16x128xi32, #tpu.memory_space<hbm>> -> memref<16x128xi32, #tpu.memory_space<hbm>>
      %dma_start3A_152 = arith.constant 0 : i32
      %dma_start3A_153 = arith.constant 0 : i32
      %dma_start3A_154 = tpu.memref_slice %arg2[%arg0, %run_scoped3A_89, %arg1, %dma_start3A_152, %dma_start3A_153] : memref<2x2x16x16x128xi32, #tpu.memory_space<hbm>> -> memref<1x1x1x16x128xi32, #tpu.memory_space<hbm>>
      %dma_start3A_155 = tpu.memref_squeeze %dma_start3A_154 : memref<1x1x1x16x128xi32, #tpu.memory_space<hbm>> -> memref<16x128xi32, #tpu.memory_space<hbm>>
      tpu.enqueue_dma source(%dma_start3A_155 : memref<16x128xi32, #tpu.memory_space<hbm>>) target(%arg6 : memref<16x128xi32, #tpu.memory_space<vmem>>) target_semaphore(%run_scoped3A_148 : memref<!tpu.dma_semaphore, #tpu.memory_space<semaphore_mem>>)
      %dma_wait3A = arith.constant 0 : i32
      %dma_wait3A_156 = arith.constant 0 : i32
      %dma_wait3A_157 = tpu.memref_slice %arg2[%arg0, %run_scoped3A_89, %arg1, %dma_wait3A, %dma_wait3A_156] : memref<2x2x16x16x128xi32, #tpu.memory_space<hbm>> -> memref<1x1x1x16x128xi32, #tpu.memory_space<hbm>>
      %dma_wait3A_158 = tpu.memref_squeeze %dma_wait3A_157 : memref<1x1x1x16x128xi32, #tpu.memory_space<hbm>> -> memref<16x128xi32, #tpu.memory_space<hbm>>
      %dma_wait3A_159 = arith.constant 0 : i32
      %dma_wait3A_160 = arith.constant 0 : i32
      %dma_wait3A_161 = tpu.memref_slice %arg2[%arg0, %run_scoped3A_89, %arg1, %dma_wait3A_159, %dma_wait3A_160] : memref<2x2x16x16x128xi32, #tpu.memory_space<hbm>> -> memref<1x1x1x16x128xi32, #tpu.memory_space<hbm>>
      %dma_wait3A_162 = tpu.memref_squeeze %dma_wait3A_161 : memref<1x1x1x16x128xi32, #tpu.memory_space<hbm>> -> memref<16x128xi32, #tpu.memory_space<hbm>>
      tpu.wait_dma2 semaphore(%run_scoped3A_148 : memref<!tpu.dma_semaphore, #tpu.memory_space<semaphore_mem>>) src(%dma_wait3A_162 : memref<16x128xi32, #tpu.memory_space<hbm>>) dst(%arg6 : memref<16x128xi32, #tpu.memory_space<vmem>>)
      tpu.yield
    }) : () -> ()
    %run_scoped3A_90 = arith.constant 0 : i32
    "tpu.region"() ({
      %run_scoped3A_148 = tpu.sem_alloc : memref<!tpu.dma_semaphore, #tpu.memory_space<semaphore_mem>>
      %dma_start3A = arith.constant 0 : i32
      %dma_start3A_149 = tpu.memref_slice %arg6[%run_scoped3A_90, %dma_start3A] : memref<16x128xi32, #tpu.memory_space<vmem>> -> memref<1x128xi32, #tpu.memory_space<vmem>>
      %dma_start3A_150 = tpu.memref_squeeze %dma_start3A_149 : memref<1x128xi32, #tpu.memory_space<vmem>> -> memref<128xi32, #tpu.memory_space<vmem>>
      %dma_start3A_151 = arith.constant 0 : i32
      %dma_start3A_152 = tpu.memref_slice %arg9[%dma_start3A_151] : memref<1048576xf32, #tpu.memory_space<vmem_shared>> -> memref<1048576xf32, #tpu.memory_space<vmem_shared>>
      tpu.enqueue_indirect_dma source(%arg7 : memref<128xf32, #tpu.memory_space<vmem>>) target(%dma_start3A_152 : memref<1048576xf32, #tpu.memory_space<vmem_shared>>) offsets(%dma_start3A_150 : memref<128xi32, #tpu.memory_space<vmem>>) semaphore(%run_scoped3A_148 : memref<!tpu.dma_semaphore, #tpu.memory_space<semaphore_mem>>) {add = true}
      %dma_wait3A = arith.constant 0 : i32
      %dma_wait3A_153 = tpu.memref_slice %arg6[%run_scoped3A_90, %dma_wait3A] : memref<16x128xi32, #tpu.memory_space<vmem>> -> memref<1x128xi32, #tpu.memory_space<vmem>>
      %dma_wait3A_154 = tpu.memref_squeeze %dma_wait3A_153 : memref<1x128xi32, #tpu.memory_space<vmem>> -> memref<128xi32, #tpu.memory_space<vmem>>
      %dma_wait3A_155 = arith.constant 0 : i32
      %dma_wait3A_156 = tpu.memref_slice %arg9[%dma_wait3A_155] : memref<1048576xf32, #tpu.memory_space<vmem_shared>> -> memref<1048576xf32, #tpu.memory_space<vmem_shared>>
      tpu.wait_indirect_dma semaphore(%run_scoped3A_148 : memref<!tpu.dma_semaphore, #tpu.memory_space<semaphore_mem>>) src(%arg7 : memref<128xf32, #tpu.memory_space<vmem>>) dst(%dma_wait3A_156 : memref<1048576xf32, #tpu.memory_space<vmem_shared>>)
      tpu.yield
    }) : () -> ()
    %run_scoped3A_91 = arith.constant 1 : i32
    "tpu.region"() ({
      %run_scoped3A_148 = tpu.sem_alloc : memref<!tpu.dma_semaphore, #tpu.memory_space<semaphore_mem>>
      %dma_start3A = arith.constant 0 : i32
      %dma_start3A_149 = tpu.memref_slice %arg6[%run_scoped3A_91, %dma_start3A] : memref<16x128xi32, #tpu.memory_space<vmem>> -> memref<1x128xi32, #tpu.memory_space<vmem>>
      %dma_start3A_150 = tpu.memref_squeeze %dma_start3A_149 : memref<1x128xi32, #tpu.memory_space<vmem>> -> memref<128xi32, #tpu.memory_space<vmem>>
      %dma_start3A_151 = arith.constant 0 : i32
      %dma_start3A_152 = tpu.memref_slice %arg9[%dma_start3A_151] : memref<1048576xf32, #tpu.memory_space<vmem_shared>> -> memref<1048576xf32, #tpu.memory_space<vmem_shared>>
      tpu.enqueue_indirect_dma source(%arg7 : memref<128xf32, #tpu.memory_space<vmem>>) target(%dma_start3A_152 : memref<1048576xf32, #tpu.memory_space<vmem_shared>>) offsets(%dma_start3A_150 : memref<128xi32, #tpu.memory_space<vmem>>) semaphore(%run_scoped3A_148 : memref<!tpu.dma_semaphore, #tpu.memory_space<semaphore_mem>>) {add = true}
      %dma_wait3A = arith.constant 0 : i32
      %dma_wait3A_153 = tpu.memref_slice %arg6[%run_scoped3A_91, %dma_wait3A] : memref<16x128xi32, #tpu.memory_space<vmem>> -> memref<1x128xi32, #tpu.memory_space<vmem>>
      %dma_wait3A_154 = tpu.memref_squeeze %dma_wait3A_153 : memref<1x128xi32, #tpu.memory_space<vmem>> -> memref<128xi32, #tpu.memory_space<vmem>>
      %dma_wait3A_155 = arith.constant 0 : i32
      %dma_wait3A_156 = tpu.memref_slice %arg9[%dma_wait3A_155] : memref<1048576xf32, #tpu.memory_space<vmem_shared>> -> memref<1048576xf32, #tpu.memory_space<vmem_shared>>
      tpu.wait_indirect_dma semaphore(%run_scoped3A_148 : memref<!tpu.dma_semaphore, #tpu.memory_space<semaphore_mem>>) src(%arg7 : memref<128xf32, #tpu.memory_space<vmem>>) dst(%dma_wait3A_156 : memref<1048576xf32, #tpu.memory_space<vmem_shared>>)
      tpu.yield
    }) : () -> ()
    %run_scoped3A_92 = arith.constant 2 : i32
    "tpu.region"() ({
      %run_scoped3A_148 = tpu.sem_alloc : memref<!tpu.dma_semaphore, #tpu.memory_space<semaphore_mem>>
      %dma_start3A = arith.constant 0 : i32
      %dma_start3A_149 = tpu.memref_slice %arg6[%run_scoped3A_92, %dma_start3A] : memref<16x128xi32, #tpu.memory_space<vmem>> -> memref<1x128xi32, #tpu.memory_space<vmem>>
      %dma_start3A_150 = tpu.memref_squeeze %dma_start3A_149 : memref<1x128xi32, #tpu.memory_space<vmem>> -> memref<128xi32, #tpu.memory_space<vmem>>
      %dma_start3A_151 = arith.constant 0 : i32
      %dma_start3A_152 = tpu.memref_slice %arg9[%dma_start3A_151] : memref<1048576xf32, #tpu.memory_space<vmem_shared>> -> memref<1048576xf32, #tpu.memory_space<vmem_shared>>
      tpu.enqueue_indirect_dma source(%arg7 : memref<128xf32, #tpu.memory_space<vmem>>) target(%dma_start3A_152 : memref<1048576xf32, #tpu.memory_space<vmem_shared>>) offsets(%dma_start3A_150 : memref<128xi32, #tpu.memory_space<vmem>>) semaphore(%run_scoped3A_148 : memref<!tpu.dma_semaphore, #tpu.memory_space<semaphore_mem>>) {add = true}
      %dma_wait3A = arith.constant 0 : i32
      %dma_wait3A_153 = tpu.memref_slice %arg6[%run_scoped3A_92, %dma_wait3A] : memref<16x128xi32, #tpu.memory_space<vmem>> -> memref<1x128xi32, #tpu.memory_space<vmem>>
      %dma_wait3A_154 = tpu.memref_squeeze %dma_wait3A_153 : memref<1x128xi32, #tpu.memory_space<vmem>> -> memref<128xi32, #tpu.memory_space<vmem>>
      %dma_wait3A_155 = arith.constant 0 : i32
      %dma_wait3A_156 = tpu.memref_slice %arg9[%dma_wait3A_155] : memref<1048576xf32, #tpu.memory_space<vmem_shared>> -> memref<1048576xf32, #tpu.memory_space<vmem_shared>>
      tpu.wait_indirect_dma semaphore(%run_scoped3A_148 : memref<!tpu.dma_semaphore, #tpu.memory_space<semaphore_mem>>) src(%arg7 : memref<128xf32, #tpu.memory_space<vmem>>) dst(%dma_wait3A_156 : memref<1048576xf32, #tpu.memory_space<vmem_shared>>)
      tpu.yield
    }) : () -> ()
    %run_scoped3A_93 = arith.constant 3 : i32
    "tpu.region"() ({
      %run_scoped3A_148 = tpu.sem_alloc : memref<!tpu.dma_semaphore, #tpu.memory_space<semaphore_mem>>
      %dma_start3A = arith.constant 0 : i32
      %dma_start3A_149 = tpu.memref_slice %arg6[%run_scoped3A_93, %dma_start3A] : memref<16x128xi32, #tpu.memory_space<vmem>> -> memref<1x128xi32, #tpu.memory_space<vmem>>
      %dma_start3A_150 = tpu.memref_squeeze %dma_start3A_149 : memref<1x128xi32, #tpu.memory_space<vmem>> -> memref<128xi32, #tpu.memory_space<vmem>>
      %dma_start3A_151 = arith.constant 0 : i32
      %dma_start3A_152 = tpu.memref_slice %arg9[%dma_start3A_151] : memref<1048576xf32, #tpu.memory_space<vmem_shared>> -> memref<1048576xf32, #tpu.memory_space<vmem_shared>>
      tpu.enqueue_indirect_dma source(%arg7 : memref<128xf32, #tpu.memory_space<vmem>>) target(%dma_start3A_152 : memref<1048576xf32, #tpu.memory_space<vmem_shared>>) offsets(%dma_start3A_150 : memref<128xi32, #tpu.memory_space<vmem>>) semaphore(%run_scoped3A_148 : memref<!tpu.dma_semaphore, #tpu.memory_space<semaphore_mem>>) {add = true}
      %dma_wait3A = arith.constant 0 : i32
      %dma_wait3A_153 = tpu.memref_slice %arg6[%run_scoped3A_93, %dma_wait3A] : memref<16x128xi32, #tpu.memory_space<vmem>> -> memref<1x128xi32, #tpu.memory_space<vmem>>
      %dma_wait3A_154 = tpu.memref_squeeze %dma_wait3A_153 : memref<1x128xi32, #tpu.memory_space<vmem>> -> memref<128xi32, #tpu.memory_space<vmem>>
      %dma_wait3A_155 = arith.constant 0 : i32
      %dma_wait3A_156 = tpu.memref_slice %arg9[%dma_wait3A_155] : memref<1048576xf32, #tpu.memory_space<vmem_shared>> -> memref<1048576xf32, #tpu.memory_space<vmem_shared>>
      tpu.wait_indirect_dma semaphore(%run_scoped3A_148 : memref<!tpu.dma_semaphore, #tpu.memory_space<semaphore_mem>>) src(%arg7 : memref<128xf32, #tpu.memory_space<vmem>>) dst(%dma_wait3A_156 : memref<1048576xf32, #tpu.memory_space<vmem_shared>>)
      tpu.yield
    }) : () -> ()
    %run_scoped3A_94 = arith.constant 4 : i32
    "tpu.region"() ({
      %run_scoped3A_148 = tpu.sem_alloc : memref<!tpu.dma_semaphore, #tpu.memory_space<semaphore_mem>>
      %dma_start3A = arith.constant 0 : i32
      %dma_start3A_149 = tpu.memref_slice %arg6[%run_scoped3A_94, %dma_start3A] : memref<16x128xi32, #tpu.memory_space<vmem>> -> memref<1x128xi32, #tpu.memory_space<vmem>>
      %dma_start3A_150 = tpu.memref_squeeze %dma_start3A_149 : memref<1x128xi32, #tpu.memory_space<vmem>> -> memref<128xi32, #tpu.memory_space<vmem>>
      %dma_start3A_151 = arith.constant 0 : i32
      %dma_start3A_152 = tpu.memref_slice %arg9[%dma_start3A_151] : memref<1048576xf32, #tpu.memory_space<vmem_shared>> -> memref<1048576xf32, #tpu.memory_space<vmem_shared>>
      tpu.enqueue_indirect_dma source(%arg7 : memref<128xf32, #tpu.memory_space<vmem>>) target(%dma_start3A_152 : memref<1048576xf32, #tpu.memory_space<vmem_shared>>) offsets(%dma_start3A_150 : memref<128xi32, #tpu.memory_space<vmem>>) semaphore(%run_scoped3A_148 : memref<!tpu.dma_semaphore, #tpu.memory_space<semaphore_mem>>) {add = true}
      %dma_wait3A = arith.constant 0 : i32
      %dma_wait3A_153 = tpu.memref_slice %arg6[%run_scoped3A_94, %dma_wait3A] : memref<16x128xi32, #tpu.memory_space<vmem>> -> memref<1x128xi32, #tpu.memory_space<vmem>>
      %dma_wait3A_154 = tpu.memref_squeeze %dma_wait3A_153 : memref<1x128xi32, #tpu.memory_space<vmem>> -> memref<128xi32, #tpu.memory_space<vmem>>
      %dma_wait3A_155 = arith.constant 0 : i32
      %dma_wait3A_156 = tpu.memref_slice %arg9[%dma_wait3A_155] : memref<1048576xf32, #tpu.memory_space<vmem_shared>> -> memref<1048576xf32, #tpu.memory_space<vmem_shared>>
      tpu.wait_indirect_dma semaphore(%run_scoped3A_148 : memref<!tpu.dma_semaphore, #tpu.memory_space<semaphore_mem>>) src(%arg7 : memref<128xf32, #tpu.memory_space<vmem>>) dst(%dma_wait3A_156 : memref<1048576xf32, #tpu.memory_space<vmem_shared>>)
      tpu.yield
    }) : () -> ()
    %run_scoped3A_95 = arith.constant 5 : i32
    "tpu.region"() ({
      %run_scoped3A_148 = tpu.sem_alloc : memref<!tpu.dma_semaphore, #tpu.memory_space<semaphore_mem>>
      %dma_start3A = arith.constant 0 : i32
      %dma_start3A_149 = tpu.memref_slice %arg6[%run_scoped3A_95, %dma_start3A] : memref<16x128xi32, #tpu.memory_space<vmem>> -> memref<1x128xi32, #tpu.memory_space<vmem>>
      %dma_start3A_150 = tpu.memref_squeeze %dma_start3A_149 : memref<1x128xi32, #tpu.memory_space<vmem>> -> memref<128xi32, #tpu.memory_space<vmem>>
      %dma_start3A_151 = arith.constant 0 : i32
      %dma_start3A_152 = tpu.memref_slice %arg9[%dma_start3A_151] : memref<1048576xf32, #tpu.memory_space<vmem_shared>> -> memref<1048576xf32, #tpu.memory_space<vmem_shared>>
      tpu.enqueue_indirect_dma source(%arg7 : memref<128xf32, #tpu.memory_space<vmem>>) target(%dma_start3A_152 : memref<1048576xf32, #tpu.memory_space<vmem_shared>>) offsets(%dma_start3A_150 : memref<128xi32, #tpu.memory_space<vmem>>) semaphore(%run_scoped3A_148 : memref<!tpu.dma_semaphore, #tpu.memory_space<semaphore_mem>>) {add = true}
      %dma_wait3A = arith.constant 0 : i32
      %dma_wait3A_153 = tpu.memref_slice %arg6[%run_scoped3A_95, %dma_wait3A] : memref<16x128xi32, #tpu.memory_space<vmem>> -> memref<1x128xi32, #tpu.memory_space<vmem>>
      %dma_wait3A_154 = tpu.memref_squeeze %dma_wait3A_153 : memref<1x128xi32, #tpu.memory_space<vmem>> -> memref<128xi32, #tpu.memory_space<vmem>>
      %dma_wait3A_155 = arith.constant 0 : i32
      %dma_wait3A_156 = tpu.memref_slice %arg9[%dma_wait3A_155] : memref<1048576xf32, #tpu.memory_space<vmem_shared>> -> memref<1048576xf32, #tpu.memory_space<vmem_shared>>
      tpu.wait_indirect_dma semaphore(%run_scoped3A_148 : memref<!tpu.dma_semaphore, #tpu.memory_space<semaphore_mem>>) src(%arg7 : memref<128xf32, #tpu.memory_space<vmem>>) dst(%dma_wait3A_156 : memref<1048576xf32, #tpu.memory_space<vmem_shared>>)
      tpu.yield
    }) : () -> ()
    %run_scoped3A_96 = arith.constant 6 : i32
    "tpu.region"() ({
      %run_scoped3A_148 = tpu.sem_alloc : memref<!tpu.dma_semaphore, #tpu.memory_space<semaphore_mem>>
      %dma_start3A = arith.constant 0 : i32
      %dma_start3A_149 = tpu.memref_slice %arg6[%run_scoped3A_96, %dma_start3A] : memref<16x128xi32, #tpu.memory_space<vmem>> -> memref<1x128xi32, #tpu.memory_space<vmem>>
      %dma_start3A_150 = tpu.memref_squeeze %dma_start3A_149 : memref<1x128xi32, #tpu.memory_space<vmem>> -> memref<128xi32, #tpu.memory_space<vmem>>
      %dma_start3A_151 = arith.constant 0 : i32
      %dma_start3A_152 = tpu.memref_slice %arg9[%dma_start3A_151] : memref<1048576xf32, #tpu.memory_space<vmem_shared>> -> memref<1048576xf32, #tpu.memory_space<vmem_shared>>
      tpu.enqueue_indirect_dma source(%arg7 : memref<128xf32, #tpu.memory_space<vmem>>) target(%dma_start3A_152 : memref<1048576xf32, #tpu.memory_space<vmem_shared>>) offsets(%dma_start3A_150 : memref<128xi32, #tpu.memory_space<vmem>>) semaphore(%run_scoped3A_148 : memref<!tpu.dma_semaphore, #tpu.memory_space<semaphore_mem>>) {add = true}
      %dma_wait3A = arith.constant 0 : i32
      %dma_wait3A_153 = tpu.memref_slice %arg6[%run_scoped3A_96, %dma_wait3A] : memref<16x128xi32, #tpu.memory_space<vmem>> -> memref<1x128xi32, #tpu.memory_space<vmem>>
      %dma_wait3A_154 = tpu.memref_squeeze %dma_wait3A_153 : memref<1x128xi32, #tpu.memory_space<vmem>> -> memref<128xi32, #tpu.memory_space<vmem>>
      %dma_wait3A_155 = arith.constant 0 : i32
      %dma_wait3A_156 = tpu.memref_slice %arg9[%dma_wait3A_155] : memref<1048576xf32, #tpu.memory_space<vmem_shared>> -> memref<1048576xf32, #tpu.memory_space<vmem_shared>>
      tpu.wait_indirect_dma semaphore(%run_scoped3A_148 : memref<!tpu.dma_semaphore, #tpu.memory_space<semaphore_mem>>) src(%arg7 : memref<128xf32, #tpu.memory_space<vmem>>) dst(%dma_wait3A_156 : memref<1048576xf32, #tpu.memory_space<vmem_shared>>)
      tpu.yield
    }) : () -> ()
    %run_scoped3A_97 = arith.constant 7 : i32
    "tpu.region"() ({
      %run_scoped3A_148 = tpu.sem_alloc : memref<!tpu.dma_semaphore, #tpu.memory_space<semaphore_mem>>
      %dma_start3A = arith.constant 0 : i32
      %dma_start3A_149 = tpu.memref_slice %arg6[%run_scoped3A_97, %dma_start3A] : memref<16x128xi32, #tpu.memory_space<vmem>> -> memref<1x128xi32, #tpu.memory_space<vmem>>
      %dma_start3A_150 = tpu.memref_squeeze %dma_start3A_149 : memref<1x128xi32, #tpu.memory_space<vmem>> -> memref<128xi32, #tpu.memory_space<vmem>>
      %dma_start3A_151 = arith.constant 0 : i32
      %dma_start3A_152 = tpu.memref_slice %arg9[%dma_start3A_151] : memref<1048576xf32, #tpu.memory_space<vmem_shared>> -> memref<1048576xf32, #tpu.memory_space<vmem_shared>>
      tpu.enqueue_indirect_dma source(%arg7 : memref<128xf32, #tpu.memory_space<vmem>>) target(%dma_start3A_152 : memref<1048576xf32, #tpu.memory_space<vmem_shared>>) offsets(%dma_start3A_150 : memref<128xi32, #tpu.memory_space<vmem>>) semaphore(%run_scoped3A_148 : memref<!tpu.dma_semaphore, #tpu.memory_space<semaphore_mem>>) {add = true}
      %dma_wait3A = arith.constant 0 : i32
      %dma_wait3A_153 = tpu.memref_slice %arg6[%run_scoped3A_97, %dma_wait3A] : memref<16x128xi32, #tpu.memory_space<vmem>> -> memref<1x128xi32, #tpu.memory_space<vmem>>
      %dma_wait3A_154 = tpu.memref_squeeze %dma_wait3A_153 : memref<1x128xi32, #tpu.memory_space<vmem>> -> memref<128xi32, #tpu.memory_space<vmem>>
      %dma_wait3A_155 = arith.constant 0 : i32
      %dma_wait3A_156 = tpu.memref_slice %arg9[%dma_wait3A_155] : memref<1048576xf32, #tpu.memory_space<vmem_shared>> -> memref<1048576xf32, #tpu.memory_space<vmem_shared>>
      tpu.wait_indirect_dma semaphore(%run_scoped3A_148 : memref<!tpu.dma_semaphore, #tpu.memory_space<semaphore_mem>>) src(%arg7 : memref<128xf32, #tpu.memory_space<vmem>>) dst(%dma_wait3A_156 : memref<1048576xf32, #tpu.memory_space<vmem_shared>>)
      tpu.yield
    }) : () -> ()
    %run_scoped3A_98 = arith.constant 8 : i32
    "tpu.region"() ({
      %run_scoped3A_148 = tpu.sem_alloc : memref<!tpu.dma_semaphore, #tpu.memory_space<semaphore_mem>>
      %dma_start3A = arith.constant 0 : i32
      %dma_start3A_149 = tpu.memref_slice %arg6[%run_scoped3A_98, %dma_start3A] : memref<16x128xi32, #tpu.memory_space<vmem>> -> memref<1x128xi32, #tpu.memory_space<vmem>>
      %dma_start3A_150 = tpu.memref_squeeze %dma_start3A_149 : memref<1x128xi32, #tpu.memory_space<vmem>> -> memref<128xi32, #tpu.memory_space<vmem>>
      %dma_start3A_151 = arith.constant 0 : i32
      %dma_start3A_152 = tpu.memref_slice %arg9[%dma_start3A_151] : memref<1048576xf32, #tpu.memory_space<vmem_shared>> -> memref<1048576xf32, #tpu.memory_space<vmem_shared>>
      tpu.enqueue_indirect_dma source(%arg7 : memref<128xf32, #tpu.memory_space<vmem>>) target(%dma_start3A_152 : memref<1048576xf32, #tpu.memory_space<vmem_shared>>) offsets(%dma_start3A_150 : memref<128xi32, #tpu.memory_space<vmem>>) semaphore(%run_scoped3A_148 : memref<!tpu.dma_semaphore, #tpu.memory_space<semaphore_mem>>) {add = true}
      %dma_wait3A = arith.constant 0 : i32
      %dma_wait3A_153 = tpu.memref_slice %arg6[%run_scoped3A_98, %dma_wait3A] : memref<16x128xi32, #tpu.memory_space<vmem>> -> memref<1x128xi32, #tpu.memory_space<vmem>>
      %dma_wait3A_154 = tpu.memref_squeeze %dma_wait3A_153 : memref<1x128xi32, #tpu.memory_space<vmem>> -> memref<128xi32, #tpu.memory_space<vmem>>
      %dma_wait3A_155 = arith.constant 0 : i32
      %dma_wait3A_156 = tpu.memref_slice %arg9[%dma_wait3A_155] : memref<1048576xf32, #tpu.memory_space<vmem_shared>> -> memref<1048576xf32, #tpu.memory_space<vmem_shared>>
      tpu.wait_indirect_dma semaphore(%run_scoped3A_148 : memref<!tpu.dma_semaphore, #tpu.memory_space<semaphore_mem>>) src(%arg7 : memref<128xf32, #tpu.memory_space<vmem>>) dst(%dma_wait3A_156 : memref<1048576xf32, #tpu.memory_space<vmem_shared>>)
      tpu.yield
    }) : () -> ()
    %run_scoped3A_99 = arith.constant 9 : i32
    "tpu.region"() ({
      %run_scoped3A_148 = tpu.sem_alloc : memref<!tpu.dma_semaphore, #tpu.memory_space<semaphore_mem>>
      %dma_start3A = arith.constant 0 : i32
      %dma_start3A_149 = tpu.memref_slice %arg6[%run_scoped3A_99, %dma_start3A] : memref<16x128xi32, #tpu.memory_space<vmem>> -> memref<1x128xi32, #tpu.memory_space<vmem>>
      %dma_start3A_150 = tpu.memref_squeeze %dma_start3A_149 : memref<1x128xi32, #tpu.memory_space<vmem>> -> memref<128xi32, #tpu.memory_space<vmem>>
      %dma_start3A_151 = arith.constant 0 : i32
      %dma_start3A_152 = tpu.memref_slice %arg9[%dma_start3A_151] : memref<1048576xf32, #tpu.memory_space<vmem_shared>> -> memref<1048576xf32, #tpu.memory_space<vmem_shared>>
      tpu.enqueue_indirect_dma source(%arg7 : memref<128xf32, #tpu.memory_space<vmem>>) target(%dma_start3A_152 : memref<1048576xf32, #tpu.memory_space<vmem_shared>>) offsets(%dma_start3A_150 : memref<128xi32, #tpu.memory_space<vmem>>) semaphore(%run_scoped3A_148 : memref<!tpu.dma_semaphore, #tpu.memory_space<semaphore_mem>>) {add = true}
      %dma_wait3A = arith.constant 0 : i32
      %dma_wait3A_153 = tpu.memref_slice %arg6[%run_scoped3A_99, %dma_wait3A] : memref<16x128xi32, #tpu.memory_space<vmem>> -> memref<1x128xi32, #tpu.memory_space<vmem>>
      %dma_wait3A_154 = tpu.memref_squeeze %dma_wait3A_153 : memref<1x128xi32, #tpu.memory_space<vmem>> -> memref<128xi32, #tpu.memory_space<vmem>>
      %dma_wait3A_155 = arith.constant 0 : i32
      %dma_wait3A_156 = tpu.memref_slice %arg9[%dma_wait3A_155] : memref<1048576xf32, #tpu.memory_space<vmem_shared>> -> memref<1048576xf32, #tpu.memory_space<vmem_shared>>
      tpu.wait_indirect_dma semaphore(%run_scoped3A_148 : memref<!tpu.dma_semaphore, #tpu.memory_space<semaphore_mem>>) src(%arg7 : memref<128xf32, #tpu.memory_space<vmem>>) dst(%dma_wait3A_156 : memref<1048576xf32, #tpu.memory_space<vmem_shared>>)
      tpu.yield
    }) : () -> ()
    %run_scoped3A_100 = arith.constant 10 : i32
    "tpu.region"() ({
      %run_scoped3A_148 = tpu.sem_alloc : memref<!tpu.dma_semaphore, #tpu.memory_space<semaphore_mem>>
      %dma_start3A = arith.constant 0 : i32
      %dma_start3A_149 = tpu.memref_slice %arg6[%run_scoped3A_100, %dma_start3A] : memref<16x128xi32, #tpu.memory_space<vmem>> -> memref<1x128xi32, #tpu.memory_space<vmem>>
      %dma_start3A_150 = tpu.memref_squeeze %dma_start3A_149 : memref<1x128xi32, #tpu.memory_space<vmem>> -> memref<128xi32, #tpu.memory_space<vmem>>
      %dma_start3A_151 = arith.constant 0 : i32
      %dma_start3A_152 = tpu.memref_slice %arg9[%dma_start3A_151] : memref<1048576xf32, #tpu.memory_space<vmem_shared>> -> memref<1048576xf32, #tpu.memory_space<vmem_shared>>
      tpu.enqueue_indirect_dma source(%arg7 : memref<128xf32, #tpu.memory_space<vmem>>) target(%dma_start3A_152 : memref<1048576xf32, #tpu.memory_space<vmem_shared>>) offsets(%dma_start3A_150 : memref<128xi32, #tpu.memory_space<vmem>>) semaphore(%run_scoped3A_148 : memref<!tpu.dma_semaphore, #tpu.memory_space<semaphore_mem>>) {add = true}
      %dma_wait3A = arith.constant 0 : i32
      %dma_wait3A_153 = tpu.memref_slice %arg6[%run_scoped3A_100, %dma_wait3A] : memref<16x128xi32, #tpu.memory_space<vmem>> -> memref<1x128xi32, #tpu.memory_space<vmem>>
      %dma_wait3A_154 = tpu.memref_squeeze %dma_wait3A_153 : memref<1x128xi32, #tpu.memory_space<vmem>> -> memref<128xi32, #tpu.memory_space<vmem>>
      %dma_wait3A_155 = arith.constant 0 : i32
      %dma_wait3A_156 = tpu.memref_slice %arg9[%dma_wait3A_155] : memref<1048576xf32, #tpu.memory_space<vmem_shared>> -> memref<1048576xf32, #tpu.memory_space<vmem_shared>>
      tpu.wait_indirect_dma semaphore(%run_scoped3A_148 : memref<!tpu.dma_semaphore, #tpu.memory_space<semaphore_mem>>) src(%arg7 : memref<128xf32, #tpu.memory_space<vmem>>) dst(%dma_wait3A_156 : memref<1048576xf32, #tpu.memory_space<vmem_shared>>)
      tpu.yield
    }) : () -> ()
    %run_scoped3A_101 = arith.constant 11 : i32
    "tpu.region"() ({
      %run_scoped3A_148 = tpu.sem_alloc : memref<!tpu.dma_semaphore, #tpu.memory_space<semaphore_mem>>
      %dma_start3A = arith.constant 0 : i32
      %dma_start3A_149 = tpu.memref_slice %arg6[%run_scoped3A_101, %dma_start3A] : memref<16x128xi32, #tpu.memory_space<vmem>> -> memref<1x128xi32, #tpu.memory_space<vmem>>
      %dma_start3A_150 = tpu.memref_squeeze %dma_start3A_149 : memref<1x128xi32, #tpu.memory_space<vmem>> -> memref<128xi32, #tpu.memory_space<vmem>>
      %dma_start3A_151 = arith.constant 0 : i32
      %dma_start3A_152 = tpu.memref_slice %arg9[%dma_start3A_151] : memref<1048576xf32, #tpu.memory_space<vmem_shared>> -> memref<1048576xf32, #tpu.memory_space<vmem_shared>>
      tpu.enqueue_indirect_dma source(%arg7 : memref<128xf32, #tpu.memory_space<vmem>>) target(%dma_start3A_152 : memref<1048576xf32, #tpu.memory_space<vmem_shared>>) offsets(%dma_start3A_150 : memref<128xi32, #tpu.memory_space<vmem>>) semaphore(%run_scoped3A_148 : memref<!tpu.dma_semaphore, #tpu.memory_space<semaphore_mem>>) {add = true}
      %dma_wait3A = arith.constant 0 : i32
      %dma_wait3A_153 = tpu.memref_slice %arg6[%run_scoped3A_101, %dma_wait3A] : memref<16x128xi32, #tpu.memory_space<vmem>> -> memref<1x128xi32, #tpu.memory_space<vmem>>
      %dma_wait3A_154 = tpu.memref_squeeze %dma_wait3A_153 : memref<1x128xi32, #tpu.memory_space<vmem>> -> memref<128xi32, #tpu.memory_space<vmem>>
      %dma_wait3A_155 = arith.constant 0 : i32
      %dma_wait3A_156 = tpu.memref_slice %arg9[%dma_wait3A_155] : memref<1048576xf32, #tpu.memory_space<vmem_shared>> -> memref<1048576xf32, #tpu.memory_space<vmem_shared>>
      tpu.wait_indirect_dma semaphore(%run_scoped3A_148 : memref<!tpu.dma_semaphore, #tpu.memory_space<semaphore_mem>>) src(%arg7 : memref<128xf32, #tpu.memory_space<vmem>>) dst(%dma_wait3A_156 : memref<1048576xf32, #tpu.memory_space<vmem_shared>>)
      tpu.yield
    }) : () -> ()
    %run_scoped3A_102 = arith.constant 12 : i32
    "tpu.region"() ({
      %run_scoped3A_148 = tpu.sem_alloc : memref<!tpu.dma_semaphore, #tpu.memory_space<semaphore_mem>>
      %dma_start3A = arith.constant 0 : i32
      %dma_start3A_149 = tpu.memref_slice %arg6[%run_scoped3A_102, %dma_start3A] : memref<16x128xi32, #tpu.memory_space<vmem>> -> memref<1x128xi32, #tpu.memory_space<vmem>>
      %dma_start3A_150 = tpu.memref_squeeze %dma_start3A_149 : memref<1x128xi32, #tpu.memory_space<vmem>> -> memref<128xi32, #tpu.memory_space<vmem>>
      %dma_start3A_151 = arith.constant 0 : i32
      %dma_start3A_152 = tpu.memref_slice %arg9[%dma_start3A_151] : memref<1048576xf32, #tpu.memory_space<vmem_shared>> -> memref<1048576xf32, #tpu.memory_space<vmem_shared>>
      tpu.enqueue_indirect_dma source(%arg7 : memref<128xf32, #tpu.memory_space<vmem>>) target(%dma_start3A_152 : memref<1048576xf32, #tpu.memory_space<vmem_shared>>) offsets(%dma_start3A_150 : memref<128xi32, #tpu.memory_space<vmem>>) semaphore(%run_scoped3A_148 : memref<!tpu.dma_semaphore, #tpu.memory_space<semaphore_mem>>) {add = true}
      %dma_wait3A = arith.constant 0 : i32
      %dma_wait3A_153 = tpu.memref_slice %arg6[%run_scoped3A_102, %dma_wait3A] : memref<16x128xi32, #tpu.memory_space<vmem>> -> memref<1x128xi32, #tpu.memory_space<vmem>>
      %dma_wait3A_154 = tpu.memref_squeeze %dma_wait3A_153 : memref<1x128xi32, #tpu.memory_space<vmem>> -> memref<128xi32, #tpu.memory_space<vmem>>
      %dma_wait3A_155 = arith.constant 0 : i32
      %dma_wait3A_156 = tpu.memref_slice %arg9[%dma_wait3A_155] : memref<1048576xf32, #tpu.memory_space<vmem_shared>> -> memref<1048576xf32, #tpu.memory_space<vmem_shared>>
      tpu.wait_indirect_dma semaphore(%run_scoped3A_148 : memref<!tpu.dma_semaphore, #tpu.memory_space<semaphore_mem>>) src(%arg7 : memref<128xf32, #tpu.memory_space<vmem>>) dst(%dma_wait3A_156 : memref<1048576xf32, #tpu.memory_space<vmem_shared>>)
      tpu.yield
    }) : () -> ()
    %run_scoped3A_103 = arith.constant 13 : i32
    "tpu.region"() ({
      %run_scoped3A_148 = tpu.sem_alloc : memref<!tpu.dma_semaphore, #tpu.memory_space<semaphore_mem>>
      %dma_start3A = arith.constant 0 : i32
      %dma_start3A_149 = tpu.memref_slice %arg6[%run_scoped3A_103, %dma_start3A] : memref<16x128xi32, #tpu.memory_space<vmem>> -> memref<1x128xi32, #tpu.memory_space<vmem>>
      %dma_start3A_150 = tpu.memref_squeeze %dma_start3A_149 : memref<1x128xi32, #tpu.memory_space<vmem>> -> memref<128xi32, #tpu.memory_space<vmem>>
      %dma_start3A_151 = arith.constant 0 : i32
      %dma_start3A_152 = tpu.memref_slice %arg9[%dma_start3A_151] : memref<1048576xf32, #tpu.memory_space<vmem_shared>> -> memref<1048576xf32, #tpu.memory_space<vmem_shared>>
      tpu.enqueue_indirect_dma source(%arg7 : memref<128xf32, #tpu.memory_space<vmem>>) target(%dma_start3A_152 : memref<1048576xf32, #tpu.memory_space<vmem_shared>>) offsets(%dma_start3A_150 : memref<128xi32, #tpu.memory_space<vmem>>) semaphore(%run_scoped3A_148 : memref<!tpu.dma_semaphore, #tpu.memory_space<semaphore_mem>>) {add = true}
      %dma_wait3A = arith.constant 0 : i32
      %dma_wait3A_153 = tpu.memref_slice %arg6[%run_scoped3A_103, %dma_wait3A] : memref<16x128xi32, #tpu.memory_space<vmem>> -> memref<1x128xi32, #tpu.memory_space<vmem>>
      %dma_wait3A_154 = tpu.memref_squeeze %dma_wait3A_153 : memref<1x128xi32, #tpu.memory_space<vmem>> -> memref<128xi32, #tpu.memory_space<vmem>>
      %dma_wait3A_155 = arith.constant 0 : i32
      %dma_wait3A_156 = tpu.memref_slice %arg9[%dma_wait3A_155] : memref<1048576xf32, #tpu.memory_space<vmem_shared>> -> memref<1048576xf32, #tpu.memory_space<vmem_shared>>
      tpu.wait_indirect_dma semaphore(%run_scoped3A_148 : memref<!tpu.dma_semaphore, #tpu.memory_space<semaphore_mem>>) src(%arg7 : memref<128xf32, #tpu.memory_space<vmem>>) dst(%dma_wait3A_156 : memref<1048576xf32, #tpu.memory_space<vmem_shared>>)
      tpu.yield
    }) : () -> ()
    %run_scoped3A_104 = arith.constant 14 : i32
    "tpu.region"() ({
      %run_scoped3A_148 = tpu.sem_alloc : memref<!tpu.dma_semaphore, #tpu.memory_space<semaphore_mem>>
      %dma_start3A = arith.constant 0 : i32
      %dma_start3A_149 = tpu.memref_slice %arg6[%run_scoped3A_104, %dma_start3A] : memref<16x128xi32, #tpu.memory_space<vmem>> -> memref<1x128xi32, #tpu.memory_space<vmem>>
      %dma_start3A_150 = tpu.memref_squeeze %dma_start3A_149 : memref<1x128xi32, #tpu.memory_space<vmem>> -> memref<128xi32, #tpu.memory_space<vmem>>
      %dma_start3A_151 = arith.constant 0 : i32
      %dma_start3A_152 = tpu.memref_slice %arg9[%dma_start3A_151] : memref<1048576xf32, #tpu.memory_space<vmem_shared>> -> memref<1048576xf32, #tpu.memory_space<vmem_shared>>
      tpu.enqueue_indirect_dma source(%arg7 : memref<128xf32, #tpu.memory_space<vmem>>) target(%dma_start3A_152 : memref<1048576xf32, #tpu.memory_space<vmem_shared>>) offsets(%dma_start3A_150 : memref<128xi32, #tpu.memory_space<vmem>>) semaphore(%run_scoped3A_148 : memref<!tpu.dma_semaphore, #tpu.memory_space<semaphore_mem>>) {add = true}
      %dma_wait3A = arith.constant 0 : i32
      %dma_wait3A_153 = tpu.memref_slice %arg6[%run_scoped3A_104, %dma_wait3A] : memref<16x128xi32, #tpu.memory_space<vmem>> -> memref<1x128xi32, #tpu.memory_space<vmem>>
      %dma_wait3A_154 = tpu.memref_squeeze %dma_wait3A_153 : memref<1x128xi32, #tpu.memory_space<vmem>> -> memref<128xi32, #tpu.memory_space<vmem>>
      %dma_wait3A_155 = arith.constant 0 : i32
      %dma_wait3A_156 = tpu.memref_slice %arg9[%dma_wait3A_155] : memref<1048576xf32, #tpu.memory_space<vmem_shared>> -> memref<1048576xf32, #tpu.memory_space<vmem_shared>>
      tpu.wait_indirect_dma semaphore(%run_scoped3A_148 : memref<!tpu.dma_semaphore, #tpu.memory_space<semaphore_mem>>) src(%arg7 : memref<128xf32, #tpu.memory_space<vmem>>) dst(%dma_wait3A_156 : memref<1048576xf32, #tpu.memory_space<vmem_shared>>)
      tpu.yield
    }) : () -> ()
    %run_scoped3A_105 = arith.constant 15 : i32
    "tpu.region"() ({
      %run_scoped3A_148 = tpu.sem_alloc : memref<!tpu.dma_semaphore, #tpu.memory_space<semaphore_mem>>
      %dma_start3A = arith.constant 0 : i32
      %dma_start3A_149 = tpu.memref_slice %arg6[%run_scoped3A_105, %dma_start3A] : memref<16x128xi32, #tpu.memory_space<vmem>> -> memref<1x128xi32, #tpu.memory_space<vmem>>
      %dma_start3A_150 = tpu.memref_squeeze %dma_start3A_149 : memref<1x128xi32, #tpu.memory_space<vmem>> -> memref<128xi32, #tpu.memory_space<vmem>>
      %dma_start3A_151 = arith.constant 0 : i32
      %dma_start3A_152 = tpu.memref_slice %arg9[%dma_start3A_151] : memref<1048576xf32, #tpu.memory_space<vmem_shared>> -> memref<1048576xf32, #tpu.memory_space<vmem_shared>>
      tpu.enqueue_indirect_dma source(%arg7 : memref<128xf32, #tpu.memory_space<vmem>>) target(%dma_start3A_152 : memref<1048576xf32, #tpu.memory_space<vmem_shared>>) offsets(%dma_start3A_150 : memref<128xi32, #tpu.memory_space<vmem>>) semaphore(%run_scoped3A_148 : memref<!tpu.dma_semaphore, #tpu.memory_space<semaphore_mem>>) {add = true}
      %dma_wait3A = arith.constant 0 : i32
      %dma_wait3A_153 = tpu.memref_slice %arg6[%run_scoped3A_105, %dma_wait3A] : memref<16x128xi32, #tpu.memory_space<vmem>> -> memref<1x128xi32, #tpu.memory_space<vmem>>
      %dma_wait3A_154 = tpu.memref_squeeze %dma_wait3A_153 : memref<1x128xi32, #tpu.memory_space<vmem>> -> memref<128xi32, #tpu.memory_space<vmem>>
      %dma_wait3A_155 = arith.constant 0 : i32
      %dma_wait3A_156 = tpu.memref_slice %arg9[%dma_wait3A_155] : memref<1048576xf32, #tpu.memory_space<vmem_shared>> -> memref<1048576xf32, #tpu.memory_space<vmem_shared>>
      tpu.wait_indirect_dma semaphore(%run_scoped3A_148 : memref<!tpu.dma_semaphore, #tpu.memory_space<semaphore_mem>>) src(%arg7 : memref<128xf32, #tpu.memory_space<vmem>>) dst(%dma_wait3A_156 : memref<1048576xf32, #tpu.memory_space<vmem_shared>>)
      tpu.yield
    }) : () -> ()
    %barrier3A_106 = arith.constant 0 : index
    tpu.barrier barrier_id(%barrier3A_106)
    %mul3A_107 = arith.constant 8 : i32
    %mul3A_108 = arith.muli %arg0, %mul3A_107 : i32
    %add3A_109 = arith.constant 4 : i32
    %add3A_110 = arith.addi %mul3A_108, %add3A_109 : i32
    %add3A_111 = arith.constant 0 : i32
    %add3A_112 = arith.addi %add3A_110, %add3A_111 : i32
    %mul3A_113 = arith.constant 16384 : i32
    %mul3A_114 = arith.muli %arg1, %mul3A_113 : i32
    %add3A_115 = arith.constant 0 : i32
    %add3A_116 = arith.addi %add3A_115, %mul3A_114 : i32
    "tpu.region"() ({
      %run_scoped3A_148 = tpu.sem_alloc : memref<!tpu.dma_semaphore, #tpu.memory_space<semaphore_mem>>
      %dma_start3A = arith.constant 0 : i32
      %dma_start3A_149 = tpu.memref_slice %arg5[%add3A_112, %arg1, %dma_start3A] : memref<16x16x16384xf32, #tpu.memory_space<hbm>> -> memref<1x1x16384xf32, #tpu.memory_space<hbm>>
      %dma_start3A_150 = tpu.memref_squeeze %dma_start3A_149 : memref<1x1x16384xf32, #tpu.memory_space<hbm>> -> memref<16384xf32, #tpu.memory_space<hbm>>
      %dma_start3A_151 = tpu.memref_slice %arg9[%add3A_116] : memref<1048576xf32, #tpu.memory_space<vmem_shared>> -> memref<16384xf32, #tpu.memory_space<vmem_shared>>
      tpu.enqueue_dma source(%dma_start3A_151 : memref<16384xf32, #tpu.memory_space<vmem_shared>>) target(%dma_start3A_150 : memref<16384xf32, #tpu.memory_space<hbm>>) target_semaphore(%run_scoped3A_148 : memref<!tpu.dma_semaphore, #tpu.memory_space<semaphore_mem>>)
      %dma_wait3A = arith.constant 0 : i32
      %dma_wait3A_152 = tpu.memref_slice %arg5[%add3A_112, %arg1, %dma_wait3A] : memref<16x16x16384xf32, #tpu.memory_space<hbm>> -> memref<1x1x16384xf32, #tpu.memory_space<hbm>>
      %dma_wait3A_153 = tpu.memref_squeeze %dma_wait3A_152 : memref<1x1x16384xf32, #tpu.memory_space<hbm>> -> memref<16384xf32, #tpu.memory_space<hbm>>
      %dma_wait3A_154 = tpu.memref_slice %arg9[%add3A_116] : memref<1048576xf32, #tpu.memory_space<vmem_shared>> -> memref<16384xf32, #tpu.memory_space<vmem_shared>>
      tpu.wait_dma2 semaphore(%run_scoped3A_148 : memref<!tpu.dma_semaphore, #tpu.memory_space<semaphore_mem>>) src(%dma_wait3A_154 : memref<16384xf32, #tpu.memory_space<vmem_shared>>) dst(%dma_wait3A_153 : memref<16384xf32, #tpu.memory_space<hbm>>)
      tpu.yield
    }) : () -> ()
    %mul3A_117 = arith.constant 8 : i32
    %mul3A_118 = arith.muli %arg0, %mul3A_117 : i32
    %add3A_119 = arith.constant 4 : i32
    %add3A_120 = arith.addi %mul3A_118, %add3A_119 : i32
    %add3A_121 = arith.constant 1 : i32
    %add3A_122 = arith.addi %add3A_120, %add3A_121 : i32
    %mul3A_123 = arith.constant 16384 : i32
    %mul3A_124 = arith.muli %arg1, %mul3A_123 : i32
    %add3A_125 = arith.constant 262144 : i32
    %add3A_126 = arith.addi %add3A_125, %mul3A_124 : i32
    "tpu.region"() ({
      %run_scoped3A_148 = tpu.sem_alloc : memref<!tpu.dma_semaphore, #tpu.memory_space<semaphore_mem>>
      %dma_start3A = arith.constant 0 : i32
      %dma_start3A_149 = tpu.memref_slice %arg5[%add3A_122, %arg1, %dma_start3A] : memref<16x16x16384xf32, #tpu.memory_space<hbm>> -> memref<1x1x16384xf32, #tpu.memory_space<hbm>>
      %dma_start3A_150 = tpu.memref_squeeze %dma_start3A_149 : memref<1x1x16384xf32, #tpu.memory_space<hbm>> -> memref<16384xf32, #tpu.memory_space<hbm>>
      %dma_start3A_151 = tpu.memref_slice %arg9[%add3A_126] : memref<1048576xf32, #tpu.memory_space<vmem_shared>> -> memref<16384xf32, #tpu.memory_space<vmem_shared>>
      tpu.enqueue_dma source(%dma_start3A_151 : memref<16384xf32, #tpu.memory_space<vmem_shared>>) target(%dma_start3A_150 : memref<16384xf32, #tpu.memory_space<hbm>>) target_semaphore(%run_scoped3A_148 : memref<!tpu.dma_semaphore, #tpu.memory_space<semaphore_mem>>)
      %dma_wait3A = arith.constant 0 : i32
      %dma_wait3A_152 = tpu.memref_slice %arg5[%add3A_122, %arg1, %dma_wait3A] : memref<16x16x16384xf32, #tpu.memory_space<hbm>> -> memref<1x1x16384xf32, #tpu.memory_space<hbm>>
      %dma_wait3A_153 = tpu.memref_squeeze %dma_wait3A_152 : memref<1x1x16384xf32, #tpu.memory_space<hbm>> -> memref<16384xf32, #tpu.memory_space<hbm>>
      %dma_wait3A_154 = tpu.memref_slice %arg9[%add3A_126] : memref<1048576xf32, #tpu.memory_space<vmem_shared>> -> memref<16384xf32, #tpu.memory_space<vmem_shared>>
      tpu.wait_dma2 semaphore(%run_scoped3A_148 : memref<!tpu.dma_semaphore, #tpu.memory_space<semaphore_mem>>) src(%dma_wait3A_154 : memref<16384xf32, #tpu.memory_space<vmem_shared>>) dst(%dma_wait3A_153 : memref<16384xf32, #tpu.memory_space<hbm>>)
      tpu.yield
    }) : () -> ()
    %mul3A_127 = arith.constant 8 : i32
    %mul3A_128 = arith.muli %arg0, %mul3A_127 : i32
    %add3A_129 = arith.constant 4 : i32
    %add3A_130 = arith.addi %mul3A_128, %add3A_129 : i32
    %add3A_131 = arith.constant 2 : i32
    %add3A_132 = arith.addi %add3A_130, %add3A_131 : i32
    %mul3A_133 = arith.constant 16384 : i32
    %mul3A_134 = arith.muli %arg1, %mul3A_133 : i32
    %add3A_135 = arith.constant 524288 : i32
    %add3A_136 = arith.addi %add3A_135, %mul3A_134 : i32
    "tpu.region"() ({
      %run_scoped3A_148 = tpu.sem_alloc : memref<!tpu.dma_semaphore, #tpu.memory_space<semaphore_mem>>
      %dma_start3A = arith.constant 0 : i32
      %dma_start3A_149 = tpu.memref_slice %arg5[%add3A_132, %arg1, %dma_start3A] : memref<16x16x16384xf32, #tpu.memory_space<hbm>> -> memref<1x1x16384xf32, #tpu.memory_space<hbm>>
      %dma_start3A_150 = tpu.memref_squeeze %dma_start3A_149 : memref<1x1x16384xf32, #tpu.memory_space<hbm>> -> memref<16384xf32, #tpu.memory_space<hbm>>
      %dma_start3A_151 = tpu.memref_slice %arg9[%add3A_136] : memref<1048576xf32, #tpu.memory_space<vmem_shared>> -> memref<16384xf32, #tpu.memory_space<vmem_shared>>
      tpu.enqueue_dma source(%dma_start3A_151 : memref<16384xf32, #tpu.memory_space<vmem_shared>>) target(%dma_start3A_150 : memref<16384xf32, #tpu.memory_space<hbm>>) target_semaphore(%run_scoped3A_148 : memref<!tpu.dma_semaphore, #tpu.memory_space<semaphore_mem>>)
      %dma_wait3A = arith.constant 0 : i32
      %dma_wait3A_152 = tpu.memref_slice %arg5[%add3A_132, %arg1, %dma_wait3A] : memref<16x16x16384xf32, #tpu.memory_space<hbm>> -> memref<1x1x16384xf32, #tpu.memory_space<hbm>>
      %dma_wait3A_153 = tpu.memref_squeeze %dma_wait3A_152 : memref<1x1x16384xf32, #tpu.memory_space<hbm>> -> memref<16384xf32, #tpu.memory_space<hbm>>
      %dma_wait3A_154 = tpu.memref_slice %arg9[%add3A_136] : memref<1048576xf32, #tpu.memory_space<vmem_shared>> -> memref<16384xf32, #tpu.memory_space<vmem_shared>>
      tpu.wait_dma2 semaphore(%run_scoped3A_148 : memref<!tpu.dma_semaphore, #tpu.memory_space<semaphore_mem>>) src(%dma_wait3A_154 : memref<16384xf32, #tpu.memory_space<vmem_shared>>) dst(%dma_wait3A_153 : memref<16384xf32, #tpu.memory_space<hbm>>)
      tpu.yield
    }) : () -> ()
    %mul3A_137 = arith.constant 8 : i32
    %mul3A_138 = arith.muli %arg0, %mul3A_137 : i32
    %add3A_139 = arith.constant 4 : i32
    %add3A_140 = arith.addi %mul3A_138, %add3A_139 : i32
    %add3A_141 = arith.constant 3 : i32
    %add3A_142 = arith.addi %add3A_140, %add3A_141 : i32
    %mul3A_143 = arith.constant 16384 : i32
    %mul3A_144 = arith.muli %arg1, %mul3A_143 : i32
    %add3A_145 = arith.constant 786432 : i32
    %add3A_146 = arith.addi %add3A_145, %mul3A_144 : i32
    "tpu.region"() ({
      %run_scoped3A_148 = tpu.sem_alloc : memref<!tpu.dma_semaphore, #tpu.memory_space<semaphore_mem>>
      %dma_start3A = arith.constant 0 : i32
      %dma_start3A_149 = tpu.memref_slice %arg5[%add3A_142, %arg1, %dma_start3A] : memref<16x16x16384xf32, #tpu.memory_space<hbm>> -> memref<1x1x16384xf32, #tpu.memory_space<hbm>>
      %dma_start3A_150 = tpu.memref_squeeze %dma_start3A_149 : memref<1x1x16384xf32, #tpu.memory_space<hbm>> -> memref<16384xf32, #tpu.memory_space<hbm>>
      %dma_start3A_151 = tpu.memref_slice %arg9[%add3A_146] : memref<1048576xf32, #tpu.memory_space<vmem_shared>> -> memref<16384xf32, #tpu.memory_space<vmem_shared>>
      tpu.enqueue_dma source(%dma_start3A_151 : memref<16384xf32, #tpu.memory_space<vmem_shared>>) target(%dma_start3A_150 : memref<16384xf32, #tpu.memory_space<hbm>>) target_semaphore(%run_scoped3A_148 : memref<!tpu.dma_semaphore, #tpu.memory_space<semaphore_mem>>)
      %dma_wait3A = arith.constant 0 : i32
      %dma_wait3A_152 = tpu.memref_slice %arg5[%add3A_142, %arg1, %dma_wait3A] : memref<16x16x16384xf32, #tpu.memory_space<hbm>> -> memref<1x1x16384xf32, #tpu.memory_space<hbm>>
      %dma_wait3A_153 = tpu.memref_squeeze %dma_wait3A_152 : memref<1x1x16384xf32, #tpu.memory_space<hbm>> -> memref<16384xf32, #tpu.memory_space<hbm>>
      %dma_wait3A_154 = tpu.memref_slice %arg9[%add3A_146] : memref<1048576xf32, #tpu.memory_space<vmem_shared>> -> memref<16384xf32, #tpu.memory_space<vmem_shared>>
      tpu.wait_dma2 semaphore(%run_scoped3A_148 : memref<!tpu.dma_semaphore, #tpu.memory_space<semaphore_mem>>) src(%dma_wait3A_154 : memref<16384xf32, #tpu.memory_space<vmem_shared>>) dst(%dma_wait3A_153 : memref<16384xf32, #tpu.memory_space<hbm>>)
      tpu.yield
    }) : () -> ()
    %barrier3A_147 = arith.constant 0 : index
    tpu.barrier barrier_id(%barrier3A_147)
    return
  }
}

module attributes {stable_mosaic.version = 14 : i64} {
  func.func @body(%arg0: i32, %arg1: i32, %arg2: memref<1x512x128xf32, #tpu.memory_space<vmem>>, %arg3: memref<128x512xf32, #tpu.memory_space<vmem>>, %arg4: memref<2x256xf32, #tpu.memory_space<vmem>>, %arg5: memref<2x256xf32, #tpu.memory_space<vmem>>, %arg6: memref<1x512x512xf32, #tpu.memory_space<vmem>>, %arg7: memref<1x2x512xf32, #tpu.memory_space<vmem>>, %arg8: memref<1x2x512xf32, #tpu.memory_space<vmem>>) attributes {dimension_semantics = [#tpu.dimension_semantics<parallel>, #tpu.dimension_semantics<parallel>], iteration_bounds = array<i64: 16, 1>, scalar_prefetch = 0 : i64, scratch_operands = 0 : i64, tpu.core_type = #tpu.core_type<tc>, window_params = [{transform_indices = @transform_0, window_bounds = array<i64: 1, 512, 128>}, {pipeline_mode = #tpu.pipeline_mode<synchronous>, transform_indices = @transform_1, window_bounds = array<i64: 128, 512>}, {pipeline_mode = #tpu.pipeline_mode<synchronous>, transform_indices = @transform_2, window_bounds = array<i64: 2, 256>}, {pipeline_mode = #tpu.pipeline_mode<synchronous>, transform_indices = @transform_3, window_bounds = array<i64: 2, 256>}, {transform_indices = @transform_4, window_bounds = array<i64: 1, 512, 512>}, {transform_indices = @transform_5, window_bounds = array<i64: 1, 2, 512>}, {transform_indices = @transform_6, window_bounds = array<i64: 1, 2, 512>}]} {
    %get3A = arith.constant 0 : index
    %get3A_0 = arith.constant 0 : index
    %get3A_1 = arith.constant 0 : index
    %get3A_2 = vector.load %arg2[%get3A, %get3A_0, %get3A_1] : memref<1x512x128xf32, #tpu.memory_space<vmem>>, vector<1x512x128xf32>
    %get3A_3 = vector.shape_cast %get3A_2 : vector<1x512x128xf32> to vector<512x128xf32>
    %get3A_4 = arith.constant 0 : index
    %get3A_5 = arith.constant 0 : index
    %get3A_6 = vector.load %arg3[%get3A_4, %get3A_5] : memref<128x512xf32, #tpu.memory_space<vmem>>, vector<128x512xf32>
    %dot_general3A = arith.constant dense<0.000000e+00> : vector<512x512xf32>
    %dot_general3A_7 = tpu.matmul %get3A_3, %get3A_6, %dot_general3A {dimension_numbers = #tpu.dot_dimension_numbers<[1], [0], [0], [1], [0, 0, 1, 1], [], []>, transpose_lhs_hint = false} : vector<512x128xf32>, vector<128x512xf32>, vector<512x512xf32> -> vector<512x512xf32>
    %swap3A = arith.constant 0 : index
    %swap3A_8 = arith.constant 0 : index
    %swap3A_9 = arith.constant 0 : index
    %swap3A_10 = vector.load %arg6[%swap3A, %swap3A_8, %swap3A_9] : memref<1x512x512xf32, #tpu.memory_space<vmem>>, vector<1x512x512xf32>
    %swap3A_11 = vector.shape_cast %swap3A_10 : vector<1x512x512xf32> to vector<512x512xf32>
    %swap3A_12 = vector.shape_cast %dot_general3A_7 : vector<512x512xf32> to vector<1x512x512xf32>
    tpu.vector_store %arg6[%swap3A, %swap3A_8, %swap3A_9], %swap3A_12 {strides = array<i32>} : memref<1x512x512xf32, #tpu.memory_space<vmem>>, vector<1x512x512xf32>,
    %slice3A = vector.extract_strided_slice %dot_general3A_7 {offsets = [0, 0], sizes = [512, 256], strides = [1, 1]} : vector<512x512xf32> to vector<512x256xf32>
    %get3A_13 = arith.constant 0 : index
    %get3A_14 = arith.constant 0 : index
    %get3A_15 = vector.load %arg4[%get3A_13, %get3A_14] : memref<2x256xf32, #tpu.memory_space<vmem>>, vector<1x256xf32>
    %mul3A = vector.broadcast %get3A_15 : vector<1x256xf32> to vector<512x256xf32>
    %mul3A_16 = arith.mulf %slice3A, %mul3A : vector<512x256xf32>
    %reduce_sum3A = arith.constant dense<0.000000e+00> : vector<512xf32>
    %reduce_sum3A_17 = vector.multi_reduction <add>, %mul3A_16, %reduce_sum3A [1] : vector<512x256xf32> to vector<512xf32>
    %swap3A_18 = arith.constant 0 : index
    %swap3A_19 = arith.constant 0 : index
    %swap3A_20 = arith.constant 0 : index
    %swap3A_21 = vector.load %arg7[%swap3A_18, %swap3A_19, %swap3A_20] : memref<1x2x512xf32, #tpu.memory_space<vmem>>, vector<1x1x512xf32>
    %swap3A_22 = vector.shape_cast %swap3A_21 : vector<1x1x512xf32> to vector<512xf32>
    %swap3A_23 = vector.shape_cast %reduce_sum3A_17 : vector<512xf32> to vector<1x1x512xf32>
    tpu.vector_store %arg7[%swap3A_18, %swap3A_19, %swap3A_20], %swap3A_23 {strides = array<i32>} : memref<1x2x512xf32, #tpu.memory_space<vmem>>, vector<1x1x512xf32>,
    %get3A_24 = arith.constant 0 : index
    %get3A_25 = arith.constant 0 : index
    %get3A_26 = vector.load %arg5[%get3A_24, %get3A_25] : memref<2x256xf32, #tpu.memory_space<vmem>>, vector<1x256xf32>
    %mul3A_27 = vector.broadcast %get3A_26 : vector<1x256xf32> to vector<512x256xf32>
    %mul3A_28 = arith.mulf %slice3A, %mul3A_27 : vector<512x256xf32>
    %reduce_sum3A_29 = arith.constant dense<0.000000e+00> : vector<512xf32>
    %reduce_sum3A_30 = vector.multi_reduction <add>, %mul3A_28, %reduce_sum3A_29 [1] : vector<512x256xf32> to vector<512xf32>
    %swap3A_31 = arith.constant 0 : index
    %swap3A_32 = arith.constant 0 : index
    %swap3A_33 = arith.constant 0 : index
    %swap3A_34 = vector.load %arg8[%swap3A_31, %swap3A_32, %swap3A_33] : memref<1x2x512xf32, #tpu.memory_space<vmem>>, vector<1x1x512xf32>
    %swap3A_35 = vector.shape_cast %swap3A_34 : vector<1x1x512xf32> to vector<512xf32>
    %swap3A_36 = vector.shape_cast %reduce_sum3A_30 : vector<512xf32> to vector<1x1x512xf32>
    tpu.vector_store %arg8[%swap3A_31, %swap3A_32, %swap3A_33], %swap3A_36 {strides = array<i32>} : memref<1x2x512xf32, #tpu.memory_space<vmem>>, vector<1x1x512xf32>,
    %slice3A_37 = vector.extract_strided_slice %dot_general3A_7 {offsets = [0, 256], sizes = [512, 256], strides = [1, 1]} : vector<512x512xf32> to vector<512x256xf32>
    %get3A_38 = arith.constant 1 : index
    %get3A_39 = arith.constant 0 : index
    %get3A_40 = vector.load %arg4[%get3A_38, %get3A_39] : memref<2x256xf32, #tpu.memory_space<vmem>>, vector<1x256xf32>
    %mul3A_41 = vector.broadcast %get3A_40 : vector<1x256xf32> to vector<512x256xf32>
    %mul3A_42 = arith.mulf %slice3A_37, %mul3A_41 : vector<512x256xf32>
    %reduce_sum3A_43 = arith.constant dense<0.000000e+00> : vector<512xf32>
    %reduce_sum3A_44 = vector.multi_reduction <add>, %mul3A_42, %reduce_sum3A_43 [1] : vector<512x256xf32> to vector<512xf32>
    %swap3A_45 = arith.constant 0 : index
    %swap3A_46 = arith.constant 1 : index
    %swap3A_47 = arith.constant 0 : index
    %swap3A_48 = vector.load %arg7[%swap3A_45, %swap3A_46, %swap3A_47] : memref<1x2x512xf32, #tpu.memory_space<vmem>>, vector<1x1x512xf32>
    %swap3A_49 = vector.shape_cast %swap3A_48 : vector<1x1x512xf32> to vector<512xf32>
    %swap3A_50 = vector.shape_cast %reduce_sum3A_44 : vector<512xf32> to vector<1x1x512xf32>
    tpu.vector_store %arg7[%swap3A_45, %swap3A_46, %swap3A_47], %swap3A_50 {strides = array<i32>} : memref<1x2x512xf32, #tpu.memory_space<vmem>>, vector<1x1x512xf32>,
    %get3A_51 = arith.constant 1 : index
    %get3A_52 = arith.constant 0 : index
    %get3A_53 = vector.load %arg5[%get3A_51, %get3A_52] : memref<2x256xf32, #tpu.memory_space<vmem>>, vector<1x256xf32>
    %mul3A_54 = vector.broadcast %get3A_53 : vector<1x256xf32> to vector<512x256xf32>
    %mul3A_55 = arith.mulf %slice3A_37, %mul3A_54 : vector<512x256xf32>
    %reduce_sum3A_56 = arith.constant dense<0.000000e+00> : vector<512xf32>
    %reduce_sum3A_57 = vector.multi_reduction <add>, %mul3A_55, %reduce_sum3A_56 [1] : vector<512x256xf32> to vector<512xf32>
    %swap3A_58 = arith.constant 0 : index
    %swap3A_59 = arith.constant 1 : index
    %swap3A_60 = arith.constant 0 : index
    %swap3A_61 = vector.load %arg8[%swap3A_58, %swap3A_59, %swap3A_60] : memref<1x2x512xf32, #tpu.memory_space<vmem>>, vector<1x1x512xf32>
    %swap3A_62 = vector.shape_cast %swap3A_61 : vector<1x1x512xf32> to vector<512xf32>
    %swap3A_63 = vector.shape_cast %reduce_sum3A_57 : vector<512xf32> to vector<1x1x512xf32>
    tpu.vector_store %arg8[%swap3A_58, %swap3A_59, %swap3A_60], %swap3A_63 {strides = array<i32>} : memref<1x2x512xf32, #tpu.memory_space<vmem>>, vector<1x1x512xf32>,
    return
  }
  func.func @transform_0(%arg0: i32, %arg1: i32) -> (i32, i32, i32) {
    %c0_i32 = arith.constant 0 : i32
    %c0_i32_0 = arith.constant 0 : i32
    return %arg0, %arg1, %c0_i32 : i32, i32, i32
  }
  func.func @transform_1(%arg0: i32, %arg1: i32) -> (i32, i32) {
    %c0_i32 = arith.constant 0 : i32
    %c0_i32_0 = arith.constant 0 : i32
    %c0_i32_1 = arith.constant 0 : i32
    return %c0_i32, %c0_i32_0 : i32, i32
  }
  func.func @transform_2(%arg0: i32, %arg1: i32) -> (i32, i32) {
    %c0_i32 = arith.constant 0 : i32
    %c0_i32_0 = arith.constant 0 : i32
    %c0_i32_1 = arith.constant 0 : i32
    return %c0_i32, %c0_i32_0 : i32, i32
  }
  func.func @transform_3(%arg0: i32, %arg1: i32) -> (i32, i32) {
    %c0_i32 = arith.constant 0 : i32
    %c0_i32_0 = arith.constant 0 : i32
    %c0_i32_1 = arith.constant 0 : i32
    return %c0_i32, %c0_i32_0 : i32, i32
  }
  func.func @transform_4(%arg0: i32, %arg1: i32) -> (i32, i32, i32) {
    %c0_i32 = arith.constant 0 : i32
    %c0_i32_0 = arith.constant 0 : i32
    return %arg0, %arg1, %c0_i32 : i32, i32, i32
  }
  func.func @transform_5(%arg0: i32, %arg1: i32) -> (i32, i32, i32) {
    %c0_i32 = arith.constant 0 : i32
    %c0_i32_0 = arith.constant 0 : i32
    return %arg0, %c0_i32, %arg1 : i32, i32, i32
  }
  func.func @transform_6(%arg0: i32, %arg1: i32) -> (i32, i32, i32) {
    %c0_i32 = arith.constant 0 : i32
    %c0_i32_0 = arith.constant 0 : i32
    return %arg0, %c0_i32, %arg1 : i32, i32, i32
  }
}

module attributes {stable_mosaic.version = 14 : i64} {
  func.func @body(%arg0: i32, %arg1: i32, %arg2: memref<1x512x512xf32, #tpu.memory_space<vmem>>, %arg3: memref<1x512x512xf32, #tpu.memory_space<vmem>>, %arg4: memref<1x2x512xf32, #tpu.memory_space<vmem>>, %arg5: memref<1x2x512xf32, #tpu.memory_space<vmem>>, %arg6: memref<1x512x128xf32, #tpu.memory_space<vmem>>, %arg7: memref<1x512xf32, #tpu.memory_space<vmem>>, %arg8: memref<128x512xf32, #tpu.memory_space<vmem>>, %arg9: memref<1x512xf32, #tpu.memory_space<vmem>>, %arg10: memref<512x512xf32, #tpu.memory_space<vmem>>, %arg11: memref<2x256xf32, #tpu.memory_space<vmem>>, %arg12: memref<2x256xf32, #tpu.memory_space<vmem>>, %arg13: memref<1x512x512xf32, #tpu.memory_space<vmem>>, %arg14: memref<1x512x512xf32, #tpu.memory_space<vmem>>, %arg15: memref<1x2x512xf32, #tpu.memory_space<vmem>>, %arg16: memref<1x2x512xf32, #tpu.memory_space<vmem>>) attributes {dimension_semantics = [#tpu.dimension_semantics<parallel>, #tpu.dimension_semantics<parallel>], iteration_bounds = array<i64: 16, 1>, scalar_prefetch = 0 : i64, scratch_operands = 0 : i64, tpu.core_type = #tpu.core_type<tc>, window_params = [{transform_indices = @transform_0, window_bounds = array<i64: 1, 512, 512>}, {transform_indices = @transform_1, window_bounds = array<i64: 1, 512, 512>}, {transform_indices = @transform_2, window_bounds = array<i64: 1, 2, 512>}, {transform_indices = @transform_3, window_bounds = array<i64: 1, 2, 512>}, {transform_indices = @transform_4, window_bounds = array<i64: 1, 512, 128>}, {pipeline_mode = #tpu.pipeline_mode<synchronous>, transform_indices = @transform_5, window_bounds = array<i64: 1, 512>}, {pipeline_mode = #tpu.pipeline_mode<synchronous>, transform_indices = @transform_6, window_bounds = array<i64: 128, 512>}, {pipeline_mode = #tpu.pipeline_mode<synchronous>, transform_indices = @transform_7, window_bounds = array<i64: 1, 512>}, {pipeline_mode = #tpu.pipeline_mode<synchronous>, transform_indices = @transform_8, window_bounds = array<i64: 512, 512>}, {pipeline_mode = #tpu.pipeline_mode<synchronous>, transform_indices = @transform_9, window_bounds = array<i64: 2, 256>}, {pipeline_mode = #tpu.pipeline_mode<synchronous>, transform_indices = @transform_10, window_bounds = array<i64: 2, 256>}, {transform_indices = @transform_11, window_bounds = array<i64: 1, 512, 512>}, {transform_indices = @transform_12, window_bounds = array<i64: 1, 512, 512>}, {transform_indices = @transform_13, window_bounds = array<i64: 1, 2, 512>}, {transform_indices = @transform_14, window_bounds = array<i64: 1, 2, 512>}]} {
    %get3A = arith.constant 0 : index
    %get3A_0 = arith.constant 0 : index
    %get3A_1 = arith.constant 0 : index
    %get3A_2 = vector.load %arg2[%get3A, %get3A_0, %get3A_1] : memref<1x512x512xf32, #tpu.memory_space<vmem>>, vector<1x512x512xf32>
    %get3A_3 = vector.shape_cast %get3A_2 : vector<1x512x512xf32> to vector<512x512xf32>
    %gt3A = arith.constant 0.000000e+00 : f32
    %gt3A_4 = vector.broadcast %gt3A : f32 to vector<512x512xf32>
    %gt3A_5 = arith.cmpf ogt, %get3A_3, %gt3A_4 : vector<512x512xf32>
    %get3A_6 = arith.constant 0 : index
    %get3A_7 = arith.constant 0 : index
    %get3A_8 = arith.constant 0 : index
    %get3A_9 = vector.load %arg3[%get3A_6, %get3A_7, %get3A_8] : memref<1x512x512xf32, #tpu.memory_space<vmem>>, vector<1x512x512xf32>
    %get3A_10 = vector.shape_cast %get3A_9 : vector<1x512x512xf32> to vector<512x512xf32>
    %slice3A = vector.extract_strided_slice %get3A_10 {offsets = [0, 0], sizes = [512, 256], strides = [1, 1]} : vector<512x512xf32> to vector<512x256xf32>
    %get3A_11 = arith.constant 0 : index
    %get3A_12 = arith.constant 0 : index
    %get3A_13 = arith.constant 0 : index
    %get3A_14 = vector.load %arg4[%get3A_11, %get3A_12, %get3A_13] : memref<1x2x512xf32, #tpu.memory_space<vmem>>, vector<1x1x512xf32>
    %get3A_15 = vector.shape_cast %get3A_14 : vector<1x1x512xf32> to vector<512xf32>
    %broadcast_in_dim3A = vector.shape_cast %get3A_15 : vector<512xf32> to vector<1x512xf32>
    %get3A_16 = arith.constant 0 : index
    %get3A_17 = arith.constant 0 : index
    %get3A_18 = arith.constant 0 : index
    %get3A_19 = vector.load %arg5[%get3A_16, %get3A_17, %get3A_18] : memref<1x2x512xf32, #tpu.memory_space<vmem>>, vector<1x1x512xf32>
    %get3A_20 = vector.shape_cast %get3A_19 : vector<1x1x512xf32> to vector<512xf32>
    %broadcast_in_dim3A_21 = vector.shape_cast %get3A_20 : vector<512xf32> to vector<512x1xf32>
    %add3A = vector.broadcast %broadcast_in_dim3A : vector<1x512xf32> to vector<512x512xf32>
    %add3A_22 = vector.broadcast %broadcast_in_dim3A_21 : vector<512x1xf32> to vector<512x512xf32>
    %add3A_23 = arith.addf %add3A, %add3A_22 : vector<512x512xf32>
    %gt3A_24 = arith.constant 0.000000e+00 : f32
    %gt3A_25 = vector.broadcast %gt3A_24 : f32 to vector<512x512xf32>
    %gt3A_26 = arith.cmpf ogt, %add3A_23, %gt3A_25 : vector<512x512xf32>
    %mul3A = arith.constant 2.000000e-01 : f32
    %mul3A_27 = vector.broadcast %mul3A : f32 to vector<512x512xf32>
    %mul3A_28 = arith.mulf %mul3A_27, %add3A_23 : vector<512x512xf32>
    %select_n3A = arith.select %gt3A_26, %add3A_23, %mul3A_28 : vector<512x512xi1>, vector<512x512xf32>
    %jit3A = arith.constant -1.000000e+30 : f32
    %broadcast_in_dim3A_29 = vector.broadcast %jit3A : f32 to vector<512x512xf32>
    %select_n3A_30 = arith.select %gt3A_5, %select_n3A, %broadcast_in_dim3A_29 : vector<512x512xi1>, vector<512x512xf32>
    %reduce_max3A = arith.constant dense<0xFF800000> : vector<512xf32>
    %reduce_max3A_31 = vector.multi_reduction <maximumf>, %select_n3A_30, %reduce_max3A [1] : vector<512x512xf32> to vector<512xf32>
    %broadcast_in_dim3A_32 = vector.shape_cast %reduce_max3A_31 : vector<512xf32> to vector<512x1xf32>
    %sub3A = vector.broadcast %broadcast_in_dim3A_32 : vector<512x1xf32> to vector<512x512xf32>
    %sub3A_33 = arith.subf %select_n3A_30, %sub3A : vector<512x512xf32>
    %exp3A = math.exp %sub3A_33 : vector<512x512xf32>
    %mul3A_34 = arith.mulf %exp3A, %get3A_3 : vector<512x512xf32>
    %reduce_sum3A = arith.constant dense<0.000000e+00> : vector<512xf32>
    %reduce_sum3A_35 = vector.multi_reduction <add>, %mul3A_34, %reduce_sum3A [1] : vector<512x512xf32> to vector<512xf32>
    %broadcast_in_dim3A_36 = vector.shape_cast %reduce_sum3A_35 : vector<512xf32> to vector<512x1xf32>
    %add3A_37 = arith.constant 1.000000e-16 : f32
    %add3A_38 = vector.broadcast %add3A_37 : f32 to vector<512x1xf32>
    %add3A_39 = arith.addf %broadcast_in_dim3A_36, %add3A_38 : vector<512x1xf32>
    %div3A = arith.constant 1.000000e+00 : f32
    %div3A_40 = vector.broadcast %div3A : f32 to vector<512x1xf32>
    %div3A_41 = arith.divf %div3A_40, %add3A_39 : vector<512x1xf32>
    %mul3A_42 = vector.broadcast %div3A_41 : vector<512x1xf32> to vector<512x512xf32>
    %mul3A_43 = arith.mulf %mul3A_34, %mul3A_42 : vector<512x512xf32>
    %dot_general3A = arith.constant dense<0.000000e+00> : vector<512x256xf32>
    %dot_general3A_44 = tpu.matmul %mul3A_43, %slice3A, %dot_general3A {dimension_numbers = #tpu.dot_dimension_numbers<[1], [0], [0], [1], [0, 0, 1, 1], [], []>, transpose_lhs_hint = false} : vector<512x512xf32>, vector<512x256xf32>, vector<512x256xf32> -> vector<512x256xf32>
    %get3A_45 = arith.constant 0 : index
    %get3A_46 = arith.constant 0 : index
    %get3A_47 = arith.constant 0 : index
    %get3A_48 = vector.load %arg3[%get3A_45, %get3A_46, %get3A_47] : memref<1x512x512xf32, #tpu.memory_space<vmem>>, vector<1x512x512xf32>
    %get3A_49 = vector.shape_cast %get3A_48 : vector<1x512x512xf32> to vector<512x512xf32>
    %slice3A_50 = vector.extract_strided_slice %get3A_49 {offsets = [0, 256], sizes = [512, 256], strides = [1, 1]} : vector<512x512xf32> to vector<512x256xf32>
    %get3A_51 = arith.constant 0 : index
    %get3A_52 = arith.constant 1 : index
    %get3A_53 = arith.constant 0 : index
    %get3A_54 = vector.load %arg4[%get3A_51, %get3A_52, %get3A_53] : memref<1x2x512xf32, #tpu.memory_space<vmem>>, vector<1x1x512xf32>
    %get3A_55 = vector.shape_cast %get3A_54 : vector<1x1x512xf32> to vector<512xf32>
    %broadcast_in_dim3A_56 = vector.shape_cast %get3A_55 : vector<512xf32> to vector<1x512xf32>
    %get3A_57 = arith.constant 0 : index
    %get3A_58 = arith.constant 1 : index
    %get3A_59 = arith.constant 0 : index
    %get3A_60 = vector.load %arg5[%get3A_57, %get3A_58, %get3A_59] : memref<1x2x512xf32, #tpu.memory_space<vmem>>, vector<1x1x512xf32>
    %get3A_61 = vector.shape_cast %get3A_60 : vector<1x1x512xf32> to vector<512xf32>
    %broadcast_in_dim3A_62 = vector.shape_cast %get3A_61 : vector<512xf32> to vector<512x1xf32>
    %add3A_63 = vector.broadcast %broadcast_in_dim3A_56 : vector<1x512xf32> to vector<512x512xf32>
    %add3A_64 = vector.broadcast %broadcast_in_dim3A_62 : vector<512x1xf32> to vector<512x512xf32>
    %add3A_65 = arith.addf %add3A_63, %add3A_64 : vector<512x512xf32>
    %gt3A_66 = arith.constant 0.000000e+00 : f32
    %gt3A_67 = vector.broadcast %gt3A_66 : f32 to vector<512x512xf32>
    %gt3A_68 = arith.cmpf ogt, %add3A_65, %gt3A_67 : vector<512x512xf32>
    %mul3A_69 = arith.constant 2.000000e-01 : f32
    %mul3A_70 = vector.broadcast %mul3A_69 : f32 to vector<512x512xf32>
    %mul3A_71 = arith.mulf %mul3A_70, %add3A_65 : vector<512x512xf32>
    %select_n3A_72 = arith.select %gt3A_68, %add3A_65, %mul3A_71 : vector<512x512xi1>, vector<512x512xf32>
    %jit3A_73 = arith.constant -1.000000e+30 : f32
    %broadcast_in_dim3A_74 = vector.broadcast %jit3A_73 : f32 to vector<512x512xf32>
    %select_n3A_75 = arith.select %gt3A_5, %select_n3A_72, %broadcast_in_dim3A_74 : vector<512x512xi1>, vector<512x512xf32>
    %reduce_max3A_76 = arith.constant dense<0xFF800000> : vector<512xf32>
    %reduce_max3A_77 = vector.multi_reduction <maximumf>, %select_n3A_75, %reduce_max3A_76 [1] : vector<512x512xf32> to vector<512xf32>
    %broadcast_in_dim3A_78 = vector.shape_cast %reduce_max3A_77 : vector<512xf32> to vector<512x1xf32>
    %sub3A_79 = vector.broadcast %broadcast_in_dim3A_78 : vector<512x1xf32> to vector<512x512xf32>
    %sub3A_80 = arith.subf %select_n3A_75, %sub3A_79 : vector<512x512xf32>
    %exp3A_81 = math.exp %sub3A_80 : vector<512x512xf32>
    %mul3A_82 = arith.mulf %exp3A_81, %get3A_3 : vector<512x512xf32>
    %reduce_sum3A_83 = arith.constant dense<0.000000e+00> : vector<512xf32>
    %reduce_sum3A_84 = vector.multi_reduction <add>, %mul3A_82, %reduce_sum3A_83 [1] : vector<512x512xf32> to vector<512xf32>
    %broadcast_in_dim3A_85 = vector.shape_cast %reduce_sum3A_84 : vector<512xf32> to vector<512x1xf32>
    %add3A_86 = arith.constant 1.000000e-16 : f32
    %add3A_87 = vector.broadcast %add3A_86 : f32 to vector<512x1xf32>
    %add3A_88 = arith.addf %broadcast_in_dim3A_85, %add3A_87 : vector<512x1xf32>
    %div3A_89 = arith.constant 1.000000e+00 : f32
    %div3A_90 = vector.broadcast %div3A_89 : f32 to vector<512x1xf32>
    %div3A_91 = arith.divf %div3A_90, %add3A_88 : vector<512x1xf32>
    %mul3A_92 = vector.broadcast %div3A_91 : vector<512x1xf32> to vector<512x512xf32>
    %mul3A_93 = arith.mulf %mul3A_82, %mul3A_92 : vector<512x512xf32>
    %dot_general3A_94 = arith.constant dense<0.000000e+00> : vector<512x256xf32>
    %dot_general3A_95 = tpu.matmul %mul3A_93, %slice3A_50, %dot_general3A_94 {dimension_numbers = #tpu.dot_dimension_numbers<[1], [0], [0], [1], [0, 0, 1, 1], [], []>, transpose_lhs_hint = false} : vector<512x512xf32>, vector<512x256xf32>, vector<512x256xf32> -> vector<512x256xf32>
    %concatenate3A = tpu.concatenate %dot_general3A_44, %dot_general3A_95 in 1 : vector<512x256xf32>, vector<512x256xf32> -> vector<512x512xf32>
    %get3A_96 = arith.constant 0 : index
    %get3A_97 = arith.constant 0 : index
    %get3A_98 = arith.constant 0 : index
    %get3A_99 = vector.load %arg6[%get3A_96, %get3A_97, %get3A_98] : memref<1x512x128xf32, #tpu.memory_space<vmem>>, vector<1x512x128xf32>
    %get3A_100 = vector.shape_cast %get3A_99 : vector<1x512x128xf32> to vector<512x128xf32>
    %get3A_101 = arith.constant 0 : index
    %get3A_102 = arith.constant 0 : index
    %get3A_103 = vector.load %arg8[%get3A_101, %get3A_102] : memref<128x512xf32, #tpu.memory_space<vmem>>, vector<128x512xf32>
    %dot_general3A_104 = arith.constant dense<0.000000e+00> : vector<512x512xf32>
    %dot_general3A_105 = tpu.matmul %get3A_100, %get3A_103, %dot_general3A_104 {dimension_numbers = #tpu.dot_dimension_numbers<[1], [0], [0], [1], [0, 0, 1, 1], [], []>, transpose_lhs_hint = false} : vector<512x128xf32>, vector<128x512xf32>, vector<512x512xf32> -> vector<512x512xf32>
    %get3A_106 = arith.constant 0 : index
    %get3A_107 = arith.constant 0 : index
    %get3A_108 = vector.load %arg7[%get3A_106, %get3A_107] : memref<1x512xf32, #tpu.memory_space<vmem>>, vector<1x512xf32>
    %add3A_109 = vector.broadcast %get3A_108 : vector<1x512xf32> to vector<512x512xf32>
    %add3A_110 = arith.addf %concatenate3A, %add3A_109 : vector<512x512xf32>
    %add3A_111 = arith.addf %add3A_110, %dot_general3A_105 : vector<512x512xf32>
    %get3A_112 = arith.constant 0 : index
    %get3A_113 = arith.constant 0 : index
    %get3A_114 = vector.load %arg9[%get3A_112, %get3A_113] : memref<1x512xf32, #tpu.memory_space<vmem>>, vector<1x512xf32>
    %add3A_115 = vector.broadcast %get3A_114 : vector<1x512xf32> to vector<512x512xf32>
    %add3A_116 = arith.addf %add3A_111, %add3A_115 : vector<512x512xf32>
    %gt3A_117 = arith.constant 0.000000e+00 : f32
    %gt3A_118 = vector.broadcast %gt3A_117 : f32 to vector<512x512xf32>
    %gt3A_119 = arith.cmpf ogt, %add3A_116, %gt3A_118 : vector<512x512xf32>
    %exp3A_120 = math.exp %add3A_116 : vector<512x512xf32>
    %sub3A_121 = arith.constant 1.000000e+00 : f32
    %sub3A_122 = vector.broadcast %sub3A_121 : f32 to vector<512x512xf32>
    %sub3A_123 = arith.subf %exp3A_120, %sub3A_122 : vector<512x512xf32>
    %select_n3A_124 = arith.select %gt3A_119, %add3A_116, %sub3A_123 : vector<512x512xi1>, vector<512x512xf32>
    %swap3A = arith.constant 0 : index
    %swap3A_125 = arith.constant 0 : index
    %swap3A_126 = arith.constant 0 : index
    %swap3A_127 = vector.load %arg13[%swap3A, %swap3A_125, %swap3A_126] : memref<1x512x512xf32, #tpu.memory_space<vmem>>, vector<1x512x512xf32>
    %swap3A_128 = vector.shape_cast %swap3A_127 : vector<1x512x512xf32> to vector<512x512xf32>
    %swap3A_129 = vector.shape_cast %select_n3A_124 : vector<512x512xf32> to vector<1x512x512xf32>
    tpu.vector_store %arg13[%swap3A, %swap3A_125, %swap3A_126], %swap3A_129 {strides = array<i32>} : memref<1x512x512xf32, #tpu.memory_space<vmem>>, vector<1x512x512xf32>,
    %get3A_130 = arith.constant 0 : index
    %get3A_131 = arith.constant 0 : index
    %get3A_132 = vector.load %arg10[%get3A_130, %get3A_131] : memref<512x512xf32, #tpu.memory_space<vmem>>, vector<512x512xf32>
    %dot_general3A_133 = arith.constant dense<0.000000e+00> : vector<512x512xf32>
    %dot_general3A_134 = tpu.matmul %select_n3A_124, %get3A_132, %dot_general3A_133 {dimension_numbers = #tpu.dot_dimension_numbers<[1], [0], [0], [1], [0, 0, 1, 1], [], []>, transpose_lhs_hint = false} : vector<512x512xf32>, vector<512x512xf32>, vector<512x512xf32> -> vector<512x512xf32>
    %swap3A_135 = arith.constant 0 : index
    %swap3A_136 = arith.constant 0 : index
    %swap3A_137 = arith.constant 0 : index
    %swap3A_138 = vector.load %arg14[%swap3A_135, %swap3A_136, %swap3A_137] : memref<1x512x512xf32, #tpu.memory_space<vmem>>, vector<1x512x512xf32>
    %swap3A_139 = vector.shape_cast %swap3A_138 : vector<1x512x512xf32> to vector<512x512xf32>
    %swap3A_140 = vector.shape_cast %dot_general3A_134 : vector<512x512xf32> to vector<1x512x512xf32>
    tpu.vector_store %arg14[%swap3A_135, %swap3A_136, %swap3A_137], %swap3A_140 {strides = array<i32>} : memref<1x512x512xf32, #tpu.memory_space<vmem>>, vector<1x512x512xf32>,
    %slice3A_141 = vector.extract_strided_slice %dot_general3A_134 {offsets = [0, 0], sizes = [512, 256], strides = [1, 1]} : vector<512x512xf32> to vector<512x256xf32>
    %get3A_142 = arith.constant 0 : index
    %get3A_143 = arith.constant 0 : index
    %get3A_144 = vector.load %arg11[%get3A_142, %get3A_143] : memref<2x256xf32, #tpu.memory_space<vmem>>, vector<1x256xf32>
    %mul3A_145 = vector.broadcast %get3A_144 : vector<1x256xf32> to vector<512x256xf32>
    %mul3A_146 = arith.mulf %slice3A_141, %mul3A_145 : vector<512x256xf32>
    %reduce_sum3A_147 = arith.constant dense<0.000000e+00> : vector<512xf32>
    %reduce_sum3A_148 = vector.multi_reduction <add>, %mul3A_146, %reduce_sum3A_147 [1] : vector<512x256xf32> to vector<512xf32>
    %swap3A_149 = arith.constant 0 : index
    %swap3A_150 = arith.constant 0 : index
    %swap3A_151 = arith.constant 0 : index
    %swap3A_152 = vector.load %arg15[%swap3A_149, %swap3A_150, %swap3A_151] : memref<1x2x512xf32, #tpu.memory_space<vmem>>, vector<1x1x512xf32>
    %swap3A_153 = vector.shape_cast %swap3A_152 : vector<1x1x512xf32> to vector<512xf32>
    %swap3A_154 = vector.shape_cast %reduce_sum3A_148 : vector<512xf32> to vector<1x1x512xf32>
    tpu.vector_store %arg15[%swap3A_149, %swap3A_150, %swap3A_151], %swap3A_154 {strides = array<i32>} : memref<1x2x512xf32, #tpu.memory_space<vmem>>, vector<1x1x512xf32>,
    %get3A_155 = arith.constant 0 : index
    %get3A_156 = arith.constant 0 : index
    %get3A_157 = vector.load %arg12[%get3A_155, %get3A_156] : memref<2x256xf32, #tpu.memory_space<vmem>>, vector<1x256xf32>
    %mul3A_158 = vector.broadcast %get3A_157 : vector<1x256xf32> to vector<512x256xf32>
    %mul3A_159 = arith.mulf %slice3A_141, %mul3A_158 : vector<512x256xf32>
    %reduce_sum3A_160 = arith.constant dense<0.000000e+00> : vector<512xf32>
    %reduce_sum3A_161 = vector.multi_reduction <add>, %mul3A_159, %reduce_sum3A_160 [1] : vector<512x256xf32> to vector<512xf32>
    %swap3A_162 = arith.constant 0 : index
    %swap3A_163 = arith.constant 0 : index
    %swap3A_164 = arith.constant 0 : index
    %swap3A_165 = vector.load %arg16[%swap3A_162, %swap3A_163, %swap3A_164] : memref<1x2x512xf32, #tpu.memory_space<vmem>>, vector<1x1x512xf32>
    %swap3A_166 = vector.shape_cast %swap3A_165 : vector<1x1x512xf32> to vector<512xf32>
    %swap3A_167 = vector.shape_cast %reduce_sum3A_161 : vector<512xf32> to vector<1x1x512xf32>
    tpu.vector_store %arg16[%swap3A_162, %swap3A_163, %swap3A_164], %swap3A_167 {strides = array<i32>} : memref<1x2x512xf32, #tpu.memory_space<vmem>>, vector<1x1x512xf32>,
    %slice3A_168 = vector.extract_strided_slice %dot_general3A_134 {offsets = [0, 256], sizes = [512, 256], strides = [1, 1]} : vector<512x512xf32> to vector<512x256xf32>
    %get3A_169 = arith.constant 1 : index
    %get3A_170 = arith.constant 0 : index
    %get3A_171 = vector.load %arg11[%get3A_169, %get3A_170] : memref<2x256xf32, #tpu.memory_space<vmem>>, vector<1x256xf32>
    %mul3A_172 = vector.broadcast %get3A_171 : vector<1x256xf32> to vector<512x256xf32>
    %mul3A_173 = arith.mulf %slice3A_168, %mul3A_172 : vector<512x256xf32>
    %reduce_sum3A_174 = arith.constant dense<0.000000e+00> : vector<512xf32>
    %reduce_sum3A_175 = vector.multi_reduction <add>, %mul3A_173, %reduce_sum3A_174 [1] : vector<512x256xf32> to vector<512xf32>
    %swap3A_176 = arith.constant 0 : index
    %swap3A_177 = arith.constant 1 : index
    %swap3A_178 = arith.constant 0 : index
    %swap3A_179 = vector.load %arg15[%swap3A_176, %swap3A_177, %swap3A_178] : memref<1x2x512xf32, #tpu.memory_space<vmem>>, vector<1x1x512xf32>
    %swap3A_180 = vector.shape_cast %swap3A_179 : vector<1x1x512xf32> to vector<512xf32>
    %swap3A_181 = vector.shape_cast %reduce_sum3A_175 : vector<512xf32> to vector<1x1x512xf32>
    tpu.vector_store %arg15[%swap3A_176, %swap3A_177, %swap3A_178], %swap3A_181 {strides = array<i32>} : memref<1x2x512xf32, #tpu.memory_space<vmem>>, vector<1x1x512xf32>,
    %get3A_182 = arith.constant 1 : index
    %get3A_183 = arith.constant 0 : index
    %get3A_184 = vector.load %arg12[%get3A_182, %get3A_183] : memref<2x256xf32, #tpu.memory_space<vmem>>, vector<1x256xf32>
    %mul3A_185 = vector.broadcast %get3A_184 : vector<1x256xf32> to vector<512x256xf32>
    %mul3A_186 = arith.mulf %slice3A_168, %mul3A_185 : vector<512x256xf32>
    %reduce_sum3A_187 = arith.constant dense<0.000000e+00> : vector<512xf32>
    %reduce_sum3A_188 = vector.multi_reduction <add>, %mul3A_186, %reduce_sum3A_187 [1] : vector<512x256xf32> to vector<512xf32>
    %swap3A_189 = arith.constant 0 : index
    %swap3A_190 = arith.constant 1 : index
    %swap3A_191 = arith.constant 0 : index
    %swap3A_192 = vector.load %arg16[%swap3A_189, %swap3A_190, %swap3A_191] : memref<1x2x512xf32, #tpu.memory_space<vmem>>, vector<1x1x512xf32>
    %swap3A_193 = vector.shape_cast %swap3A_192 : vector<1x1x512xf32> to vector<512xf32>
    %swap3A_194 = vector.shape_cast %reduce_sum3A_188 : vector<512xf32> to vector<1x1x512xf32>
    tpu.vector_store %arg16[%swap3A_189, %swap3A_190, %swap3A_191], %swap3A_194 {strides = array<i32>} : memref<1x2x512xf32, #tpu.memory_space<vmem>>, vector<1x1x512xf32>,
    return
  }
  func.func @transform_0(%arg0: i32, %arg1: i32) -> (i32, i32, i32) {
    %c0_i32 = arith.constant 0 : i32
    %c0_i32_0 = arith.constant 0 : i32
    return %arg0, %arg1, %c0_i32 : i32, i32, i32
  }
  func.func @transform_1(%arg0: i32, %arg1: i32) -> (i32, i32, i32) {
    %c0_i32 = arith.constant 0 : i32
    %c0_i32_0 = arith.constant 0 : i32
    %c0_i32_1 = arith.constant 0 : i32
    return %arg0, %c0_i32, %c0_i32_0 : i32, i32, i32
  }
  func.func @transform_2(%arg0: i32, %arg1: i32) -> (i32, i32, i32) {
    %c0_i32 = arith.constant 0 : i32
    %c0_i32_0 = arith.constant 0 : i32
    %c0_i32_1 = arith.constant 0 : i32
    return %arg0, %c0_i32, %c0_i32_0 : i32, i32, i32
  }
  func.func @transform_3(%arg0: i32, %arg1: i32) -> (i32, i32, i32) {
    %c0_i32 = arith.constant 0 : i32
    %c0_i32_0 = arith.constant 0 : i32
    return %arg0, %c0_i32, %arg1 : i32, i32, i32
  }
  func.func @transform_4(%arg0: i32, %arg1: i32) -> (i32, i32, i32) {
    %c0_i32 = arith.constant 0 : i32
    %c0_i32_0 = arith.constant 0 : i32
    return %arg0, %arg1, %c0_i32 : i32, i32, i32
  }
  func.func @transform_5(%arg0: i32, %arg1: i32) -> (i32, i32) {
    %c0_i32 = arith.constant 0 : i32
    %c0_i32_0 = arith.constant 0 : i32
    %c0_i32_1 = arith.constant 0 : i32
    return %c0_i32, %c0_i32_0 : i32, i32
  }
  func.func @transform_6(%arg0: i32, %arg1: i32) -> (i32, i32) {
    %c0_i32 = arith.constant 0 : i32
    %c0_i32_0 = arith.constant 0 : i32
    %c0_i32_1 = arith.constant 0 : i32
    return %c0_i32, %c0_i32_0 : i32, i32
  }
  func.func @transform_7(%arg0: i32, %arg1: i32) -> (i32, i32) {
    %c0_i32 = arith.constant 0 : i32
    %c0_i32_0 = arith.constant 0 : i32
    %c0_i32_1 = arith.constant 0 : i32
    return %c0_i32, %c0_i32_0 : i32, i32
  }
  func.func @transform_8(%arg0: i32, %arg1: i32) -> (i32, i32) {
    %c0_i32 = arith.constant 0 : i32
    %c0_i32_0 = arith.constant 0 : i32
    %c0_i32_1 = arith.constant 0 : i32
    return %c0_i32, %c0_i32_0 : i32, i32
  }
  func.func @transform_9(%arg0: i32, %arg1: i32) -> (i32, i32) {
    %c0_i32 = arith.constant 0 : i32
    %c0_i32_0 = arith.constant 0 : i32
    %c0_i32_1 = arith.constant 0 : i32
    return %c0_i32, %c0_i32_0 : i32, i32
  }
  func.func @transform_10(%arg0: i32, %arg1: i32) -> (i32, i32) {
    %c0_i32 = arith.constant 0 : i32
    %c0_i32_0 = arith.constant 0 : i32
    %c0_i32_1 = arith.constant 0 : i32
    return %c0_i32, %c0_i32_0 : i32, i32
  }
  func.func @transform_11(%arg0: i32, %arg1: i32) -> (i32, i32, i32) {
    %c0_i32 = arith.constant 0 : i32
    %c0_i32_0 = arith.constant 0 : i32
    return %arg0, %arg1, %c0_i32 : i32, i32, i32
  }
  func.func @transform_12(%arg0: i32, %arg1: i32) -> (i32, i32, i32) {
    %c0_i32 = arith.constant 0 : i32
    %c0_i32_0 = arith.constant 0 : i32
    return %arg0, %arg1, %c0_i32 : i32, i32, i32
  }
  func.func @transform_13(%arg0: i32, %arg1: i32) -> (i32, i32, i32) {
    %c0_i32 = arith.constant 0 : i32
    %c0_i32_0 = arith.constant 0 : i32
    return %arg0, %c0_i32, %arg1 : i32, i32, i32
  }
  func.func @transform_14(%arg0: i32, %arg1: i32) -> (i32, i32, i32) {
    %c0_i32 = arith.constant 0 : i32
    %c0_i32_0 = arith.constant 0 : i32
    return %arg0, %c0_i32, %arg1 : i32, i32, i32
  }
}

module attributes {stable_mosaic.version = 14 : i64} {
  func.func @body(%arg0: i32, %arg1: i32, %arg2: memref<1x512x512xf32, #tpu.memory_space<vmem>>, %arg3: memref<1x512x512xf32, #tpu.memory_space<vmem>>, %arg4: memref<1x2x512xf32, #tpu.memory_space<vmem>>, %arg5: memref<1x2x512xf32, #tpu.memory_space<vmem>>, %arg6: memref<1x512x512xf32, #tpu.memory_space<vmem>>, %arg7: memref<1x512xf32, #tpu.memory_space<vmem>>, %arg8: memref<512x512xf32, #tpu.memory_space<vmem>>, %arg9: memref<1x512xf32, #tpu.memory_space<vmem>>, %arg10: memref<512x256xf32, #tpu.memory_space<vmem>>, %arg11: memref<2x128xf32, #tpu.memory_space<vmem>>, %arg12: memref<2x128xf32, #tpu.memory_space<vmem>>, %arg13: memref<1x512x512xf32, #tpu.memory_space<vmem>>, %arg14: memref<1x512x256xf32, #tpu.memory_space<vmem>>, %arg15: memref<1x2x512xf32, #tpu.memory_space<vmem>>, %arg16: memref<1x2x512xf32, #tpu.memory_space<vmem>>) attributes {dimension_semantics = [#tpu.dimension_semantics<parallel>, #tpu.dimension_semantics<parallel>], iteration_bounds = array<i64: 16, 1>, scalar_prefetch = 0 : i64, scratch_operands = 0 : i64, tpu.core_type = #tpu.core_type<tc>, window_params = [{transform_indices = @transform_0, window_bounds = array<i64: 1, 512, 512>}, {transform_indices = @transform_1, window_bounds = array<i64: 1, 512, 512>}, {transform_indices = @transform_2, window_bounds = array<i64: 1, 2, 512>}, {transform_indices = @transform_3, window_bounds = array<i64: 1, 2, 512>}, {transform_indices = @transform_4, window_bounds = array<i64: 1, 512, 512>}, {pipeline_mode = #tpu.pipeline_mode<synchronous>, transform_indices = @transform_5, window_bounds = array<i64: 1, 512>}, {pipeline_mode = #tpu.pipeline_mode<synchronous>, transform_indices = @transform_6, window_bounds = array<i64: 512, 512>}, {pipeline_mode = #tpu.pipeline_mode<synchronous>, transform_indices = @transform_7, window_bounds = array<i64: 1, 512>}, {pipeline_mode = #tpu.pipeline_mode<synchronous>, transform_indices = @transform_8, window_bounds = array<i64: 512, 256>}, {pipeline_mode = #tpu.pipeline_mode<synchronous>, transform_indices = @transform_9, window_bounds = array<i64: 2, 128>}, {pipeline_mode = #tpu.pipeline_mode<synchronous>, transform_indices = @transform_10, window_bounds = array<i64: 2, 128>}, {transform_indices = @transform_11, window_bounds = array<i64: 1, 512, 512>}, {transform_indices = @transform_12, window_bounds = array<i64: 1, 512, 256>}, {transform_indices = @transform_13, window_bounds = array<i64: 1, 2, 512>}, {transform_indices = @transform_14, window_bounds = array<i64: 1, 2, 512>}]} {
    %get3A = arith.constant 0 : index
    %get3A_0 = arith.constant 0 : index
    %get3A_1 = arith.constant 0 : index
    %get3A_2 = vector.load %arg2[%get3A, %get3A_0, %get3A_1] : memref<1x512x512xf32, #tpu.memory_space<vmem>>, vector<1x512x512xf32>
    %get3A_3 = vector.shape_cast %get3A_2 : vector<1x512x512xf32> to vector<512x512xf32>
    %gt3A = arith.constant 0.000000e+00 : f32
    %gt3A_4 = vector.broadcast %gt3A : f32 to vector<512x512xf32>
    %gt3A_5 = arith.cmpf ogt, %get3A_3, %gt3A_4 : vector<512x512xf32>
    %get3A_6 = arith.constant 0 : index
    %get3A_7 = arith.constant 0 : index
    %get3A_8 = arith.constant 0 : index
    %get3A_9 = vector.load %arg3[%get3A_6, %get3A_7, %get3A_8] : memref<1x512x512xf32, #tpu.memory_space<vmem>>, vector<1x512x512xf32>
    %get3A_10 = vector.shape_cast %get3A_9 : vector<1x512x512xf32> to vector<512x512xf32>
    %slice3A = vector.extract_strided_slice %get3A_10 {offsets = [0, 0], sizes = [512, 256], strides = [1, 1]} : vector<512x512xf32> to vector<512x256xf32>
    %get3A_11 = arith.constant 0 : index
    %get3A_12 = arith.constant 0 : index
    %get3A_13 = arith.constant 0 : index
    %get3A_14 = vector.load %arg4[%get3A_11, %get3A_12, %get3A_13] : memref<1x2x512xf32, #tpu.memory_space<vmem>>, vector<1x1x512xf32>
    %get3A_15 = vector.shape_cast %get3A_14 : vector<1x1x512xf32> to vector<512xf32>
    %broadcast_in_dim3A = vector.shape_cast %get3A_15 : vector<512xf32> to vector<1x512xf32>
    %get3A_16 = arith.constant 0 : index
    %get3A_17 = arith.constant 0 : index
    %get3A_18 = arith.constant 0 : index
    %get3A_19 = vector.load %arg5[%get3A_16, %get3A_17, %get3A_18] : memref<1x2x512xf32, #tpu.memory_space<vmem>>, vector<1x1x512xf32>
    %get3A_20 = vector.shape_cast %get3A_19 : vector<1x1x512xf32> to vector<512xf32>
    %broadcast_in_dim3A_21 = vector.shape_cast %get3A_20 : vector<512xf32> to vector<512x1xf32>
    %add3A = vector.broadcast %broadcast_in_dim3A : vector<1x512xf32> to vector<512x512xf32>
    %add3A_22 = vector.broadcast %broadcast_in_dim3A_21 : vector<512x1xf32> to vector<512x512xf32>
    %add3A_23 = arith.addf %add3A, %add3A_22 : vector<512x512xf32>
    %gt3A_24 = arith.constant 0.000000e+00 : f32
    %gt3A_25 = vector.broadcast %gt3A_24 : f32 to vector<512x512xf32>
    %gt3A_26 = arith.cmpf ogt, %add3A_23, %gt3A_25 : vector<512x512xf32>
    %mul3A = arith.constant 2.000000e-01 : f32
    %mul3A_27 = vector.broadcast %mul3A : f32 to vector<512x512xf32>
    %mul3A_28 = arith.mulf %mul3A_27, %add3A_23 : vector<512x512xf32>
    %select_n3A = arith.select %gt3A_26, %add3A_23, %mul3A_28 : vector<512x512xi1>, vector<512x512xf32>
    %jit3A = arith.constant -1.000000e+30 : f32
    %broadcast_in_dim3A_29 = vector.broadcast %jit3A : f32 to vector<512x512xf32>
    %select_n3A_30 = arith.select %gt3A_5, %select_n3A, %broadcast_in_dim3A_29 : vector<512x512xi1>, vector<512x512xf32>
    %reduce_max3A = arith.constant dense<0xFF800000> : vector<512xf32>
    %reduce_max3A_31 = vector.multi_reduction <maximumf>, %select_n3A_30, %reduce_max3A [1] : vector<512x512xf32> to vector<512xf32>
    %broadcast_in_dim3A_32 = vector.shape_cast %reduce_max3A_31 : vector<512xf32> to vector<512x1xf32>
    %sub3A = vector.broadcast %broadcast_in_dim3A_32 : vector<512x1xf32> to vector<512x512xf32>
    %sub3A_33 = arith.subf %select_n3A_30, %sub3A : vector<512x512xf32>
    %exp3A = math.exp %sub3A_33 : vector<512x512xf32>
    %mul3A_34 = arith.mulf %exp3A, %get3A_3 : vector<512x512xf32>
    %reduce_sum3A = arith.constant dense<0.000000e+00> : vector<512xf32>
    %reduce_sum3A_35 = vector.multi_reduction <add>, %mul3A_34, %reduce_sum3A [1] : vector<512x512xf32> to vector<512xf32>
    %broadcast_in_dim3A_36 = vector.shape_cast %reduce_sum3A_35 : vector<512xf32> to vector<512x1xf32>
    %add3A_37 = arith.constant 1.000000e-16 : f32
    %add3A_38 = vector.broadcast %add3A_37 : f32 to vector<512x1xf32>
    %add3A_39 = arith.addf %broadcast_in_dim3A_36, %add3A_38 : vector<512x1xf32>
    %div3A = arith.constant 1.000000e+00 : f32
    %div3A_40 = vector.broadcast %div3A : f32 to vector<512x1xf32>
    %div3A_41 = arith.divf %div3A_40, %add3A_39 : vector<512x1xf32>
    %mul3A_42 = vector.broadcast %div3A_41 : vector<512x1xf32> to vector<512x512xf32>
    %mul3A_43 = arith.mulf %mul3A_34, %mul3A_42 : vector<512x512xf32>
    %dot_general3A = arith.constant dense<0.000000e+00> : vector<512x256xf32>
    %dot_general3A_44 = tpu.matmul %mul3A_43, %slice3A, %dot_general3A {dimension_numbers = #tpu.dot_dimension_numbers<[1], [0], [0], [1], [0, 0, 1, 1], [], []>, transpose_lhs_hint = false} : vector<512x512xf32>, vector<512x256xf32>, vector<512x256xf32> -> vector<512x256xf32>
    %get3A_45 = arith.constant 0 : index
    %get3A_46 = arith.constant 0 : index
    %get3A_47 = arith.constant 0 : index
    %get3A_48 = vector.load %arg3[%get3A_45, %get3A_46, %get3A_47] : memref<1x512x512xf32, #tpu.memory_space<vmem>>, vector<1x512x512xf32>
    %get3A_49 = vector.shape_cast %get3A_48 : vector<1x512x512xf32> to vector<512x512xf32>
    %slice3A_50 = vector.extract_strided_slice %get3A_49 {offsets = [0, 256], sizes = [512, 256], strides = [1, 1]} : vector<512x512xf32> to vector<512x256xf32>
    %get3A_51 = arith.constant 0 : index
    %get3A_52 = arith.constant 1 : index
    %get3A_53 = arith.constant 0 : index
    %get3A_54 = vector.load %arg4[%get3A_51, %get3A_52, %get3A_53] : memref<1x2x512xf32, #tpu.memory_space<vmem>>, vector<1x1x512xf32>
    %get3A_55 = vector.shape_cast %get3A_54 : vector<1x1x512xf32> to vector<512xf32>
    %broadcast_in_dim3A_56 = vector.shape_cast %get3A_55 : vector<512xf32> to vector<1x512xf32>
    %get3A_57 = arith.constant 0 : index
    %get3A_58 = arith.constant 1 : index
    %get3A_59 = arith.constant 0 : index
    %get3A_60 = vector.load %arg5[%get3A_57, %get3A_58, %get3A_59] : memref<1x2x512xf32, #tpu.memory_space<vmem>>, vector<1x1x512xf32>
    %get3A_61 = vector.shape_cast %get3A_60 : vector<1x1x512xf32> to vector<512xf32>
    %broadcast_in_dim3A_62 = vector.shape_cast %get3A_61 : vector<512xf32> to vector<512x1xf32>
    %add3A_63 = vector.broadcast %broadcast_in_dim3A_56 : vector<1x512xf32> to vector<512x512xf32>
    %add3A_64 = vector.broadcast %broadcast_in_dim3A_62 : vector<512x1xf32> to vector<512x512xf32>
    %add3A_65 = arith.addf %add3A_63, %add3A_64 : vector<512x512xf32>
    %gt3A_66 = arith.constant 0.000000e+00 : f32
    %gt3A_67 = vector.broadcast %gt3A_66 : f32 to vector<512x512xf32>
    %gt3A_68 = arith.cmpf ogt, %add3A_65, %gt3A_67 : vector<512x512xf32>
    %mul3A_69 = arith.constant 2.000000e-01 : f32
    %mul3A_70 = vector.broadcast %mul3A_69 : f32 to vector<512x512xf32>
    %mul3A_71 = arith.mulf %mul3A_70, %add3A_65 : vector<512x512xf32>
    %select_n3A_72 = arith.select %gt3A_68, %add3A_65, %mul3A_71 : vector<512x512xi1>, vector<512x512xf32>
    %jit3A_73 = arith.constant -1.000000e+30 : f32
    %broadcast_in_dim3A_74 = vector.broadcast %jit3A_73 : f32 to vector<512x512xf32>
    %select_n3A_75 = arith.select %gt3A_5, %select_n3A_72, %broadcast_in_dim3A_74 : vector<512x512xi1>, vector<512x512xf32>
    %reduce_max3A_76 = arith.constant dense<0xFF800000> : vector<512xf32>
    %reduce_max3A_77 = vector.multi_reduction <maximumf>, %select_n3A_75, %reduce_max3A_76 [1] : vector<512x512xf32> to vector<512xf32>
    %broadcast_in_dim3A_78 = vector.shape_cast %reduce_max3A_77 : vector<512xf32> to vector<512x1xf32>
    %sub3A_79 = vector.broadcast %broadcast_in_dim3A_78 : vector<512x1xf32> to vector<512x512xf32>
    %sub3A_80 = arith.subf %select_n3A_75, %sub3A_79 : vector<512x512xf32>
    %exp3A_81 = math.exp %sub3A_80 : vector<512x512xf32>
    %mul3A_82 = arith.mulf %exp3A_81, %get3A_3 : vector<512x512xf32>
    %reduce_sum3A_83 = arith.constant dense<0.000000e+00> : vector<512xf32>
    %reduce_sum3A_84 = vector.multi_reduction <add>, %mul3A_82, %reduce_sum3A_83 [1] : vector<512x512xf32> to vector<512xf32>
    %broadcast_in_dim3A_85 = vector.shape_cast %reduce_sum3A_84 : vector<512xf32> to vector<512x1xf32>
    %add3A_86 = arith.constant 1.000000e-16 : f32
    %add3A_87 = vector.broadcast %add3A_86 : f32 to vector<512x1xf32>
    %add3A_88 = arith.addf %broadcast_in_dim3A_85, %add3A_87 : vector<512x1xf32>
    %div3A_89 = arith.constant 1.000000e+00 : f32
    %div3A_90 = vector.broadcast %div3A_89 : f32 to vector<512x1xf32>
    %div3A_91 = arith.divf %div3A_90, %add3A_88 : vector<512x1xf32>
    %mul3A_92 = vector.broadcast %div3A_91 : vector<512x1xf32> to vector<512x512xf32>
    %mul3A_93 = arith.mulf %mul3A_82, %mul3A_92 : vector<512x512xf32>
    %dot_general3A_94 = arith.constant dense<0.000000e+00> : vector<512x256xf32>
    %dot_general3A_95 = tpu.matmul %mul3A_93, %slice3A_50, %dot_general3A_94 {dimension_numbers = #tpu.dot_dimension_numbers<[1], [0], [0], [1], [0, 0, 1, 1], [], []>, transpose_lhs_hint = false} : vector<512x512xf32>, vector<512x256xf32>, vector<512x256xf32> -> vector<512x256xf32>
    %concatenate3A = tpu.concatenate %dot_general3A_44, %dot_general3A_95 in 1 : vector<512x256xf32>, vector<512x256xf32> -> vector<512x512xf32>
    %get3A_96 = arith.constant 0 : index
    %get3A_97 = arith.constant 0 : index
    %get3A_98 = arith.constant 0 : index
    %get3A_99 = vector.load %arg6[%get3A_96, %get3A_97, %get3A_98] : memref<1x512x512xf32, #tpu.memory_space<vmem>>, vector<1x512x512xf32>
    %get3A_100 = vector.shape_cast %get3A_99 : vector<1x512x512xf32> to vector<512x512xf32>
    %get3A_101 = arith.constant 0 : index
    %get3A_102 = arith.constant 0 : index
    %get3A_103 = vector.load %arg8[%get3A_101, %get3A_102] : memref<512x512xf32, #tpu.memory_space<vmem>>, vector<512x512xf32>
    %dot_general3A_104 = arith.constant dense<0.000000e+00> : vector<512x512xf32>
    %dot_general3A_105 = tpu.matmul %get3A_100, %get3A_103, %dot_general3A_104 {dimension_numbers = #tpu.dot_dimension_numbers<[1], [0], [0], [1], [0, 0, 1, 1], [], []>, transpose_lhs_hint = false} : vector<512x512xf32>, vector<512x512xf32>, vector<512x512xf32> -> vector<512x512xf32>
    %get3A_106 = arith.constant 0 : index
    %get3A_107 = arith.constant 0 : index
    %get3A_108 = vector.load %arg7[%get3A_106, %get3A_107] : memref<1x512xf32, #tpu.memory_space<vmem>>, vector<1x512xf32>
    %add3A_109 = vector.broadcast %get3A_108 : vector<1x512xf32> to vector<512x512xf32>
    %add3A_110 = arith.addf %concatenate3A, %add3A_109 : vector<512x512xf32>
    %add3A_111 = arith.addf %add3A_110, %dot_general3A_105 : vector<512x512xf32>
    %get3A_112 = arith.constant 0 : index
    %get3A_113 = arith.constant 0 : index
    %get3A_114 = vector.load %arg9[%get3A_112, %get3A_113] : memref<1x512xf32, #tpu.memory_space<vmem>>, vector<1x512xf32>
    %add3A_115 = vector.broadcast %get3A_114 : vector<1x512xf32> to vector<512x512xf32>
    %add3A_116 = arith.addf %add3A_111, %add3A_115 : vector<512x512xf32>
    %gt3A_117 = arith.constant 0.000000e+00 : f32
    %gt3A_118 = vector.broadcast %gt3A_117 : f32 to vector<512x512xf32>
    %gt3A_119 = arith.cmpf ogt, %add3A_116, %gt3A_118 : vector<512x512xf32>
    %exp3A_120 = math.exp %add3A_116 : vector<512x512xf32>
    %sub3A_121 = arith.constant 1.000000e+00 : f32
    %sub3A_122 = vector.broadcast %sub3A_121 : f32 to vector<512x512xf32>
    %sub3A_123 = arith.subf %exp3A_120, %sub3A_122 : vector<512x512xf32>
    %select_n3A_124 = arith.select %gt3A_119, %add3A_116, %sub3A_123 : vector<512x512xi1>, vector<512x512xf32>
    %swap3A = arith.constant 0 : index
    %swap3A_125 = arith.constant 0 : index
    %swap3A_126 = arith.constant 0 : index
    %swap3A_127 = vector.load %arg13[%swap3A, %swap3A_125, %swap3A_126] : memref<1x512x512xf32, #tpu.memory_space<vmem>>, vector<1x512x512xf32>
    %swap3A_128 = vector.shape_cast %swap3A_127 : vector<1x512x512xf32> to vector<512x512xf32>
    %swap3A_129 = vector.shape_cast %select_n3A_124 : vector<512x512xf32> to vector<1x512x512xf32>
    tpu.vector_store %arg13[%swap3A, %swap3A_125, %swap3A_126], %swap3A_129 {strides = array<i32>} : memref<1x512x512xf32, #tpu.memory_space<vmem>>, vector<1x512x512xf32>,
    %get3A_130 = arith.constant 0 : index
    %get3A_131 = arith.constant 0 : index
    %get3A_132 = vector.load %arg10[%get3A_130, %get3A_131] : memref<512x256xf32, #tpu.memory_space<vmem>>, vector<512x256xf32>
    %dot_general3A_133 = arith.constant dense<0.000000e+00> : vector<512x256xf32>
    %dot_general3A_134 = tpu.matmul %select_n3A_124, %get3A_132, %dot_general3A_133 {dimension_numbers = #tpu.dot_dimension_numbers<[1], [0], [0], [1], [0, 0, 1, 1], [], []>, transpose_lhs_hint = false} : vector<512x512xf32>, vector<512x256xf32>, vector<512x256xf32> -> vector<512x256xf32>
    %swap3A_135 = arith.constant 0 : index
    %swap3A_136 = arith.constant 0 : index
    %swap3A_137 = arith.constant 0 : index
    %swap3A_138 = vector.load %arg14[%swap3A_135, %swap3A_136, %swap3A_137] : memref<1x512x256xf32, #tpu.memory_space<vmem>>, vector<1x512x256xf32>
    %swap3A_139 = vector.shape_cast %swap3A_138 : vector<1x512x256xf32> to vector<512x256xf32>
    %swap3A_140 = vector.shape_cast %dot_general3A_134 : vector<512x256xf32> to vector<1x512x256xf32>
    tpu.vector_store %arg14[%swap3A_135, %swap3A_136, %swap3A_137], %swap3A_140 {strides = array<i32>} : memref<1x512x256xf32, #tpu.memory_space<vmem>>, vector<1x512x256xf32>,
    %slice3A_141 = vector.extract_strided_slice %dot_general3A_134 {offsets = [0, 0], sizes = [512, 128], strides = [1, 1]} : vector<512x256xf32> to vector<512x128xf32>
    %get3A_142 = arith.constant 0 : index
    %get3A_143 = arith.constant 0 : index
    %get3A_144 = vector.load %arg11[%get3A_142, %get3A_143] : memref<2x128xf32, #tpu.memory_space<vmem>>, vector<1x128xf32>
    %mul3A_145 = vector.broadcast %get3A_144 : vector<1x128xf32> to vector<512x128xf32>
    %mul3A_146 = arith.mulf %slice3A_141, %mul3A_145 : vector<512x128xf32>
    %reduce_sum3A_147 = arith.constant dense<0.000000e+00> : vector<512xf32>
    %reduce_sum3A_148 = vector.multi_reduction <add>, %mul3A_146, %reduce_sum3A_147 [1] : vector<512x128xf32> to vector<512xf32>
    %swap3A_149 = arith.constant 0 : index
    %swap3A_150 = arith.constant 0 : index
    %swap3A_151 = arith.constant 0 : index
    %swap3A_152 = vector.load %arg15[%swap3A_149, %swap3A_150, %swap3A_151] : memref<1x2x512xf32, #tpu.memory_space<vmem>>, vector<1x1x512xf32>
    %swap3A_153 = vector.shape_cast %swap3A_152 : vector<1x1x512xf32> to vector<512xf32>
    %swap3A_154 = vector.shape_cast %reduce_sum3A_148 : vector<512xf32> to vector<1x1x512xf32>
    tpu.vector_store %arg15[%swap3A_149, %swap3A_150, %swap3A_151], %swap3A_154 {strides = array<i32>} : memref<1x2x512xf32, #tpu.memory_space<vmem>>, vector<1x1x512xf32>,
    %get3A_155 = arith.constant 0 : index
    %get3A_156 = arith.constant 0 : index
    %get3A_157 = vector.load %arg12[%get3A_155, %get3A_156] : memref<2x128xf32, #tpu.memory_space<vmem>>, vector<1x128xf32>
    %mul3A_158 = vector.broadcast %get3A_157 : vector<1x128xf32> to vector<512x128xf32>
    %mul3A_159 = arith.mulf %slice3A_141, %mul3A_158 : vector<512x128xf32>
    %reduce_sum3A_160 = arith.constant dense<0.000000e+00> : vector<512xf32>
    %reduce_sum3A_161 = vector.multi_reduction <add>, %mul3A_159, %reduce_sum3A_160 [1] : vector<512x128xf32> to vector<512xf32>
    %swap3A_162 = arith.constant 0 : index
    %swap3A_163 = arith.constant 0 : index
    %swap3A_164 = arith.constant 0 : index
    %swap3A_165 = vector.load %arg16[%swap3A_162, %swap3A_163, %swap3A_164] : memref<1x2x512xf32, #tpu.memory_space<vmem>>, vector<1x1x512xf32>
    %swap3A_166 = vector.shape_cast %swap3A_165 : vector<1x1x512xf32> to vector<512xf32>
    %swap3A_167 = vector.shape_cast %reduce_sum3A_161 : vector<512xf32> to vector<1x1x512xf32>
    tpu.vector_store %arg16[%swap3A_162, %swap3A_163, %swap3A_164], %swap3A_167 {strides = array<i32>} : memref<1x2x512xf32, #tpu.memory_space<vmem>>, vector<1x1x512xf32>,
    %slice3A_168 = vector.extract_strided_slice %dot_general3A_134 {offsets = [0, 128], sizes = [512, 128], strides = [1, 1]} : vector<512x256xf32> to vector<512x128xf32>
    %get3A_169 = arith.constant 1 : index
    %get3A_170 = arith.constant 0 : index
    %get3A_171 = vector.load %arg11[%get3A_169, %get3A_170] : memref<2x128xf32, #tpu.memory_space<vmem>>, vector<1x128xf32>
    %mul3A_172 = vector.broadcast %get3A_171 : vector<1x128xf32> to vector<512x128xf32>
    %mul3A_173 = arith.mulf %slice3A_168, %mul3A_172 : vector<512x128xf32>
    %reduce_sum3A_174 = arith.constant dense<0.000000e+00> : vector<512xf32>
    %reduce_sum3A_175 = vector.multi_reduction <add>, %mul3A_173, %reduce_sum3A_174 [1] : vector<512x128xf32> to vector<512xf32>
    %swap3A_176 = arith.constant 0 : index
    %swap3A_177 = arith.constant 1 : index
    %swap3A_178 = arith.constant 0 : index
    %swap3A_179 = vector.load %arg15[%swap3A_176, %swap3A_177, %swap3A_178] : memref<1x2x512xf32, #tpu.memory_space<vmem>>, vector<1x1x512xf32>
    %swap3A_180 = vector.shape_cast %swap3A_179 : vector<1x1x512xf32> to vector<512xf32>
    %swap3A_181 = vector.shape_cast %reduce_sum3A_175 : vector<512xf32> to vector<1x1x512xf32>
    tpu.vector_store %arg15[%swap3A_176, %swap3A_177, %swap3A_178], %swap3A_181 {strides = array<i32>} : memref<1x2x512xf32, #tpu.memory_space<vmem>>, vector<1x1x512xf32>,
    %get3A_182 = arith.constant 1 : index
    %get3A_183 = arith.constant 0 : index
    %get3A_184 = vector.load %arg12[%get3A_182, %get3A_183] : memref<2x128xf32, #tpu.memory_space<vmem>>, vector<1x128xf32>
    %mul3A_185 = vector.broadcast %get3A_184 : vector<1x128xf32> to vector<512x128xf32>
    %mul3A_186 = arith.mulf %slice3A_168, %mul3A_185 : vector<512x128xf32>
    %reduce_sum3A_187 = arith.constant dense<0.000000e+00> : vector<512xf32>
    %reduce_sum3A_188 = vector.multi_reduction <add>, %mul3A_186, %reduce_sum3A_187 [1] : vector<512x128xf32> to vector<512xf32>
    %swap3A_189 = arith.constant 0 : index
    %swap3A_190 = arith.constant 1 : index
    %swap3A_191 = arith.constant 0 : index
    %swap3A_192 = vector.load %arg16[%swap3A_189, %swap3A_190, %swap3A_191] : memref<1x2x512xf32, #tpu.memory_space<vmem>>, vector<1x1x512xf32>
    %swap3A_193 = vector.shape_cast %swap3A_192 : vector<1x1x512xf32> to vector<512xf32>
    %swap3A_194 = vector.shape_cast %reduce_sum3A_188 : vector<512xf32> to vector<1x1x512xf32>
    tpu.vector_store %arg16[%swap3A_189, %swap3A_190, %swap3A_191], %swap3A_194 {strides = array<i32>} : memref<1x2x512xf32, #tpu.memory_space<vmem>>, vector<1x1x512xf32>,
    return
  }
  func.func @transform_0(%arg0: i32, %arg1: i32) -> (i32, i32, i32) {
    %c0_i32 = arith.constant 0 : i32
    %c0_i32_0 = arith.constant 0 : i32
    return %arg0, %arg1, %c0_i32 : i32, i32, i32
  }
  func.func @transform_1(%arg0: i32, %arg1: i32) -> (i32, i32, i32) {
    %c0_i32 = arith.constant 0 : i32
    %c0_i32_0 = arith.constant 0 : i32
    %c0_i32_1 = arith.constant 0 : i32
    return %arg0, %c0_i32, %c0_i32_0 : i32, i32, i32
  }
  func.func @transform_2(%arg0: i32, %arg1: i32) -> (i32, i32, i32) {
    %c0_i32 = arith.constant 0 : i32
    %c0_i32_0 = arith.constant 0 : i32
    %c0_i32_1 = arith.constant 0 : i32
    return %arg0, %c0_i32, %c0_i32_0 : i32, i32, i32
  }
  func.func @transform_3(%arg0: i32, %arg1: i32) -> (i32, i32, i32) {
    %c0_i32 = arith.constant 0 : i32
    %c0_i32_0 = arith.constant 0 : i32
    return %arg0, %c0_i32, %arg1 : i32, i32, i32
  }
  func.func @transform_4(%arg0: i32, %arg1: i32) -> (i32, i32, i32) {
    %c0_i32 = arith.constant 0 : i32
    %c0_i32_0 = arith.constant 0 : i32
    return %arg0, %arg1, %c0_i32 : i32, i32, i32
  }
  func.func @transform_5(%arg0: i32, %arg1: i32) -> (i32, i32) {
    %c0_i32 = arith.constant 0 : i32
    %c0_i32_0 = arith.constant 0 : i32
    %c0_i32_1 = arith.constant 0 : i32
    return %c0_i32, %c0_i32_0 : i32, i32
  }
  func.func @transform_6(%arg0: i32, %arg1: i32) -> (i32, i32) {
    %c0_i32 = arith.constant 0 : i32
    %c0_i32_0 = arith.constant 0 : i32
    %c0_i32_1 = arith.constant 0 : i32
    return %c0_i32, %c0_i32_0 : i32, i32
  }
  func.func @transform_7(%arg0: i32, %arg1: i32) -> (i32, i32) {
    %c0_i32 = arith.constant 0 : i32
    %c0_i32_0 = arith.constant 0 : i32
    %c0_i32_1 = arith.constant 0 : i32
    return %c0_i32, %c0_i32_0 : i32, i32
  }
  func.func @transform_8(%arg0: i32, %arg1: i32) -> (i32, i32) {
    %c0_i32 = arith.constant 0 : i32
    %c0_i32_0 = arith.constant 0 : i32
    %c0_i32_1 = arith.constant 0 : i32
    return %c0_i32, %c0_i32_0 : i32, i32
  }
  func.func @transform_9(%arg0: i32, %arg1: i32) -> (i32, i32) {
    %c0_i32 = arith.constant 0 : i32
    %c0_i32_0 = arith.constant 0 : i32
    %c0_i32_1 = arith.constant 0 : i32
    return %c0_i32, %c0_i32_0 : i32, i32
  }
  func.func @transform_10(%arg0: i32, %arg1: i32) -> (i32, i32) {
    %c0_i32 = arith.constant 0 : i32
    %c0_i32_0 = arith.constant 0 : i32
    %c0_i32_1 = arith.constant 0 : i32
    return %c0_i32, %c0_i32_0 : i32, i32
  }
  func.func @transform_11(%arg0: i32, %arg1: i32) -> (i32, i32, i32) {
    %c0_i32 = arith.constant 0 : i32
    %c0_i32_0 = arith.constant 0 : i32
    return %arg0, %arg1, %c0_i32 : i32, i32, i32
  }
  func.func @transform_12(%arg0: i32, %arg1: i32) -> (i32, i32, i32) {
    %c0_i32 = arith.constant 0 : i32
    %c0_i32_0 = arith.constant 0 : i32
    return %arg0, %arg1, %c0_i32 : i32, i32, i32
  }
  func.func @transform_13(%arg0: i32, %arg1: i32) -> (i32, i32, i32) {
    %c0_i32 = arith.constant 0 : i32
    %c0_i32_0 = arith.constant 0 : i32
    return %arg0, %c0_i32, %arg1 : i32, i32, i32
  }
  func.func @transform_14(%arg0: i32, %arg1: i32) -> (i32, i32, i32) {
    %c0_i32 = arith.constant 0 : i32
    %c0_i32_0 = arith.constant 0 : i32
    return %arg0, %c0_i32, %arg1 : i32, i32, i32
  }
}

module attributes {stable_mosaic.version = 14 : i64} {
  func.func @body(%arg0: i32, %arg1: i32, %arg2: memref<1x512x512xf32, #tpu.memory_space<vmem>>, %arg3: memref<1x512x256xf32, #tpu.memory_space<vmem>>, %arg4: memref<1x2x512xf32, #tpu.memory_space<vmem>>, %arg5: memref<1x2x512xf32, #tpu.memory_space<vmem>>, %arg6: memref<1x512x512xf32, #tpu.memory_space<vmem>>, %arg7: memref<1x128xf32, #tpu.memory_space<vmem>>, %arg8: memref<512x128xf32, #tpu.memory_space<vmem>>, %arg9: memref<1x128xf32, #tpu.memory_space<vmem>>, %arg10: memref<1x512x128xf32, #tpu.memory_space<vmem>>, %arg11: memref<1x512x128xf32, #tpu.memory_space<vmem>>, %arg12: memref<1x512x128xf32, #tpu.memory_space<vmem>>, %arg13: memref<128x128xf32, #tpu.memory_space<vmem>>, %arg14: memref<128x128xf32, #tpu.memory_space<vmem>>, %arg15: memref<128x128xf32, #tpu.memory_space<vmem>>, %arg16: memref<256x128xf32, #tpu.memory_space<vmem>>, %arg17: memref<1x128xf32, #tpu.memory_space<vmem>>, %arg18: memref<1x128xf32, #tpu.memory_space<vmem>>, %arg19: memref<1x512x128xf32, #tpu.memory_space<vmem>>, %arg20: memref<1x2x512x512xf32, #tpu.memory_space<vmem>>) attributes {dimension_semantics = [#tpu.dimension_semantics<parallel>, #tpu.dimension_semantics<parallel>], iteration_bounds = array<i64: 16, 1>, scalar_prefetch = 0 : i64, scratch_operands = 0 : i64, tpu.core_type = #tpu.core_type<tc>, window_params = [{transform_indices = @transform_0, window_bounds = array<i64: 1, 512, 512>}, {transform_indices = @transform_1, window_bounds = array<i64: 1, 512, 256>}, {transform_indices = @transform_2, window_bounds = array<i64: 1, 2, 512>}, {transform_indices = @transform_3, window_bounds = array<i64: 1, 2, 512>}, {transform_indices = @transform_4, window_bounds = array<i64: 1, 512, 512>}, {pipeline_mode = #tpu.pipeline_mode<synchronous>, transform_indices = @transform_5, window_bounds = array<i64: 1, 128>}, {pipeline_mode = #tpu.pipeline_mode<synchronous>, transform_indices = @transform_6, window_bounds = array<i64: 512, 128>}, {pipeline_mode = #tpu.pipeline_mode<synchronous>, transform_indices = @transform_7, window_bounds = array<i64: 1, 128>}, {transform_indices = @transform_8, window_bounds = array<i64: 1, 512, 128>}, {transform_indices = @transform_9, window_bounds = array<i64: 1, 512, 128>}, {transform_indices = @transform_10, window_bounds = array<i64: 1, 512, 128>}, {pipeline_mode = #tpu.pipeline_mode<synchronous>, transform_indices = @transform_11, window_bounds = array<i64: 128, 128>}, {pipeline_mode = #tpu.pipeline_mode<synchronous>, transform_indices = @transform_12, window_bounds = array<i64: 128, 128>}, {pipeline_mode = #tpu.pipeline_mode<synchronous>, transform_indices = @transform_13, window_bounds = array<i64: 128, 128>}, {pipeline_mode = #tpu.pipeline_mode<synchronous>, transform_indices = @transform_14, window_bounds = array<i64: 256, 128>}, {pipeline_mode = #tpu.pipeline_mode<synchronous>, transform_indices = @transform_15, window_bounds = array<i64: 1, 128>}, {pipeline_mode = #tpu.pipeline_mode<synchronous>, transform_indices = @transform_16, window_bounds = array<i64: 1, 128>}, {transform_indices = @transform_17, window_bounds = array<i64: 1, 512, 128>}, {transform_indices = @transform_18, window_bounds = array<i64: 1, 2, 512, 512>}]} {
    %get3A = arith.constant 0 : index
    %get3A_0 = arith.constant 0 : index
    %get3A_1 = arith.constant 0 : index
    %get3A_2 = vector.load %arg2[%get3A, %get3A_0, %get3A_1] : memref<1x512x512xf32, #tpu.memory_space<vmem>>, vector<1x512x512xf32>
    %get3A_3 = vector.shape_cast %get3A_2 : vector<1x512x512xf32> to vector<512x512xf32>
    %gt3A = arith.constant 0.000000e+00 : f32
    %gt3A_4 = vector.broadcast %gt3A : f32 to vector<512x512xf32>
    %gt3A_5 = arith.cmpf ogt, %get3A_3, %gt3A_4 : vector<512x512xf32>
    %get3A_6 = arith.constant 0 : index
    %get3A_7 = arith.constant 0 : index
    %get3A_8 = arith.constant 0 : index
    %get3A_9 = vector.load %arg3[%get3A_6, %get3A_7, %get3A_8] : memref<1x512x256xf32, #tpu.memory_space<vmem>>, vector<1x512x256xf32>
    %get3A_10 = vector.shape_cast %get3A_9 : vector<1x512x256xf32> to vector<512x256xf32>
    %slice3A = vector.extract_strided_slice %get3A_10 {offsets = [0, 0], sizes = [512, 128], strides = [1, 1]} : vector<512x256xf32> to vector<512x128xf32>
    %get3A_11 = arith.constant 0 : index
    %get3A_12 = arith.constant 0 : index
    %get3A_13 = arith.constant 0 : index
    %get3A_14 = vector.load %arg4[%get3A_11, %get3A_12, %get3A_13] : memref<1x2x512xf32, #tpu.memory_space<vmem>>, vector<1x1x512xf32>
    %get3A_15 = vector.shape_cast %get3A_14 : vector<1x1x512xf32> to vector<512xf32>
    %broadcast_in_dim3A = vector.shape_cast %get3A_15 : vector<512xf32> to vector<1x512xf32>
    %get3A_16 = arith.constant 0 : index
    %get3A_17 = arith.constant 0 : index
    %get3A_18 = arith.constant 0 : index
    %get3A_19 = vector.load %arg5[%get3A_16, %get3A_17, %get3A_18] : memref<1x2x512xf32, #tpu.memory_space<vmem>>, vector<1x1x512xf32>
    %get3A_20 = vector.shape_cast %get3A_19 : vector<1x1x512xf32> to vector<512xf32>
    %broadcast_in_dim3A_21 = vector.shape_cast %get3A_20 : vector<512xf32> to vector<512x1xf32>
    %add3A = vector.broadcast %broadcast_in_dim3A : vector<1x512xf32> to vector<512x512xf32>
    %add3A_22 = vector.broadcast %broadcast_in_dim3A_21 : vector<512x1xf32> to vector<512x512xf32>
    %add3A_23 = arith.addf %add3A, %add3A_22 : vector<512x512xf32>
    %gt3A_24 = arith.constant 0.000000e+00 : f32
    %gt3A_25 = vector.broadcast %gt3A_24 : f32 to vector<512x512xf32>
    %gt3A_26 = arith.cmpf ogt, %add3A_23, %gt3A_25 : vector<512x512xf32>
    %mul3A = arith.constant 2.000000e-01 : f32
    %mul3A_27 = vector.broadcast %mul3A : f32 to vector<512x512xf32>
    %mul3A_28 = arith.mulf %mul3A_27, %add3A_23 : vector<512x512xf32>
    %select_n3A = arith.select %gt3A_26, %add3A_23, %mul3A_28 : vector<512x512xi1>, vector<512x512xf32>
    %jit3A = arith.constant -1.000000e+30 : f32
    %broadcast_in_dim3A_29 = vector.broadcast %jit3A : f32 to vector<512x512xf32>
    %select_n3A_30 = arith.select %gt3A_5, %select_n3A, %broadcast_in_dim3A_29 : vector<512x512xi1>, vector<512x512xf32>
    %reduce_max3A = arith.constant dense<0xFF800000> : vector<512xf32>
    %reduce_max3A_31 = vector.multi_reduction <maximumf>, %select_n3A_30, %reduce_max3A [1] : vector<512x512xf32> to vector<512xf32>
    %broadcast_in_dim3A_32 = vector.shape_cast %reduce_max3A_31 : vector<512xf32> to vector<512x1xf32>
    %sub3A = vector.broadcast %broadcast_in_dim3A_32 : vector<512x1xf32> to vector<512x512xf32>
    %sub3A_33 = arith.subf %select_n3A_30, %sub3A : vector<512x512xf32>
    %exp3A = math.exp %sub3A_33 : vector<512x512xf32>
    %mul3A_34 = arith.mulf %exp3A, %get3A_3 : vector<512x512xf32>
    %reduce_sum3A = arith.constant dense<0.000000e+00> : vector<512xf32>
    %reduce_sum3A_35 = vector.multi_reduction <add>, %mul3A_34, %reduce_sum3A [1] : vector<512x512xf32> to vector<512xf32>
    %broadcast_in_dim3A_36 = vector.shape_cast %reduce_sum3A_35 : vector<512xf32> to vector<512x1xf32>
    %add3A_37 = arith.constant 1.000000e-16 : f32
    %add3A_38 = vector.broadcast %add3A_37 : f32 to vector<512x1xf32>
    %add3A_39 = arith.addf %broadcast_in_dim3A_36, %add3A_38 : vector<512x1xf32>
    %div3A = arith.constant 1.000000e+00 : f32
    %div3A_40 = vector.broadcast %div3A : f32 to vector<512x1xf32>
    %div3A_41 = arith.divf %div3A_40, %add3A_39 : vector<512x1xf32>
    %mul3A_42 = vector.broadcast %div3A_41 : vector<512x1xf32> to vector<512x512xf32>
    %mul3A_43 = arith.mulf %mul3A_34, %mul3A_42 : vector<512x512xf32>
    %dot_general3A = arith.constant dense<0.000000e+00> : vector<512x128xf32>
    %dot_general3A_44 = tpu.matmul %mul3A_43, %slice3A, %dot_general3A {dimension_numbers = #tpu.dot_dimension_numbers<[1], [0], [0], [1], [0, 0, 1, 1], [], []>, transpose_lhs_hint = false} : vector<512x512xf32>, vector<512x128xf32>, vector<512x128xf32> -> vector<512x128xf32>
    %get3A_45 = arith.constant 0 : index
    %get3A_46 = arith.constant 0 : index
    %get3A_47 = arith.constant 0 : index
    %get3A_48 = vector.load %arg3[%get3A_45, %get3A_46, %get3A_47] : memref<1x512x256xf32, #tpu.memory_space<vmem>>, vector<1x512x256xf32>
    %get3A_49 = vector.shape_cast %get3A_48 : vector<1x512x256xf32> to vector<512x256xf32>
    %slice3A_50 = vector.extract_strided_slice %get3A_49 {offsets = [0, 128], sizes = [512, 128], strides = [1, 1]} : vector<512x256xf32> to vector<512x128xf32>
    %get3A_51 = arith.constant 0 : index
    %get3A_52 = arith.constant 1 : index
    %get3A_53 = arith.constant 0 : index
    %get3A_54 = vector.load %arg4[%get3A_51, %get3A_52, %get3A_53] : memref<1x2x512xf32, #tpu.memory_space<vmem>>, vector<1x1x512xf32>
    %get3A_55 = vector.shape_cast %get3A_54 : vector<1x1x512xf32> to vector<512xf32>
    %broadcast_in_dim3A_56 = vector.shape_cast %get3A_55 : vector<512xf32> to vector<1x512xf32>
    %get3A_57 = arith.constant 0 : index
    %get3A_58 = arith.constant 1 : index
    %get3A_59 = arith.constant 0 : index
    %get3A_60 = vector.load %arg5[%get3A_57, %get3A_58, %get3A_59] : memref<1x2x512xf32, #tpu.memory_space<vmem>>, vector<1x1x512xf32>
    %get3A_61 = vector.shape_cast %get3A_60 : vector<1x1x512xf32> to vector<512xf32>
    %broadcast_in_dim3A_62 = vector.shape_cast %get3A_61 : vector<512xf32> to vector<512x1xf32>
    %add3A_63 = vector.broadcast %broadcast_in_dim3A_56 : vector<1x512xf32> to vector<512x512xf32>
    %add3A_64 = vector.broadcast %broadcast_in_dim3A_62 : vector<512x1xf32> to vector<512x512xf32>
    %add3A_65 = arith.addf %add3A_63, %add3A_64 : vector<512x512xf32>
    %gt3A_66 = arith.constant 0.000000e+00 : f32
    %gt3A_67 = vector.broadcast %gt3A_66 : f32 to vector<512x512xf32>
    %gt3A_68 = arith.cmpf ogt, %add3A_65, %gt3A_67 : vector<512x512xf32>
    %mul3A_69 = arith.constant 2.000000e-01 : f32
    %mul3A_70 = vector.broadcast %mul3A_69 : f32 to vector<512x512xf32>
    %mul3A_71 = arith.mulf %mul3A_70, %add3A_65 : vector<512x512xf32>
    %select_n3A_72 = arith.select %gt3A_68, %add3A_65, %mul3A_71 : vector<512x512xi1>, vector<512x512xf32>
    %jit3A_73 = arith.constant -1.000000e+30 : f32
    %broadcast_in_dim3A_74 = vector.broadcast %jit3A_73 : f32 to vector<512x512xf32>
    %select_n3A_75 = arith.select %gt3A_5, %select_n3A_72, %broadcast_in_dim3A_74 : vector<512x512xi1>, vector<512x512xf32>
    %reduce_max3A_76 = arith.constant dense<0xFF800000> : vector<512xf32>
    %reduce_max3A_77 = vector.multi_reduction <maximumf>, %select_n3A_75, %reduce_max3A_76 [1] : vector<512x512xf32> to vector<512xf32>
    %broadcast_in_dim3A_78 = vector.shape_cast %reduce_max3A_77 : vector<512xf32> to vector<512x1xf32>
    %sub3A_79 = vector.broadcast %broadcast_in_dim3A_78 : vector<512x1xf32> to vector<512x512xf32>
    %sub3A_80 = arith.subf %select_n3A_75, %sub3A_79 : vector<512x512xf32>
    %exp3A_81 = math.exp %sub3A_80 : vector<512x512xf32>
    %mul3A_82 = arith.mulf %exp3A_81, %get3A_3 : vector<512x512xf32>
    %reduce_sum3A_83 = arith.constant dense<0.000000e+00> : vector<512xf32>
    %reduce_sum3A_84 = vector.multi_reduction <add>, %mul3A_82, %reduce_sum3A_83 [1] : vector<512x512xf32> to vector<512xf32>
    %broadcast_in_dim3A_85 = vector.shape_cast %reduce_sum3A_84 : vector<512xf32> to vector<512x1xf32>
    %add3A_86 = arith.constant 1.000000e-16 : f32
    %add3A_87 = vector.broadcast %add3A_86 : f32 to vector<512x1xf32>
    %add3A_88 = arith.addf %broadcast_in_dim3A_85, %add3A_87 : vector<512x1xf32>
    %div3A_89 = arith.constant 1.000000e+00 : f32
    %div3A_90 = vector.broadcast %div3A_89 : f32 to vector<512x1xf32>
    %div3A_91 = arith.divf %div3A_90, %add3A_88 : vector<512x1xf32>
    %mul3A_92 = vector.broadcast %div3A_91 : vector<512x1xf32> to vector<512x512xf32>
    %mul3A_93 = arith.mulf %mul3A_82, %mul3A_92 : vector<512x512xf32>
    %dot_general3A_94 = arith.constant dense<0.000000e+00> : vector<512x128xf32>
    %dot_general3A_95 = tpu.matmul %mul3A_93, %slice3A_50, %dot_general3A_94 {dimension_numbers = #tpu.dot_dimension_numbers<[1], [0], [0], [1], [0, 0, 1, 1], [], []>, transpose_lhs_hint = false} : vector<512x512xf32>, vector<512x128xf32>, vector<512x128xf32> -> vector<512x128xf32>
    %add3A_96 = arith.addf %dot_general3A_44, %dot_general3A_95 : vector<512x128xf32>
    %mul3A_97 = arith.constant 5.000000e-01 : f32
    %mul3A_98 = vector.broadcast %mul3A_97 : f32 to vector<512x128xf32>
    %mul3A_99 = arith.mulf %mul3A_98, %add3A_96 : vector<512x128xf32>
    %get3A_100 = arith.constant 0 : index
    %get3A_101 = arith.constant 0 : index
    %get3A_102 = arith.constant 0 : index
    %get3A_103 = vector.load %arg6[%get3A_100, %get3A_101, %get3A_102] : memref<1x512x512xf32, #tpu.memory_space<vmem>>, vector<1x512x512xf32>
    %get3A_104 = vector.shape_cast %get3A_103 : vector<1x512x512xf32> to vector<512x512xf32>
    %get3A_105 = arith.constant 0 : index
    %get3A_106 = arith.constant 0 : index
    %get3A_107 = vector.load %arg8[%get3A_105, %get3A_106] : memref<512x128xf32, #tpu.memory_space<vmem>>, vector<512x128xf32>
    %dot_general3A_108 = arith.constant dense<0.000000e+00> : vector<512x128xf32>
    %dot_general3A_109 = tpu.matmul %get3A_104, %get3A_107, %dot_general3A_108 {dimension_numbers = #tpu.dot_dimension_numbers<[1], [0], [0], [1], [0, 0, 1, 1], [], []>, transpose_lhs_hint = false} : vector<512x512xf32>, vector<512x128xf32>, vector<512x128xf32> -> vector<512x128xf32>
    %get3A_110 = arith.constant 0 : index
    %get3A_111 = arith.constant 0 : index
    %get3A_112 = vector.load %arg7[%get3A_110, %get3A_111] : memref<1x128xf32, #tpu.memory_space<vmem>>, vector<1x128xf32>
    %add3A_113 = vector.broadcast %get3A_112 : vector<1x128xf32> to vector<512x128xf32>
    %add3A_114 = arith.addf %mul3A_99, %add3A_113 : vector<512x128xf32>
    %add3A_115 = arith.addf %add3A_114, %dot_general3A_109 : vector<512x128xf32>
    %get3A_116 = arith.constant 0 : index
    %get3A_117 = arith.constant 0 : index
    %get3A_118 = vector.load %arg9[%get3A_116, %get3A_117] : memref<1x128xf32, #tpu.memory_space<vmem>>, vector<1x128xf32>
    %add3A_119 = vector.broadcast %get3A_118 : vector<1x128xf32> to vector<512x128xf32>
    %add3A_120 = arith.addf %add3A_115, %add3A_119 : vector<512x128xf32>
    %get3A_121 = arith.constant 0 : index
    %get3A_122 = arith.constant 0 : index
    %get3A_123 = arith.constant 0 : index
    %get3A_124 = vector.load %arg10[%get3A_121, %get3A_122, %get3A_123] : memref<1x512x128xf32, #tpu.memory_space<vmem>>, vector<1x512x128xf32>
    %get3A_125 = vector.shape_cast %get3A_124 : vector<1x512x128xf32> to vector<512x128xf32>
    %get3A_126 = arith.constant 0 : index
    %get3A_127 = arith.constant 0 : index
    %get3A_128 = vector.load %arg13[%get3A_126, %get3A_127] : memref<128x128xf32, #tpu.memory_space<vmem>>, vector<128x128xf32>
    %dot_general3A_129 = arith.constant dense<0.000000e+00> : vector<512x128xf32>
    %dot_general3A_130 = tpu.matmul %get3A_125, %get3A_128, %dot_general3A_129 {dimension_numbers = #tpu.dot_dimension_numbers<[1], [0], [0], [1], [0, 0, 1, 1], [], []>, transpose_lhs_hint = false} : vector<512x128xf32>, vector<128x128xf32>, vector<512x128xf32> -> vector<512x128xf32>
    %get3A_131 = arith.constant 0 : index
    %get3A_132 = arith.constant 0 : index
    %get3A_133 = arith.constant 0 : index
    %get3A_134 = vector.load %arg11[%get3A_131, %get3A_132, %get3A_133] : memref<1x512x128xf32, #tpu.memory_space<vmem>>, vector<1x512x128xf32>
    %get3A_135 = vector.shape_cast %get3A_134 : vector<1x512x128xf32> to vector<512x128xf32>
    %get3A_136 = arith.constant 0 : index
    %get3A_137 = arith.constant 0 : index
    %get3A_138 = vector.load %arg14[%get3A_136, %get3A_137] : memref<128x128xf32, #tpu.memory_space<vmem>>, vector<128x128xf32>
    %dot_general3A_139 = arith.constant dense<0.000000e+00> : vector<512x128xf32>
    %dot_general3A_140 = tpu.matmul %get3A_135, %get3A_138, %dot_general3A_139 {dimension_numbers = #tpu.dot_dimension_numbers<[1], [0], [0], [1], [0, 0, 1, 1], [], []>, transpose_lhs_hint = false} : vector<512x128xf32>, vector<128x128xf32>, vector<512x128xf32> -> vector<512x128xf32>
    %get3A_141 = arith.constant 0 : index
    %get3A_142 = arith.constant 0 : index
    %get3A_143 = arith.constant 0 : index
    %get3A_144 = vector.load %arg12[%get3A_141, %get3A_142, %get3A_143] : memref<1x512x128xf32, #tpu.memory_space<vmem>>, vector<1x512x128xf32>
    %get3A_145 = vector.shape_cast %get3A_144 : vector<1x512x128xf32> to vector<512x128xf32>
    %get3A_146 = arith.constant 0 : index
    %get3A_147 = arith.constant 0 : index
    %get3A_148 = vector.load %arg15[%get3A_146, %get3A_147] : memref<128x128xf32, #tpu.memory_space<vmem>>, vector<128x128xf32>
    %dot_general3A_149 = arith.constant dense<0.000000e+00> : vector<512x128xf32>
    %dot_general3A_150 = tpu.matmul %get3A_145, %get3A_148, %dot_general3A_149 {dimension_numbers = #tpu.dot_dimension_numbers<[1], [0], [0], [1], [0, 0, 1, 1], [], []>, transpose_lhs_hint = false} : vector<512x128xf32>, vector<128x128xf32>, vector<512x128xf32> -> vector<512x128xf32>
    %slice3A_151 = vector.extract_strided_slice %dot_general3A_130 {offsets = [0, 0], sizes = [512, 64], strides = [1, 1]} : vector<512x128xf32> to vector<512x64xf32>
    %mul3A_152 = arith.constant 1.250000e-01 : f32
    %mul3A_153 = vector.broadcast %mul3A_152 : f32 to vector<512x64xf32>
    %mul3A_154 = arith.mulf %slice3A_151, %mul3A_153 : vector<512x64xf32>
    %slice3A_155 = vector.extract_strided_slice %dot_general3A_140 {offsets = [0, 0], sizes = [512, 64], strides = [1, 1]} : vector<512x128xf32> to vector<512x64xf32>
    %slice3A_156 = vector.extract_strided_slice %dot_general3A_150 {offsets = [0, 0], sizes = [512, 64], strides = [1, 1]} : vector<512x128xf32> to vector<512x64xf32>
    %dot_general3A_157 = arith.constant dense<0.000000e+00> : vector<512x512xf32>
    %dot_general3A_158 = tpu.matmul %mul3A_154, %slice3A_155, %dot_general3A_157 {dimension_numbers = #tpu.dot_dimension_numbers<[1], [1], [0], [0], [0, 0, 1, 0], [], []>, transpose_lhs_hint = false} : vector<512x64xf32>, vector<512x64xf32>, vector<512x512xf32> -> vector<512x512xf32>
    %reduce_max3A_159 = arith.constant dense<0xFF800000> : vector<512xf32>
    %reduce_max3A_160 = vector.multi_reduction <maximumf>, %dot_general3A_158, %reduce_max3A_159 [1] : vector<512x512xf32> to vector<512xf32>
    %broadcast_in_dim3A_161 = vector.shape_cast %reduce_max3A_160 : vector<512xf32> to vector<512x1xf32>
    %sub3A_162 = vector.broadcast %broadcast_in_dim3A_161 : vector<512x1xf32> to vector<512x512xf32>
    %sub3A_163 = arith.subf %dot_general3A_158, %sub3A_162 : vector<512x512xf32>
    %exp3A_164 = math.exp %sub3A_163 : vector<512x512xf32>
    %reduce_sum3A_165 = arith.constant dense<0.000000e+00> : vector<512xf32>
    %reduce_sum3A_166 = vector.multi_reduction <add>, %exp3A_164, %reduce_sum3A_165 [1] : vector<512x512xf32> to vector<512xf32>
    %broadcast_in_dim3A_167 = vector.shape_cast %reduce_sum3A_166 : vector<512xf32> to vector<512x1xf32>
    %div3A_168 = arith.constant 1.000000e+00 : f32
    %div3A_169 = vector.broadcast %div3A_168 : f32 to vector<512x1xf32>
    %div3A_170 = arith.divf %div3A_169, %broadcast_in_dim3A_167 : vector<512x1xf32>
    %mul3A_171 = vector.broadcast %div3A_170 : vector<512x1xf32> to vector<512x512xf32>
    %mul3A_172 = arith.mulf %exp3A_164, %mul3A_171 : vector<512x512xf32>
    %swap3A = arith.constant 0 : index
    %swap3A_173 = arith.constant 0 : index
    %swap3A_174 = arith.constant 0 : index
    %swap3A_175 = arith.constant 0 : index
    %swap3A_176 = vector.load %arg20[%swap3A, %swap3A_173, %swap3A_174, %swap3A_175] : memref<1x2x512x512xf32, #tpu.memory_space<vmem>>, vector<1x1x512x512xf32>
    %swap3A_177 = vector.shape_cast %swap3A_176 : vector<1x1x512x512xf32> to vector<512x512xf32>
    %swap3A_178 = vector.shape_cast %mul3A_172 : vector<512x512xf32> to vector<1x1x512x512xf32>
    tpu.vector_store %arg20[%swap3A, %swap3A_173, %swap3A_174, %swap3A_175], %swap3A_178 {strides = array<i32>} : memref<1x2x512x512xf32, #tpu.memory_space<vmem>>, vector<1x1x512x512xf32>,
    %dot_general3A_179 = arith.constant dense<0.000000e+00> : vector<512x64xf32>
    %dot_general3A_180 = tpu.matmul %mul3A_172, %slice3A_156, %dot_general3A_179 {dimension_numbers = #tpu.dot_dimension_numbers<[1], [0], [0], [1], [0, 0, 1, 1], [], []>, transpose_lhs_hint = false} : vector<512x512xf32>, vector<512x64xf32>, vector<512x64xf32> -> vector<512x64xf32>
    %slice3A_181 = vector.extract_strided_slice %dot_general3A_130 {offsets = [0, 64], sizes = [512, 64], strides = [1, 1]} : vector<512x128xf32> to vector<512x64xf32>
    %mul3A_182 = arith.constant 1.250000e-01 : f32
    %mul3A_183 = vector.broadcast %mul3A_182 : f32 to vector<512x64xf32>
    %mul3A_184 = arith.mulf %slice3A_181, %mul3A_183 : vector<512x64xf32>
    %slice3A_185 = vector.extract_strided_slice %dot_general3A_140 {offsets = [0, 64], sizes = [512, 64], strides = [1, 1]} : vector<512x128xf32> to vector<512x64xf32>
    %slice3A_186 = vector.extract_strided_slice %dot_general3A_150 {offsets = [0, 64], sizes = [512, 64], strides = [1, 1]} : vector<512x128xf32> to vector<512x64xf32>
    %dot_general3A_187 = arith.constant dense<0.000000e+00> : vector<512x512xf32>
    %dot_general3A_188 = tpu.matmul %mul3A_184, %slice3A_185, %dot_general3A_187 {dimension_numbers = #tpu.dot_dimension_numbers<[1], [1], [0], [0], [0, 0, 1, 0], [], []>, transpose_lhs_hint = false} : vector<512x64xf32>, vector<512x64xf32>, vector<512x512xf32> -> vector<512x512xf32>
    %reduce_max3A_189 = arith.constant dense<0xFF800000> : vector<512xf32>
    %reduce_max3A_190 = vector.multi_reduction <maximumf>, %dot_general3A_188, %reduce_max3A_189 [1] : vector<512x512xf32> to vector<512xf32>
    %broadcast_in_dim3A_191 = vector.shape_cast %reduce_max3A_190 : vector<512xf32> to vector<512x1xf32>
    %sub3A_192 = vector.broadcast %broadcast_in_dim3A_191 : vector<512x1xf32> to vector<512x512xf32>
    %sub3A_193 = arith.subf %dot_general3A_188, %sub3A_192 : vector<512x512xf32>
    %exp3A_194 = math.exp %sub3A_193 : vector<512x512xf32>
    %reduce_sum3A_195 = arith.constant dense<0.000000e+00> : vector<512xf32>
    %reduce_sum3A_196 = vector.multi_reduction <add>, %exp3A_194, %reduce_sum3A_195 [1] : vector<512x512xf32> to vector<512xf32>
    %broadcast_in_dim3A_197 = vector.shape_cast %reduce_sum3A_196 : vector<512xf32> to vector<512x1xf32>
    %div3A_198 = arith.constant 1.000000e+00 : f32
    %div3A_199 = vector.broadcast %div3A_198 : f32 to vector<512x1xf32>
    %div3A_200 = arith.divf %div3A_199, %broadcast_in_dim3A_197 : vector<512x1xf32>
    %mul3A_201 = vector.broadcast %div3A_200 : vector<512x1xf32> to vector<512x512xf32>
    %mul3A_202 = arith.mulf %exp3A_194, %mul3A_201 : vector<512x512xf32>
    %swap3A_203 = arith.constant 0 : index
    %swap3A_204 = arith.constant 1 : index
    %swap3A_205 = arith.constant 0 : index
    %swap3A_206 = arith.constant 0 : index
    %swap3A_207 = vector.load %arg20[%swap3A_203, %swap3A_204, %swap3A_205, %swap3A_206] : memref<1x2x512x512xf32, #tpu.memory_space<vmem>>, vector<1x1x512x512xf32>
    %swap3A_208 = vector.shape_cast %swap3A_207 : vector<1x1x512x512xf32> to vector<512x512xf32>
    %swap3A_209 = vector.shape_cast %mul3A_202 : vector<512x512xf32> to vector<1x1x512x512xf32>
    tpu.vector_store %arg20[%swap3A_203, %swap3A_204, %swap3A_205, %swap3A_206], %swap3A_209 {strides = array<i32>} : memref<1x2x512x512xf32, #tpu.memory_space<vmem>>, vector<1x1x512x512xf32>,
    %dot_general3A_210 = arith.constant dense<0.000000e+00> : vector<512x64xf32>
    %dot_general3A_211 = tpu.matmul %mul3A_202, %slice3A_186, %dot_general3A_210 {dimension_numbers = #tpu.dot_dimension_numbers<[1], [0], [0], [1], [0, 0, 1, 1], [], []>, transpose_lhs_hint = false} : vector<512x512xf32>, vector<512x64xf32>, vector<512x64xf32> -> vector<512x64xf32>
    %concatenate3A = tpu.concatenate %add3A_120, %dot_general3A_180, %dot_general3A_211 in 1 : vector<512x128xf32>, vector<512x64xf32>, vector<512x64xf32> -> vector<512x256xf32>
    %get3A_212 = arith.constant 0 : index
    %get3A_213 = arith.constant 0 : index
    %get3A_214 = vector.load %arg16[%get3A_212, %get3A_213] : memref<256x128xf32, #tpu.memory_space<vmem>>, vector<256x128xf32>
    %dot_general3A_215 = arith.constant dense<0.000000e+00> : vector<512x128xf32>
    %dot_general3A_216 = tpu.matmul %concatenate3A, %get3A_214, %dot_general3A_215 {dimension_numbers = #tpu.dot_dimension_numbers<[1], [0], [0], [1], [0, 0, 1, 1], [], []>, transpose_lhs_hint = false} : vector<512x256xf32>, vector<256x128xf32>, vector<512x128xf32> -> vector<512x128xf32>
    %get3A_217 = arith.constant 0 : index
    %get3A_218 = arith.constant 0 : index
    %get3A_219 = arith.constant 0 : index
    %get3A_220 = vector.load %arg10[%get3A_217, %get3A_218, %get3A_219] : memref<1x512x128xf32, #tpu.memory_space<vmem>>, vector<1x512x128xf32>
    %get3A_221 = vector.shape_cast %get3A_220 : vector<1x512x128xf32> to vector<512x128xf32>
    %add3A_222 = arith.addf %dot_general3A_216, %get3A_221 : vector<512x128xf32>
    %reduce_sum3A_223 = arith.constant dense<0.000000e+00> : vector<512xf32>
    %reduce_sum3A_224 = vector.multi_reduction <add>, %add3A_222, %reduce_sum3A_223 [1] : vector<512x128xf32> to vector<512xf32>
    %broadcast_in_dim3A_225 = vector.shape_cast %reduce_sum3A_224 : vector<512xf32> to vector<512x1xf32>
    %div3A_226 = arith.constant 1.280000e+02 : f32
    %div3A_227 = vector.broadcast %div3A_226 : f32 to vector<512x1xf32>
    %div3A_228 = arith.divf %broadcast_in_dim3A_225, %div3A_227 : vector<512x1xf32>
    %sub3A_229 = vector.broadcast %div3A_228 : vector<512x1xf32> to vector<512x128xf32>
    %sub3A_230 = arith.subf %add3A_222, %sub3A_229 : vector<512x128xf32>
    %integer_pow3A = arith.mulf %sub3A_230, %sub3A_230 : vector<512x128xf32>
    %reduce_sum3A_231 = arith.constant dense<0.000000e+00> : vector<512xf32>
    %reduce_sum3A_232 = vector.multi_reduction <add>, %integer_pow3A, %reduce_sum3A_231 [1] : vector<512x128xf32> to vector<512xf32>
    %broadcast_in_dim3A_233 = vector.shape_cast %reduce_sum3A_232 : vector<512xf32> to vector<512x1xf32>
    %div3A_234 = arith.constant 1.280000e+02 : f32
    %div3A_235 = vector.broadcast %div3A_234 : f32 to vector<512x1xf32>
    %div3A_236 = arith.divf %broadcast_in_dim3A_233, %div3A_235 : vector<512x1xf32>
    %sub3A_237 = vector.broadcast %div3A_228 : vector<512x1xf32> to vector<512x128xf32>
    %sub3A_238 = arith.subf %add3A_222, %sub3A_237 : vector<512x128xf32>
    %add3A_239 = arith.constant 9.99999997E-7 : f32
    %add3A_240 = vector.broadcast %add3A_239 : f32 to vector<512x1xf32>
    %add3A_241 = arith.addf %div3A_236, %add3A_240 : vector<512x1xf32>
    %sqrt3A = math.sqrt %add3A_241 : vector<512x1xf32>
    %div3A_242 = vector.broadcast %sqrt3A : vector<512x1xf32> to vector<512x128xf32>
    %div3A_243 = arith.divf %sub3A_238, %div3A_242 : vector<512x128xf32>
    %get3A_244 = arith.constant 0 : index
    %get3A_245 = arith.constant 0 : index
    %get3A_246 = vector.load %arg17[%get3A_244, %get3A_245] : memref<1x128xf32, #tpu.memory_space<vmem>>, vector<1x128xf32>
    %mul3A_247 = vector.broadcast %get3A_246 : vector<1x128xf32> to vector<512x128xf32>
    %mul3A_248 = arith.mulf %div3A_243, %mul3A_247 : vector<512x128xf32>
    %get3A_249 = arith.constant 0 : index
    %get3A_250 = arith.constant 0 : index
    %get3A_251 = vector.load %arg18[%get3A_249, %get3A_250] : memref<1x128xf32, #tpu.memory_space<vmem>>, vector<1x128xf32>
    %add3A_252 = vector.broadcast %get3A_251 : vector<1x128xf32> to vector<512x128xf32>
    %add3A_253 = arith.addf %mul3A_248, %add3A_252 : vector<512x128xf32>
    %swap3A_254 = arith.constant 0 : index
    %swap3A_255 = arith.constant 0 : index
    %swap3A_256 = arith.constant 0 : index
    %swap3A_257 = vector.load %arg19[%swap3A_254, %swap3A_255, %swap3A_256] : memref<1x512x128xf32, #tpu.memory_space<vmem>>, vector<1x512x128xf32>
    %swap3A_258 = vector.shape_cast %swap3A_257 : vector<1x512x128xf32> to vector<512x128xf32>
    %swap3A_259 = vector.shape_cast %add3A_253 : vector<512x128xf32> to vector<1x512x128xf32>
    tpu.vector_store %arg19[%swap3A_254, %swap3A_255, %swap3A_256], %swap3A_259 {strides = array<i32>} : memref<1x512x128xf32, #tpu.memory_space<vmem>>, vector<1x512x128xf32>,
    return
  }
  func.func @transform_0(%arg0: i32, %arg1: i32) -> (i32, i32, i32) {
    %c0_i32 = arith.constant 0 : i32
    %c0_i32_0 = arith.constant 0 : i32
    return %arg0, %arg1, %c0_i32 : i32, i32, i32
  }
  func.func @transform_1(%arg0: i32, %arg1: i32) -> (i32, i32, i32) {
    %c0_i32 = arith.constant 0 : i32
    %c0_i32_0 = arith.constant 0 : i32
    %c0_i32_1 = arith.constant 0 : i32
    return %arg0, %c0_i32, %c0_i32_0 : i32, i32, i32
  }
  func.func @transform_2(%arg0: i32, %arg1: i32) -> (i32, i32, i32) {
    %c0_i32 = arith.constant 0 : i32
    %c0_i32_0 = arith.constant 0 : i32
    %c0_i32_1 = arith.constant 0 : i32
    return %arg0, %c0_i32, %c0_i32_0 : i32, i32, i32
  }
  func.func @transform_3(%arg0: i32, %arg1: i32) -> (i32, i32, i32) {
    %c0_i32 = arith.constant 0 : i32
    %c0_i32_0 = arith.constant 0 : i32
    return %arg0, %c0_i32, %arg1 : i32, i32, i32
  }
  func.func @transform_4(%arg0: i32, %arg1: i32) -> (i32, i32, i32) {
    %c0_i32 = arith.constant 0 : i32
    %c0_i32_0 = arith.constant 0 : i32
    return %arg0, %arg1, %c0_i32 : i32, i32, i32
  }
  func.func @transform_5(%arg0: i32, %arg1: i32) -> (i32, i32) {
    %c0_i32 = arith.constant 0 : i32
    %c0_i32_0 = arith.constant 0 : i32
    %c0_i32_1 = arith.constant 0 : i32
    return %c0_i32, %c0_i32_0 : i32, i32
  }
  func.func @transform_6(%arg0: i32, %arg1: i32) -> (i32, i32) {
    %c0_i32 = arith.constant 0 : i32
    %c0_i32_0 = arith.constant 0 : i32
    %c0_i32_1 = arith.constant 0 : i32
    return %c0_i32, %c0_i32_0 : i32, i32
  }
  func.func @transform_7(%arg0: i32, %arg1: i32) -> (i32, i32) {
    %c0_i32 = arith.constant 0 : i32
    %c0_i32_0 = arith.constant 0 : i32
    %c0_i32_1 = arith.constant 0 : i32
    return %c0_i32, %c0_i32_0 : i32, i32
  }
  func.func @transform_8(%arg0: i32, %arg1: i32) -> (i32, i32, i32) {
    %c0_i32 = arith.constant 0 : i32
    %c0_i32_0 = arith.constant 0 : i32
    return %arg0, %arg1, %c0_i32 : i32, i32, i32
  }
  func.func @transform_9(%arg0: i32, %arg1: i32) -> (i32, i32, i32) {
    %c0_i32 = arith.constant 0 : i32
    %c0_i32_0 = arith.constant 0 : i32
    %c0_i32_1 = arith.constant 0 : i32
    return %arg0, %c0_i32, %c0_i32_0 : i32, i32, i32
  }
  func.func @transform_10(%arg0: i32, %arg1: i32) -> (i32, i32, i32) {
    %c0_i32 = arith.constant 0 : i32
    %c0_i32_0 = arith.constant 0 : i32
    %c0_i32_1 = arith.constant 0 : i32
    return %arg0, %c0_i32, %c0_i32_0 : i32, i32, i32
  }
  func.func @transform_11(%arg0: i32, %arg1: i32) -> (i32, i32) {
    %c0_i32 = arith.constant 0 : i32
    %c0_i32_0 = arith.constant 0 : i32
    %c0_i32_1 = arith.constant 0 : i32
    return %c0_i32, %c0_i32_0 : i32, i32
  }
  func.func @transform_12(%arg0: i32, %arg1: i32) -> (i32, i32) {
    %c0_i32 = arith.constant 0 : i32
    %c0_i32_0 = arith.constant 0 : i32
    %c0_i32_1 = arith.constant 0 : i32
    return %c0_i32, %c0_i32_0 : i32, i32
  }
  func.func @transform_13(%arg0: i32, %arg1: i32) -> (i32, i32) {
    %c0_i32 = arith.constant 0 : i32
    %c0_i32_0 = arith.constant 0 : i32
    %c0_i32_1 = arith.constant 0 : i32
    return %c0_i32, %c0_i32_0 : i32, i32
  }
  func.func @transform_14(%arg0: i32, %arg1: i32) -> (i32, i32) {
    %c0_i32 = arith.constant 0 : i32
    %c0_i32_0 = arith.constant 0 : i32
    %c0_i32_1 = arith.constant 0 : i32
    return %c0_i32, %c0_i32_0 : i32, i32
  }
  func.func @transform_15(%arg0: i32, %arg1: i32) -> (i32, i32) {
    %c0_i32 = arith.constant 0 : i32
    %c0_i32_0 = arith.constant 0 : i32
    %c0_i32_1 = arith.constant 0 : i32
    return %c0_i32, %c0_i32_0 : i32, i32
  }
  func.func @transform_16(%arg0: i32, %arg1: i32) -> (i32, i32) {
    %c0_i32 = arith.constant 0 : i32
    %c0_i32_0 = arith.constant 0 : i32
    %c0_i32_1 = arith.constant 0 : i32
    return %c0_i32, %c0_i32_0 : i32, i32
  }
  func.func @transform_17(%arg0: i32, %arg1: i32) -> (i32, i32, i32) {
    %c0_i32 = arith.constant 0 : i32
    %c0_i32_0 = arith.constant 0 : i32
    return %arg0, %arg1, %c0_i32 : i32, i32, i32
  }
  func.func @transform_18(%arg0: i32, %arg1: i32) -> (i32, i32, i32, i32) {
    %c0_i32 = arith.constant 0 : i32
    %c0_i32_0 = arith.constant 0 : i32
    %c0_i32_1 = arith.constant 0 : i32
    return %arg0, %c0_i32, %arg1, %c0_i32_0 : i32, i32, i32, i32
  }
}

</mosaic_0001>

<sc_bundles>
// kernel: kernel.7.cloned.1.call-start
scs
__scs_entry_jumppad:
0x0: {  	(pc) =	sbr.rel $0x88, $3  }
0x1: {  	(tag) =	ssettag $0x0;
	lr =	simm.s32 $0x1  }
0x2: {  	[smem:$0x3F85] =	sst lr;
	_ =	strace $0xD0000000  }
0x3: {  	_ = 	snop  }
0x4: {  	_ = 	snop  }
0x5: {  	_ = 	snop  }
0x6: {  	_ = 	snop  }
0x7: {  	_ = 	snop  }
__scs_overlays_trampoline_lowered:
0x8: {  	[smem:$0x3F94] =	sst s0  }
0x9: {  	[smem:$0x3F95] =	sst s1  }
0xa: {  	[smem:$0x3F96] =	sst s2  }
0xb: {  	[smem:$0x3F97] =	sst s3  }
0xc: {  	[smem:$0x3F98] =	sst s4  }
0xd: {  	[smem:$0x3F99] =	sst s5  }
0xe: {  	[smem:$0x3F9A] =	sst s6  }
0xf: {  	[smem:$0x3F9B] =	sst s7  }
0x10: {  	[smem:$0x3F9C] =	sst s8  }
0x11: {  	[smem:$0x3F9D] =	sst s9;
	s0 =	simm.s32 @!p0 $0x0  }
0x12: {  	s1 =	sld [smem:$0x3F83];
	s0 =	simm.s32 @p0 $0x1  }
0x13: {  	[smem:$0x3F9E] =	sst s0;
	s0 =	simm.s32 @!p1 $0x0  }
0x14: {  	s2 =	sld [smem:$0x3F82];
	s0 =	simm.s32 @p1 $0x1  }
0x15: {  	[smem:$0x3F9F] =	sst s0;
	s0 =	simm.s32 @!p2 $0x0  }
0x16: {  	s3 =	sld [smem:$0x3FDB];
	s0 =	simm.s32 @p2 $0x1  }
0x17: {  	s4 =	simm.s32 $0x1BF5;
	[smem:$0x3FA1] =	sst s0  }
0x18: {  	s0 =	sld [smem:$0x3F84];
	_ =	swait.ge [sflag:s4], $0x0  }
0x19: {  	s7 =	sld [smem:$0x3F85]  }
0x1a: {  	s8 =	sadd.s32 $0xFFFFE003, lr  }
0x1b: {  	s9 =	sadd.s32 $0xFFFFFEF7, lr;
	s5 =	simm.s32 $0xFFFFFFFF;
	p2 =	slt.u32 s8, $0xFFFFF086  }
0x1c: {  	p1 =	slt.u32 s9, $0xF7A;
	s5 =	simm.s32 @!p2 $0x0  }
0x1d: {  	s5 =	simm.s32 @p1 $0x1;
	p0 =	seq.s32 s7, s2  }
0x1e: {  	s7 =	smul.u32 @!p0 $0xF7A, s2;
	p2 =	seq.s32 @!p0 s5, $0x0  }
0x1f: {  	s9 =	smul.u32 $0xF7A, s1;
	s8 =	simm.s32 @!p0 $0x1BF5;
	p2 =	por !p2, p0  }
0x20: {  	[sflag:s8] =	ssyncset.s32 @!p0 $0xFFFFF086;
	s6 =	sadd.s32 @!p0 s3, s7;
	s7 =	simm.s32 @!p0 $0x108  }
0x21: {  	s3 =	sadd.s32 s3, s9;
	s6 =	sadd.s32 @!p0 $0x88, s6;
	s7 =	simm.s32 @p2 $0x1082  }
0x22: {  	[simem:s7], [sflag:s8] =	dma.local @!p0 [hbm:s6], $0xF7A  }
0x23: {  	s9 =	sor.u32 $0xD0000000, s2;
	s6 =	simm.s32 $0x108;
	_ =	swait.ge @!p0 [sflag:s8], $0x0  }
0x24: {  	s3 =	sadd.s32 $0x88, s3;
	s6 =	simm.s32 @!p1 $0x1082;
	[sflag:s4] =	ssyncset.s32 $0xFFFFF086  }
0x25: {  	[simem:s6], [sflag:s4] =	dma.local [hbm:s3], $0xF7A  }
0x26: {  	[smem:$0x3F85] =	sst s1;
	(tag) =	ssettag s2;
	_ =	strace s9  }
0x27: {  	s1 =	sld [smem:$0x3F95]  }
0x28: {  	s2 =	sld [smem:$0x3F96]  }
0x29: {  	s4 =	sld [smem:$0x3F98]  }
0x2a: {  	p0 =	seq.s32 s5, $0x0;
	s5 =	sld [smem:$0x3F99]  }
0x2b: {  	s6 =	sld [smem:$0x3F9A]  }
0x2c: {  	s7 =	sld [smem:$0x3F9B]  }
0x2d: {  	s3 =	simm.s32 $0x108;
	s8 =	sld [smem:$0x3F9C]  }
0x2e: {  	s3 =	simm.s32 @!p0 $0x1082;
	s9 =	sld [smem:$0x3F9D]  }
0x2f: {  	lr =	sadd.s32 s0, s3;
	s0 =	sld [smem:$0x3F94]  }
0x30: {  	s3 =	sld [smem:$0x3F97]  }
0x31: {  	[smem:$0x3FA0] =	sst s10  }
0x32: {  	s10 =	sld [smem:$0x3F9E];
	_ =	sdelay $0x3  }
0x33: {  	p0 =	seq.s32 s10, $0x1;
	s10 =	sld [smem:$0x3FA0];
	_ =	sdelay $0x3  }
0x34: {  	[smem:$0x3FA0] =	sst s10  }
0x35: {  	s10 =	sld [smem:$0x3F9F];
	_ =	sdelay $0x3  }
0x36: {  	p1 =	seq.s32 s10, $0x1;
	s10 =	sld [smem:$0x3FA0];
	_ =	sdelay $0x3  }
0x37: {  	[smem:$0x3FA0] =	sst s10  }
0x38: {  	s10 =	sld [smem:$0x3FA1]  }
0x39: {  	_ = 	snop;
	(pc) =	sbr.ind lr, $3  }
0x3a: {  	_ = 	snop  }
0x3b: {  	_ = 	snop  }
0x3c: {  	p2 =	seq.s32 s10, $0x1;
	s10 =	sld [smem:$0x3FA0]  }
0x3d: {  	_ =	shalt  }
0x3e: {  	_ =	shalt  }
0x3f: {  	_ =	shalt  }
0x40: {  	_ =	shalt  }
0x41: {  	_ =	shalt  }
0x42: {  	_ =	shalt  }
0x43: {  	_ =	shalt  }
0x44: {  	_ =	shalt  }
0x45: {  	_ =	shalt  }
0x46: {  	_ =	shalt  }
0x47: {  	_ =	shalt  }
0x48: {  	_ =	shalt  }
0x49: {  	_ =	shalt  }
0x4a: {  	_ =	shalt  }
0x4b: {  	_ =	shalt  }
0x4c: {  	_ =	shalt  }
0x4d: {  	_ =	shalt  }
0x4e: {  	_ =	shalt  }
0x4f: {  	_ =	shalt  }
0x50: {  	_ =	shalt  }
0x51: {  	_ =	shalt  }
0x52: {  	_ =	shalt  }
0x53: {  	_ =	shalt  }
0x54: {  	_ =	shalt  }
0x55: {  	_ =	shalt  }
0x56: {  	_ =	shalt  }
0x57: {  	_ =	shalt  }
0x58: {  	_ =	shalt  }
0x59: {  	_ =	shalt  }
0x5a: {  	_ =	shalt  }
0x5b: {  	_ =	shalt  }
0x5c: {  	_ =	shalt  }
0x5d: {  	_ =	shalt  }
0x5e: {  	_ =	shalt  }
0x5f: {  	_ =	shalt  }
0x60: {  	_ =	shalt  }
0x61: {  	_ =	shalt  }
0x62: {  	_ =	shalt  }
0x63: {  	_ =	shalt  }
0x64: {  	_ =	shalt  }
0x65: {  	_ =	shalt  }
0x66: {  	_ =	shalt  }
0x67: {  	_ =	shalt  }
0x68: {  	_ =	shalt  }
0x69: {  	_ =	shalt  }
0x6a: {  	_ =	shalt  }
0x6b: {  	_ =	shalt  }
0x6c: {  	_ =	shalt  }
0x6d: {  	_ =	shalt  }
0x6e: {  	_ =	shalt  }
0x6f: {  	_ =	shalt  }
0x70: {  	_ =	shalt  }
0x71: {  	_ =	shalt  }
0x72: {  	_ =	shalt  }
0x73: {  	_ =	shalt  }
0x74: {  	_ =	shalt  }
0x75: {  	_ =	shalt  }
0x76: {  	_ =	shalt  }
0x77: {  	_ =	shalt  }
0x78: {  	_ =	shalt  }
0x79: {  	_ =	shalt  }
0x7a: {  	_ =	shalt  }
0x7b: {  	_ =	shalt  }
0x7c: {  	_ =	shalt  }
0x7d: {  	_ =	shalt  }
0x7e: {  	_ =	shalt  }
0x7f: {  	_ =	shalt  }
0x80: {  	_ =	shalt  }
0x81: {  	_ =	shalt  }
0x82: {  	_ =	shalt  }
0x83: {  	_ =	shalt  }
0x84: {  	_ =	shalt  }
0x85: {  	_ =	shalt  }
0x86: {  	_ =	shalt  }
0x87: {  	_ =	shalt  }
.Lfunc_end0:
.L_simem_size_0:
called_computation_lowered:
.L_overlay_start_0:
0x88: {  	s2 =	sld [smem:$0x3FD9]  }
0x89: {  	s3 =	sld [smem:$0x3FFE];
	_ =	sdelay $0x1  }
0x8a: {  	s1 =	srdreg.scid  }
0x8b: {  	s0 =	sand.u32 $0x1, s1  }
0x8c: {  	s14 =	sshll.u32 s0, $0xA;
	s2 =	sadd.s32 s3, s2  }
0x8d: {  	s2 =	sadd.s32 s2, s14  }
0x8e: {  	[smem:$0x3FAC] =	sst s2  }
0x8f: {  	_ = 	snop  }
0x90: {  	s2 =	sld [smem:$0x3FD0];
	_ =	sdelay $0x2  }
0x91: {  	s15 =	simm.s32 $0xA;
	s4 =	simm.s32 $0x10  }
0x92: {  	[smem:s4], [sflag:s15] =	dma.local [hbm:s2], $0x1  }
0x93: {  	_ =	swait.eq [sflag:s15], $0x1  }
0x94: {  	[sflag:s15] =	ssyncset.done $0x0  }
0x95: {  	[sflag:s15] =	ssyncadd.s32 $0xFFFFFFFF  }
0x96: {  	s16 =	sld [smem:$0x10];
	(tm) =	ssettm $0x1  }
0x97: {  	s17 =	sld [smem:$0x3FFB];
	_ =	sdelay $0x3  }
0x98: {  	_ =	strace s17  }
0x99: {  	s3 =	sld [smem:$0x3FFC];
	_ =	sdelay $0x3  }
0x9a: {  	_ =	strace s3  }
0x9b: {  	s3 =	sld [smem:$0x3FFD];
	_ =	sdelay $0x3  }
0x9c: {  	_ =	strace s3  }
0x9d: {  	_ =	strace $0x8FFFFFFF  }
0x9e: {  	s18 =	sld [smem:$0x3FDB];
	_ =	sdelay $0x1  }
0x9f: {  	s19 =	simm.s32 $_scs_section_size  }
0xa0: {  	s5 =	simm.s32 $_size__tile_overlayer_lowered;
	s6 =	simm.s32 $_tile_overlayer_lowered  }
0xa1: {  	s22 =	simm.s32 $0x1BFF;
	s21 =	sshll.u32 s6, $0x1;
	s3 =	sadd.s32 s19, s18  }
0xa2: {  	s7 =	simm.s32 $0x0;
	s20 =	sshll.u32 s5, $0x1;
	s5 =	sadd.s32 s21, s3  }
0xa3: {  	[timem:s7], [sflag:s22] =	dma.local [hbm:s5], s20  }
0xa4: {  	_ =	swait.ge [sflag:s22], s20  }
0xa5: {  	s4 =	ssub.s32 $0x0, s20;
	[sflag:s22] =	ssyncset.done $0x0  }
0xa6: {  	[sflag:s22] =	ssyncadd.s32 s4;
	_ =	sdelay $0x1  }
0xa7: {  	s23 =	simm.s32 $0x1B8B  }
0xa8: {  	_ =	swait.ge [sflag:s23], $0x1  }
0xa9: {  	[sflag:s23] =	ssyncset.done $0x0  }
0xaa: {  	s25 =	simm.s32 $0x1B8E;
	s24 =	sld [smem:$0x3FFE];
	[sflag:s23] =	ssyncadd.s32 $0xFFFFFFFF  }
0xab: {  	s26 =	simm.s32 $execute0_lowered;
	[smem:$0x3FD2] =	sst s25  }
0xac: {  	s5 =	sshll.u32 s26, $0x1;
	_ =	strace $0x80000046;
	[dreg:$0x1] =	wrdreg $0xFFFFFFFF  }
0xad: {  	s28 =	simm.s32 $_size_execute0_lowered;
	s3 =	sadd.s32 s3, s5;
	[dreg:$0x0] =	wrdreg $0x0  }
0xae: {  	s5 =	sshll.u32 s28, $0x1;
	[dreg:$0x2] =	wrdreg s3  }
0xaf: {  	[dreg:$0x3] =	wrdreg s5  }
0xb0: {  	[dreg:$0x4] =	wrdreg $0xC0  }
0xb1: {  	_ =	task [dreg:s7], $0x5FFFF  }
0xb2: {  	[dreg:$0x1] =	wrdreg $0xFFFFFFFF  }
0xb3: {  	[dreg:$0x0] =	wrdreg $0x60  }
0xb4: {  	[dreg:$0x2] =	wrdreg s16  }
0xb5: {  	[dreg:$0x3] =	wrdreg s24  }
0xb6: {  	[dreg:$0x4] =	wrdreg $0x48800  }
0xb7: {  	[dreg:$0x5] =	wrdreg $0x9  }
0xb8: {  	_ =	task.clear_ibuf [dreg:s7], $0x6FFFF;
	_ =	strace $0x90000046  }
0xb9: {  	s29 =	simm.s32 $0x9;
	_ =	strace $0x80000048  }
0xba: {  	_ =	swait.ge [sflag:s29], $0x1  }
0xbb: {  	[sflag:s29] =	ssyncadd.s32 $0xFFFFFFFF  }
0xbc: {  	_ =	strace $0x90000048  }
0xbd: {  	_ =	sfence  }
0xbe: {  	s30 =	sld [smem:$0x0];
	_ =	sdelay $0x2  }
0xbf: {  	s31 =	sshll.u32 s1, $0xD;
	s1 =	sshrl.u32 s1, $0x2  }
0xc0: {  	s3 =	sand.u32 $0x4000, s31;
	s1 =	sadd.s32 s1, s30  }
0xc1: {  	s0 =	sor.u32 s3, s0;
	s1 =	sshll.u32 s1, $0x11  }
0xc2: {  	s0 =	sor.u32 s1, s0  }
0xc3: {  	s0 =	sadd.s32 $0x8F2B, s0  }
0xc4: {  	[sflag:s0] =	ssyncadd.remote.s32 $0x1  }
0xc5: {  	_ =	sfence.sel $0xFFFF  }
0xc6: {  	[dreg:$0x0] =	wrdreg $0xFFFFFFFF;
	(pc) =	sbr.abs _section_cstart, $3  }
0xc7: {  	[dreg:$0x1] =	wrdreg $0xFFFFFFFF  }
0xc8: {  	_ =	task.clear_ibuf [dreg:s7], $0x2FFFF;
	_ =	strace $0x9FFFFFFF  }
0xc9: {  	(tm) =	ssettm $0x7FFFFFFF  }
tec
execute0_lowered:
.L_overlay_start_1:
0x0: {  	(tag) =	ssettag $0x1  }
0x1: {  	s0 =	rddreg [dreg:$0x0]  }
0x2: {  	s1 =	rddreg [dreg:$0x1]  }
0x3: {  	s2 =	rddreg [dreg:$0x2];
	s4 =	srdreg.scid  }
0x4: {  	s9 =	stileid.u32;
	s3 =	simm.s32 $0x0;
	s10 =	simm.s32 $0x800  }
0x5: {  	s11 =	simm.s32 $0x1;
	s29 =	simm.s32 $0x10;
	s28 =	simm.s32 $0x700  }
0x6: {  	s4 =	sand.u32 $0x1, s4;
	s5 =	sshll.u32 s9, $0xE;
	s8 =	sshll.u32 s9, $0x7  }
0x7: {  	[smem:$0x7FF] =	sst s3;
	s12 =	sadd.s32 $0x4400, s1;
	s13 =	sadd.s32 $0x4600, s1  }
0x8: {  	s9 =	sshll.u32 s9, $0x8;
	s6 =	sshll.u32 s4, $0x15;
	s7 =	sand.u32 $0x20000, s5  }
0x9: {  	s8 =	sand.u32 $0x380, s8;
	_ =	strace $0x80000047;
	[dreg:$0x4] =	wrdreg s12  }
0xa: {  	[dreg:$0x5] =	wrdreg s13;
	s14 =	ssub.s32 $0x2, s4;
	s4 =	sshll.u32 s4, $0xD  }
0xb: {  	s5 =	sadd.s32 s5, s2;
	s12 =	simm.s32 $0x880;
	s13 =	simm.s32 $0x80  }
0xc: {  	s6 =	sor.u32 s6, s7;
	s23 =	sadd.s32 $0x40000, s5;
	[dreg:$0x12] =	wrdreg s5  }
0xd: {  	s4 =	sor.u32 s9, s4;
	s25 =	sadd.s32 $0x80000, s5;
	[dreg:$0x10] =	wrdreg s23  }
0xe: {  	s30 =	sadd.s32 $0xC0000, s5;
	s6 =	sor.u32 s8, s6;
	[dreg:$0x11] =	wrdreg s25  }
0xf: {  	s9 =	sadd.s32 s0, s4;
	[dreg:$0x13] =	wrdreg s30;
	s6 =	sshrl.u32 s6, $0x3  }
0x10: {  	[dreg:$0xf] =	wrdreg s9;
	s21 =	sadd.s32 $0x1000, s9;
	s1 =	sadd.s32 s6, s1  }
0x11: {  	s15 =	sshrl.u32 s14, $0x1;
	[dreg:$0xa] =	wrdreg s21;
	s16 =	sadd.s32 $0x4E00, s1  }
0x12: {  	s20 =	ssub.s32 s14, s15;
	s17 =	sadd.s32 $0xCE00, s1;
	[dreg:$0x6] =	wrdreg s16  }
0x13: {  	s15 =	simm.s32 $0x100;
	s18 =	sadd.s32 $0x14E00, s1;
	[dreg:$0x7] =	wrdreg s17  }
0x14: {  	s23 =	simm.s32 $0x500;
	s19 =	sadd.s32 $0x1CE00, s1;
	[dreg:$0x8] =	wrdreg s18  }
0x15: {  	s25 =	simm.s32 $0x600;
	s22 =	sadd.s32 $0x24E00, s1;
	[dreg:$0x9] =	wrdreg s19  }
0x16: {  	s9 =	smax.u32 s20, $0x1;
	s24 =	sadd.s32 $0x2CE00, s1;
	[dreg:$0xb] =	wrdreg s22  }
0x17: {  	s20 =	simm.s32 $0x380;
	s26 =	sadd.s32 $0x34E00, s1;
	[dreg:$0xc] =	wrdreg s24  }
0x18: {  	s6 =	simm.s32 $0x0;
	s31 =	sadd.s32 $0x3CE00, s1;
	[dreg:$0xd] =	wrdreg s26  }
0x19: {  	s21 =	simm.s32 $0x400;
	[dreg:$0xe] =	wrdreg s31;
	s16 =	simm.s32 $0x180  }
0x1a: {  	s17 =	simm.s32 $0x200;
	s18 =	simm.s32 $0x280;
	s19 =	simm.s32 $0x300  }
0x1b: {  	s22 =	simm.s32 $0x480;
	s24 =	simm.s32 $0x580;
	s26 =	simm.s32 $0x680  }
.LBB2_1:
0x1c: {  	s0 =	rddreg [dreg:$0x4]  }
0x1d: {  	[tilespmem:s10], [sflag:$0x1] =	stream.linear.gather [hbm4b:s0+s6], $0x80, $0x38;
	[tilespmem:$0x14880] =	vst v63  }
0x1e: {  	_ =	swait.ge [sflag:s11], $0x80  }
0x1f: {  	[sflag:s11] =	ssyncset.done $0x0  }
0x20: {  	s30 =	rddreg [dreg:$0x5];
	[sflag:s11] =	ssyncadd.s32 $0xFFFFFF80  }
0x21: {  	[tilespmem:s12], [sflag:$0x1] =	stream.linear.gather [hbm4b:s30+s6], $0x4000, $0x38;
	[tilespmem:$0x14880] =	vst v63  }
0x22: {  	_ =	swait.ge [sflag:s11], $0x4000  }
0x23: {  	[sflag:s11] =	ssyncset.done $0x0  }
0x24: {  	s8 =	rddreg [dreg:$0x12];
	[sflag:s11] =	ssyncadd.s32 $0xFFFFC000  }
0x25: {  	[spmem:s8] =	stream.linear.scatter [tilespmem:s12], [sflag:$0x1], $0x4000, $0x38;
	[tilespmem:$0x14880] =	vst v63  }
0x26: {  	_ =	swait.ge [sflag:s11], $0x4000  }
0x27: {  	[sflag:s11] =	ssyncset.done $0x0  }
0x28: {  	s7 =	rddreg [dreg:$0x10];
	[sflag:s11] =	ssyncadd.s32 $0xFFFFC000  }
0x29: {  	[spmem:s7] =	stream.linear.scatter [tilespmem:s12], [sflag:$0x1], $0x4000, $0x38;
	[tilespmem:$0x14880] =	vst v63  }
0x2a: {  	_ =	swait.ge [sflag:s11], $0x4000  }
0x2b: {  	[sflag:s11] =	ssyncset.done $0x0  }
0x2c: {  	s5 =	rddreg [dreg:$0x11];
	[sflag:s11] =	ssyncadd.s32 $0xFFFFC000  }
0x2d: {  	[spmem:s5] =	stream.linear.scatter [tilespmem:s12], [sflag:$0x1], $0x4000, $0x38;
	[tilespmem:$0x14880] =	vst v63  }
0x2e: {  	_ =	swait.ge [sflag:s11], $0x4000  }
0x2f: {  	[sflag:s11] =	ssyncset.done $0x0  }
0x30: {  	s3 =	rddreg [dreg:$0x13];
	[sflag:s11] =	ssyncadd.s32 $0xFFFFC000  }
0x31: {  	[spmem:s3] =	stream.linear.scatter [tilespmem:s12], [sflag:$0x1], $0x4000, $0x38;
	[tilespmem:$0x14880] =	vst v63  }
0x32: {  	_ =	swait.ge [sflag:s11], $0x4000  }
0x33: {  	[sflag:s11] =	ssyncset.done $0x0  }
0x34: {  	[sflag:s11] =	ssyncadd.s32 $0xFFFFC000  }
0x35: {  	[bflag:$0x0] =	sbarrier.arrive $0xFFFF  }
0x36: {  	s31 =	rddreg [dreg:$0xf]  }
0x37: {  	[tilespmem:s6], [sflag:$0x1] =	stream.linear.gather [hbm4b:s31+s6], $0x800, $0x38;
	[tilespmem:$0x14880] =	vst v63  }
0x38: {  	_ =	swait.ge [sflag:s11], $0x800  }
0x39: {  	[sflag:s11] =	ssyncset.done $0x0  }
0x3a: {  	[sflag:s11] =	ssyncadd.s32 $0xFFFFF800  }
0x3b: {  	[spmem:s2] =	stream.indirect.scatter.add.f32 [tilespmem:s10], [sflag:$0x1], $0x1, s6, s13, $0xb8;
	[tilespmem:$0x14880] =	vst v63  }
0x3c: {  	_ =	swait.ge [sflag:s11], $0x80  }
0x3d: {  	[sflag:s11] =	ssyncset.done $0x0  }
0x3e: {  	[sflag:s11] =	ssyncadd.s32 $0xFFFFFF80  }
0x3f: {  	[spmem:s2] =	stream.indirect.scatter.add.f32 [tilespmem:s10], [sflag:$0x1], $0x1, s13, s13, $0xb8;
	[tilespmem:$0x14880] =	vst v63  }
0x40: {  	_ =	swait.ge [sflag:s11], $0x80  }
0x41: {  	[sflag:s11] =	ssyncset.done $0x0  }
0x42: {  	[sflag:s11] =	ssyncadd.s32 $0xFFFFFF80  }
0x43: {  	[spmem:s2] =	stream.indirect.scatter.add.f32 [tilespmem:s10], [sflag:$0x1], $0x1, s15, s13, $0xb8;
	[tilespmem:$0x14880] =	vst v63  }
0x44: {  	_ =	swait.ge [sflag:s11], $0x80  }
0x45: {  	[sflag:s11] =	ssyncset.done $0x0  }
0x46: {  	[sflag:s11] =	ssyncadd.s32 $0xFFFFFF80  }
0x47: {  	[spmem:s2] =	stream.indirect.scatter.add.f32 [tilespmem:s10], [sflag:$0x1], $0x1, s16, s13, $0xb8;
	[tilespmem:$0x14880] =	vst v63  }
0x48: {  	_ =	swait.ge [sflag:s11], $0x80  }
0x49: {  	[sflag:s11] =	ssyncset.done $0x0  }
0x4a: {  	[sflag:s11] =	ssyncadd.s32 $0xFFFFFF80  }
0x4b: {  	[spmem:s2] =	stream.indirect.scatter.add.f32 [tilespmem:s10], [sflag:$0x1], $0x1, s17, s13, $0xb8;
	[tilespmem:$0x14880] =	vst v63  }
0x4c: {  	_ =	swait.ge [sflag:s11], $0x80  }
0x4d: {  	[sflag:s11] =	ssyncset.done $0x0  }
0x4e: {  	[sflag:s11] =	ssyncadd.s32 $0xFFFFFF80  }
0x4f: {  	[spmem:s2] =	stream.indirect.scatter.add.f32 [tilespmem:s10], [sflag:$0x1], $0x1, s18, s13, $0xb8;
	[tilespmem:$0x14880] =	vst v63  }
0x50: {  	_ =	swait.ge [sflag:s11], $0x80  }
0x51: {  	[sflag:s11] =	ssyncset.done $0x0  }
0x52: {  	[sflag:s11] =	ssyncadd.s32 $0xFFFFFF80  }
0x53: {  	[spmem:s2] =	stream.indirect.scatter.add.f32 [tilespmem:s10], [sflag:$0x1], $0x1, s19, s13, $0xb8;
	[tilespmem:$0x14880] =	vst v63  }
0x54: {  	_ =	swait.ge [sflag:s11], $0x80  }
0x55: {  	[sflag:s11] =	ssyncset.done $0x0  }
0x56: {  	[sflag:s11] =	ssyncadd.s32 $0xFFFFFF80  }
0x57: {  	[spmem:s2] =	stream.indirect.scatter.add.f32 [tilespmem:s10], [sflag:$0x1], $0x1, s20, s13, $0xb8;
	[tilespmem:$0x14880] =	vst v63  }
0x58: {  	_ =	swait.ge [sflag:s11], $0x80  }
0x59: {  	[sflag:s11] =	ssyncset.done $0x0  }
0x5a: {  	[sflag:s11] =	ssyncadd.s32 $0xFFFFFF80  }
0x5b: {  	[spmem:s2] =	stream.indirect.scatter.add.f32 [tilespmem:s10], [sflag:$0x1], $0x1, s21, s13, $0xb8;
	[tilespmem:$0x14880] =	vst v63  }
0x5c: {  	_ =	swait.ge [sflag:s11], $0x80  }
0x5d: {  	[sflag:s11] =	ssyncset.done $0x0  }
0x5e: {  	[sflag:s11] =	ssyncadd.s32 $0xFFFFFF80  }
0x5f: {  	[spmem:s2] =	stream.indirect.scatter.add.f32 [tilespmem:s10], [sflag:$0x1], $0x1, s22, s13, $0xb8;
	[tilespmem:$0x14880] =	vst v63  }
0x60: {  	_ =	swait.ge [sflag:s11], $0x80  }
0x61: {  	[sflag:s11] =	ssyncset.done $0x0  }
0x62: {  	[sflag:s11] =	ssyncadd.s32 $0xFFFFFF80  }
0x63: {  	[spmem:s2] =	stream.indirect.scatter.add.f32 [tilespmem:s10], [sflag:$0x1], $0x1, s23, s13, $0xb8;
	[tilespmem:$0x14880] =	vst v63  }
0x64: {  	_ =	swait.ge [sflag:s11], $0x80  }
0x65: {  	[sflag:s11] =	ssyncset.done $0x0  }
0x66: {  	[sflag:s11] =	ssyncadd.s32 $0xFFFFFF80  }
0x67: {  	[spmem:s2] =	stream.indirect.scatter.add.f32 [tilespmem:s10], [sflag:$0x1], $0x1, s24, s13, $0xb8;
	[tilespmem:$0x14880] =	vst v63  }
0x68: {  	_ =	swait.ge [sflag:s11], $0x80  }
0x69: {  	[sflag:s11] =	ssyncset.done $0x0  }
0x6a: {  	[sflag:s11] =	ssyncadd.s32 $0xFFFFFF80  }
0x6b: {  	[spmem:s2] =	stream.indirect.scatter.add.f32 [tilespmem:s10], [sflag:$0x1], $0x1, s25, s13, $0xb8;
	[tilespmem:$0x14880] =	vst v63  }
0x6c: {  	_ =	swait.ge [sflag:s11], $0x80  }
0x6d: {  	[sflag:s11] =	ssyncset.done $0x0  }
0x6e: {  	[sflag:s11] =	ssyncadd.s32 $0xFFFFFF80  }
0x6f: {  	[spmem:s2] =	stream.indirect.scatter.add.f32 [tilespmem:s10], [sflag:$0x1], $0x1, s26, s13, $0xb8;
	[tilespmem:$0x14880] =	vst v63  }
0x70: {  	_ =	swait.ge [sflag:s11], $0x80  }
0x71: {  	[sflag:s11] =	ssyncset.done $0x0  }
0x72: {  	[sflag:s11] =	ssyncadd.s32 $0xFFFFFF80  }
0x73: {  	[spmem:s2] =	stream.indirect.scatter.add.f32 [tilespmem:s10], [sflag:$0x1], $0x1, s28, s13, $0xb8;
	[tilespmem:$0x14880] =	vst v63  }
0x74: {  	_ =	swait.ge [sflag:s11], $0x80  }
0x75: {  	[sflag:s11] =	ssyncset.done $0x0  }
0x76: {  	s1 =	simm.s32 $0x780;
	[sflag:s11] =	ssyncadd.s32 $0xFFFFFF80  }
0x77: {  	[spmem:s2] =	stream.indirect.scatter.add.f32 [tilespmem:s10], [sflag:$0x1], $0x1, s1, s13, $0xb8;
	[tilespmem:$0x14880] =	vst v63  }
0x78: {  	_ =	swait.ge [sflag:s11], $0x80  }
0x79: {  	[sflag:s11] =	ssyncset.done $0x0  }
0x7a: {  	s1 =	stileid.u32;
	[sflag:s11] =	ssyncadd.s32 $0xFFFFFF80  }
0x7b: {  	s1 =	sshll.u32 s1, $0x6;
	[bflag:$0x0] =	sbarrier.arrive $0xFFFF  }
0x7c: {  	s31 =	sshrl.u32 s8, $0x3;
	s30 =	sor.u32 $0x1C01, s1;
	s4 =	rddreg [dreg:$0x6]  }
0x7d: {  	[hbm:s4@s13], [sflag:s30] =	dma.strided [spmem:s31@s29], $0x800, s11, $0x10   }
0x7e: {  	_ =	swait.ge [sflag:s11], $0x800  }
0x7f: {  	[sflag:s11] =	ssyncset.done $0x0  }
0x80: {  	s0 =	sshrl.u32 s7, $0x3;
	s14 =	rddreg [dreg:$0x7];
	[sflag:s11] =	ssyncadd.s32 $0xFFFFF800  }
0x81: {  	[hbm:s14@s13], [sflag:s30] =	dma.strided [spmem:s0@s29], $0x800, s11, $0x10   }
0x82: {  	_ =	swait.ge [sflag:s11], $0x800  }
0x83: {  	[sflag:s11] =	ssyncset.done $0x0  }
0x84: {  	s1 =	sshrl.u32 s5, $0x3;
	s4 =	rddreg [dreg:$0x8];
	[sflag:s11] =	ssyncadd.s32 $0xFFFFF800  }
0x85: {  	[hbm:s4@s13], [sflag:s30] =	dma.strided [spmem:s1@s29], $0x800, s11, $0x10   }
0x86: {  	_ =	swait.ge [sflag:s11], $0x800  }
0x87: {  	[sflag:s11] =	ssyncset.done $0x0  }
0x88: {  	s4 =	sshrl.u32 s3, $0x3;
	s14 =	rddreg [dreg:$0x9];
	[sflag:s11] =	ssyncadd.s32 $0xFFFFF800  }
0x89: {  	[hbm:s14@s13], [sflag:s30] =	dma.strided [spmem:s4@s29], $0x800, s11, $0x10   }
0x8a: {  	_ =	swait.ge [sflag:s11], $0x800  }
0x8b: {  	[sflag:s11] =	ssyncset.done $0x0  }
0x8c: {  	[sflag:s11] =	ssyncadd.s32 $0xFFFFF800  }
0x8d: {  	[bflag:$0x0] =	sbarrier.arrive $0xFFFF  }
0x8e: {  	[spmem:s8] =	stream.linear.scatter [tilespmem:s12], [sflag:$0x1], $0x4000, $0x38;
	[tilespmem:$0x14880] =	vst v63  }
0x8f: {  	_ =	swait.ge [sflag:s11], $0x4000  }
0x90: {  	[sflag:s11] =	ssyncset.done $0x0  }
0x91: {  	[sflag:s11] =	ssyncadd.s32 $0xFFFFC000  }
0x92: {  	[spmem:s7] =	stream.linear.scatter [tilespmem:s12], [sflag:$0x1], $0x4000, $0x38;
	[tilespmem:$0x14880] =	vst v63  }
0x93: {  	_ =	swait.ge [sflag:s11], $0x4000  }
0x94: {  	[sflag:s11] =	ssyncset.done $0x0  }
0x95: {  	[sflag:s11] =	ssyncadd.s32 $0xFFFFC000  }
0x96: {  	[spmem:s5] =	stream.linear.scatter [tilespmem:s12], [sflag:$0x1], $0x4000, $0x38;
	[tilespmem:$0x14880] =	vst v63  }
0x97: {  	_ =	swait.ge [sflag:s11], $0x4000  }
0x98: {  	[sflag:s11] =	ssyncset.done $0x0  }
0x99: {  	[sflag:s11] =	ssyncadd.s32 $0xFFFFC000  }
0x9a: {  	[spmem:s3] =	stream.linear.scatter [tilespmem:s12], [sflag:$0x1], $0x4000, $0x38;
	[tilespmem:$0x14880] =	vst v63  }
0x9b: {  	_ =	swait.ge [sflag:s11], $0x4000  }
0x9c: {  	[sflag:s11] =	ssyncset.done $0x0  }
0x9d: {  	[sflag:s11] =	ssyncadd.s32 $0xFFFFC000  }
0x9e: {  	[bflag:$0x0] =	sbarrier.arrive $0xFFFF  }
0x9f: {  	s3 =	rddreg [dreg:$0xa]  }
0xa0: {  	[tilespmem:s6], [sflag:$0x1] =	stream.linear.gather [hbm4b:s3+s6], $0x800, $0x38;
	[tilespmem:$0x14880] =	vst v63  }
0xa1: {  	_ =	swait.ge [sflag:s11], $0x800  }
0xa2: {  	[sflag:s11] =	ssyncset.done $0x0  }
0xa3: {  	[sflag:s11] =	ssyncadd.s32 $0xFFFFF800  }
0xa4: {  	[spmem:s2] =	stream.indirect.scatter.add.f32 [tilespmem:s10], [sflag:$0x1], $0x1, s6, s13, $0xb8;
	[tilespmem:$0x14880] =	vst v63  }
0xa5: {  	_ =	swait.ge [sflag:s11], $0x80  }
0xa6: {  	[sflag:s11] =	ssyncset.done $0x0  }
0xa7: {  	[sflag:s11] =	ssyncadd.s32 $0xFFFFFF80  }
0xa8: {  	[spmem:s2] =	stream.indirect.scatter.add.f32 [tilespmem:s10], [sflag:$0x1], $0x1, s13, s13, $0xb8;
	[tilespmem:$0x14880] =	vst v63  }
0xa9: {  	_ =	swait.ge [sflag:s11], $0x80  }
0xaa: {  	[sflag:s11] =	ssyncset.done $0x0  }
0xab: {  	[sflag:s11] =	ssyncadd.s32 $0xFFFFFF80  }
0xac: {  	[spmem:s2] =	stream.indirect.scatter.add.f32 [tilespmem:s10], [sflag:$0x1], $0x1, s15, s13, $0xb8;
	[tilespmem:$0x14880] =	vst v63  }
0xad: {  	_ =	swait.ge [sflag:s11], $0x80  }
0xae: {  	[sflag:s11] =	ssyncset.done $0x0  }
0xaf: {  	[sflag:s11] =	ssyncadd.s32 $0xFFFFFF80  }
0xb0: {  	[spmem:s2] =	stream.indirect.scatter.add.f32 [tilespmem:s10], [sflag:$0x1], $0x1, s16, s13, $0xb8;
	[tilespmem:$0x14880] =	vst v63  }
0xb1: {  	_ =	swait.ge [sflag:s11], $0x80  }
0xb2: {  	[sflag:s11] =	ssyncset.done $0x0  }
0xb3: {  	[sflag:s11] =	ssyncadd.s32 $0xFFFFFF80  }
0xb4: {  	[spmem:s2] =	stream.indirect.scatter.add.f32 [tilespmem:s10], [sflag:$0x1], $0x1, s17, s13, $0xb8;
	[tilespmem:$0x14880] =	vst v63  }
0xb5: {  	_ =	swait.ge [sflag:s11], $0x80  }
0xb6: {  	[sflag:s11] =	ssyncset.done $0x0  }
0xb7: {  	[sflag:s11] =	ssyncadd.s32 $0xFFFFFF80  }
0xb8: {  	[spmem:s2] =	stream.indirect.scatter.add.f32 [tilespmem:s10], [sflag:$0x1], $0x1, s18, s13, $0xb8;
	[tilespmem:$0x14880] =	vst v63  }
0xb9: {  	_ =	swait.ge [sflag:s11], $0x80  }
0xba: {  	[sflag:s11] =	ssyncset.done $0x0  }
0xbb: {  	[sflag:s11] =	ssyncadd.s32 $0xFFFFFF80  }
0xbc: {  	[spmem:s2] =	stream.indirect.scatter.add.f32 [tilespmem:s10], [sflag:$0x1], $0x1, s19, s13, $0xb8;
	[tilespmem:$0x14880] =	vst v63  }
0xbd: {  	_ =	swait.ge [sflag:s11], $0x80  }
0xbe: {  	[sflag:s11] =	ssyncset.done $0x0  }
0xbf: {  	[sflag:s11] =	ssyncadd.s32 $0xFFFFFF80  }
0xc0: {  	[spmem:s2] =	stream.indirect.scatter.add.f32 [tilespmem:s10], [sflag:$0x1], $0x1, s20, s13, $0xb8;
	[tilespmem:$0x14880] =	vst v63  }
0xc1: {  	_ =	swait.ge [sflag:s11], $0x80  }
0xc2: {  	[sflag:s11] =	ssyncset.done $0x0  }
0xc3: {  	[sflag:s11] =	ssyncadd.s32 $0xFFFFFF80  }
0xc4: {  	[spmem:s2] =	stream.indirect.scatter.add.f32 [tilespmem:s10], [sflag:$0x1], $0x1, s21, s13, $0xb8;
	[tilespmem:$0x14880] =	vst v63  }
0xc5: {  	_ =	swait.ge [sflag:s11], $0x80  }
0xc6: {  	[sflag:s11] =	ssyncset.done $0x0  }
0xc7: {  	[sflag:s11] =	ssyncadd.s32 $0xFFFFFF80  }
0xc8: {  	[spmem:s2] =	stream.indirect.scatter.add.f32 [tilespmem:s10], [sflag:$0x1], $0x1, s22, s13, $0xb8;
	[tilespmem:$0x14880] =	vst v63  }
0xc9: {  	_ =	swait.ge [sflag:s11], $0x80  }
0xca: {  	[sflag:s11] =	ssyncset.done $0x0  }
0xcb: {  	[sflag:s11] =	ssyncadd.s32 $0xFFFFFF80  }
0xcc: {  	[spmem:s2] =	stream.indirect.scatter.add.f32 [tilespmem:s10], [sflag:$0x1], $0x1, s23, s13, $0xb8;
	[tilespmem:$0x14880] =	vst v63  }
0xcd: {  	_ =	swait.ge [sflag:s11], $0x80  }
0xce: {  	[sflag:s11] =	ssyncset.done $0x0  }
0xcf: {  	[sflag:s11] =	ssyncadd.s32 $0xFFFFFF80  }
0xd0: {  	[spmem:s2] =	stream.indirect.scatter.add.f32 [tilespmem:s10], [sflag:$0x1], $0x1, s24, s13, $0xb8;
	[tilespmem:$0x14880] =	vst v63  }
0xd1: {  	_ =	swait.ge [sflag:s11], $0x80  }
0xd2: {  	[sflag:s11] =	ssyncset.done $0x0  }
0xd3: {  	[sflag:s11] =	ssyncadd.s32 $0xFFFFFF80  }
0xd4: {  	[spmem:s2] =	stream.indirect.scatter.add.f32 [tilespmem:s10], [sflag:$0x1], $0x1, s25, s13, $0xb8;
	[tilespmem:$0x14880] =	vst v63  }
0xd5: {  	_ =	swait.ge [sflag:s11], $0x80  }
0xd6: {  	[sflag:s11] =	ssyncset.done $0x0  }
0xd7: {  	[sflag:s11] =	ssyncadd.s32 $0xFFFFFF80  }
0xd8: {  	[spmem:s2] =	stream.indirect.scatter.add.f32 [tilespmem:s10], [sflag:$0x1], $0x1, s26, s13, $0xb8;
	[tilespmem:$0x14880] =	vst v63  }
0xd9: {  	_ =	swait.ge [sflag:s11], $0x80  }
0xda: {  	[sflag:s11] =	ssyncset.done $0x0  }
0xdb: {  	[sflag:s11] =	ssyncadd.s32 $0xFFFFFF80  }
0xdc: {  	[spmem:s2] =	stream.indirect.scatter.add.f32 [tilespmem:s10], [sflag:$0x1], $0x1, s28, s13, $0xb8;
	[tilespmem:$0x14880] =	vst v63  }
0xdd: {  	_ =	swait.ge [sflag:s11], $0x80  }
0xde: {  	[sflag:s11] =	ssyncset.done $0x0  }
0xdf: {  	s5 =	simm.s32 $0x780;
	[sflag:s11] =	ssyncadd.s32 $0xFFFFFF80  }
0xe0: {  	[spmem:s2] =	stream.indirect.scatter.add.f32 [tilespmem:s10], [sflag:$0x1], $0x1, s5, s13, $0xb8;
	[tilespmem:$0x14880] =	vst v63  }
0xe1: {  	_ =	swait.ge [sflag:s11], $0x80  }
0xe2: {  	[sflag:s11] =	ssyncset.done $0x0  }
0xe3: {  	[sflag:s11] =	ssyncadd.s32 $0xFFFFFF80  }
0xe4: {  	[bflag:$0x0] =	sbarrier.arrive $0xFFFF  }
0xe5: {  	s7 =	rddreg [dreg:$0xb]  }
0xe6: {  	[hbm:s7@s13], [sflag:s30] =	dma.strided [spmem:s31@s29], $0x800, s11, $0x10   }
0xe7: {  	_ =	swait.ge [sflag:s11], $0x800  }
0xe8: {  	[sflag:s11] =	ssyncset.done $0x0  }
0xe9: {  	s8 =	rddreg [dreg:$0xc];
	[sflag:s11] =	ssyncadd.s32 $0xFFFFF800  }
0xea: {  	[hbm:s8@s13], [sflag:s30] =	dma.strided [spmem:s0@s29], $0x800, s11, $0x10   }
0xeb: {  	_ =	swait.ge [sflag:s11], $0x800  }
0xec: {  	[sflag:s11] =	ssyncset.done $0x0  }
0xed: {  	s14 =	rddreg [dreg:$0xd];
	[sflag:s11] =	ssyncadd.s32 $0xFFFFF800  }
0xee: {  	[hbm:s14@s13], [sflag:s30] =	dma.strided [spmem:s1@s29], $0x800, s11, $0x10   }
0xef: {  	_ =	swait.ge [sflag:s11], $0x800  }
0xf0: {  	[sflag:s11] =	ssyncset.done $0x0  }
0xf1: {  	p0 =	sne.s32 s9, $0x1;
	s31 =	rddreg [dreg:$0xe];
	[sflag:s11] =	ssyncadd.s32 $0xFFFFF800  }
0xf2: {  	[hbm:s31@s13], [sflag:s30] =	dma.strided [spmem:s4@s29], $0x800, s11, $0x10   }
.Ltmp0:
0xf3: {  	_ =	swait.ge [sflag:s11], $0x800;
	(pc) =	sbr.rel @p0 .LBB2_1-.Ltmp0, $4  }
0xf4: {  	[sflag:s11] =	ssyncset.done $0x0  }
0xf5: {  	[sflag:s11] =	ssyncadd.s32 $0xFFFFF800  }
0xf6: {  	[bflag:$0x0] =	sbarrier.arrive $0xFFFF  }
0xf7: {  	s9 =	sadd.s32 $0xFFFFFFFF, s9  }
0xf8: {  	_ =	sfence.sel $0x180000  }
0xf9: {  	[bflag:$0x0] =	sbarrier.arrive $0xFFFF  }
0xfa: {  	_ =	strace $0x90000047  }
0xfb: {  	s0 =	stileid.u32;
	[bflag:$0x2] =	sbarrier.arrive $0xFFFF  }
0xfc: {  	p0 =	sne.s32 s0, $0x0;
	s0 =	rddreg [dreg:$0x3]  }
0xfd: {  	s0 =	sadd.s32 @!p0 $0x100000, s0  }
0xfe: {  	[sflag:s0] =	ssyncadd.tile.s32 @!p0 $0x1;
	_ =	shalt  }
.Lfunc_end2:
_tile_overlayer_lowered:
.L_overlay_start_2:
0xff: {  	(tag) =	ssettag $0x2  }
0x100: {  	s0 =	rddreg [dreg:$0x0];
	s2 =	stileid.u32  }
0x101: {  	s1 =	rddreg [dreg:$0x1];
	p0 =	sne.s32 s2, $0x0  }
0x102: {  	s3 =	rddreg [dreg:$0x2];
	[bflag:$0x3] =	sbarrier.arrive $0xFFFF;
	s2 =	simm.s32 @!p0 $0x1C01  }
0x103: {  	[timem:s3], [sflag:s2] =	dma.local @!p0 [hbm:s0], s1  }
0x104: {  	s0 =	simm.s32 @!p0 $0x1  }
0x105: {  	_ =	swait.ge @!p0 [sflag:s0], s1  }
0x106: {  	s1 =	ssub.s32 @!p0 $0x0, s1;
	[sflag:s0] =	ssyncset.done @!p0 $0x0  }
0x107: {  	[sflag:s0] =	ssyncadd.s32 @!p0 s1  }
0x108: {  	[bflag:$0x3] =	sbarrier.arrive $0xFFFF  }
0x109: {  	_ =	shalt  }

</sc_bundles>
